<compile_context>
chip_gen: v7x
topology: tpu7x:2x2x1
jax: 0.10.2.dev20260603
libtpu: 0.0.44.dev20260713+nightly
codegen_flags: <defaults>
</compile_context>

<pallas_src>
import functools

import jax
import jax.numpy as jnp
from jax import lax
from jax.experimental import pallas as pl
from jax.experimental.pallas import tpu as pltpu
from jax.experimental.pallas import tpu_sc as plsc

N = 10000
E = 160000
F = 128
FLAT = 3 * F
INV_SQRT_DEG = 1.0 / 50.0 ** 0.5

NS = 16
CH = 80
NBUF = 4
NA = (E // NS) // CH
NB = (E // 2 // NS) // CH
NB_EXTRA = (E // 2 - NS * NB * CH) // CH
NPAD = 10240
ROWS_PER_TILE = NPAD // NS
WB = 32
NWB = ROWS_PER_TILE // WB


def _seg_sum_sc_build():
    mesh = plsc.VectorSubcoreMesh(core_axis_name="c", subcore_axis_name="s")

    @functools.partial(
        pl.kernel,
        mesh=mesh,
        out_type=(
            jax.ShapeDtypeStruct((NPAD, 2 * F), jnp.float32),
            jax.ShapeDtypeStruct((2, NPAD, F), jnp.float32),
        ),
        scratch_types=(
            [pltpu.VMEM((CH,), jnp.int32) for _ in range(NBUF)]
            + [pltpu.VMEM((CH, F), jnp.float32) for _ in range(NBUF)]
            + [pltpu.VMEM((WB, F), jnp.float32),
               pltpu.VMEM_SHARED((NPAD, F), jnp.float32)]
            + [pltpu.SemaphoreType.DMA for _ in range(3 * NBUF)]
        ),
    )
    def seg_sum(msgs_hbm, idx_hbm, out01_hbm, out2_hbm, *scr):
        idx_bufs = scr[0:NBUF]
        row_bufs = scr[NBUF:2 * NBUF]
        zero_v = scr[2 * NBUF]
        acc = scr[2 * NBUF + 1]
        sem_gi = scr[2 * NBUF + 2:2 * NBUF + 2 + NBUF]
        sem_gr = scr[2 * NBUF + 2 + NBUF:2 * NBUF + 2 + 2 * NBUF]
        sem_s = scr[2 * NBUF + 2 + 2 * NBUF:]

        c = lax.axis_index("c")
        s = lax.axis_index("s")
        r0 = s * ROWS_PER_TILE

        zeros16 = jnp.zeros((16,), jnp.float32)

        def zrow(i, carry):
            def zcol(j, inner):
                zero_v[i, pl.ds(j * 16, 16)] = zeros16
                return inner
            return lax.fori_loop(0, F // 16, zcol, carry)

        lax.fori_loop(0, WB, zrow, 0)

        def zero_acc():
            for k in range(NWB):
                pltpu.sync_copy(zero_v, acc.at[pl.ds(r0 + k * WB, WB)])

        def make_ops(base, plane):
            def gather(i, b):
                e0 = base + i * CH
                pltpu.async_copy(
                    idx_hbm.at[pl.ds(e0, CH)], idx_bufs[b], sem_gi[b])
                pltpu.async_copy(
                    msgs_hbm.at[plane, pl.ds(e0, CH)], row_bufs[b], sem_gr[b])

            def wait_gather(i, b):
                e0 = base + i * CH
                pltpu.make_async_copy(
                    idx_hbm.at[pl.ds(e0, CH)], idx_bufs[b], sem_gi[b]).wait()
                pltpu.make_async_copy(
                    msgs_hbm.at[plane, pl.ds(e0, CH)], row_bufs[b],
                    sem_gr[b]).wait()

            def scatter(b):
                pltpu.async_copy(row_bufs[b], acc.at[idx_bufs[b]], sem_s[b],
                                 add=True)

            def wait_scatter(b):
                pltpu.make_async_copy(row_bufs[b], acc.at[idx_bufs[b]],
                                      sem_s[b]).wait()

            return gather, wait_gather, scatter, wait_scatter

        def pipeline(nchunk, base, plane):
            gather, wait_gather, scatter, wait_scatter = make_ops(base, plane)
            gather(0, 0)
            gather(1, 1)

            def body(g, carry):
                for b in range(NBUF):
                    k = g * NBUF + b
                    b2 = (b + 2) % NBUF
                    if b < 2:
                        @pl.when(g > 0)
                        def _():
                            wait_scatter(b2)
                            gather(k + 2, b2)

                        @pl.when(g == 0)
                        def _():
                            gather(k + 2, b2)
                    else:
                        wait_scatter(b2)
                        if b == 3:
                            @pl.when(k + 2 < nchunk)
                            def _():
                                gather(k + 2, b2)
                        else:
                            gather(k + 2, b2)
                    wait_gather(k, b)
                    scatter(b)
                return carry

            lax.fori_loop(0, nchunk // NBUF, body, 0)
            for k in range(nchunk - nchunk % NBUF, nchunk):
                b = k % NBUF
                wait_scatter((k + 2) % NBUF)
                wait_gather(k, b)
                scatter(b)
            wait_scatter((nchunk - 2) % NBUF)
            wait_scatter((nchunk - 1) % NBUF)

        zero_acc()
        plsc.subcore_barrier()
        pipeline(NA, s * (E // NS), c)
        plsc.subcore_barrier()

        pltpu.sync_copy(
            acc.at[pl.ds(r0, ROWS_PER_TILE)],
            out01_hbm.at[pl.ds(r0, ROWS_PER_TILE), pl.ds(c * F, F)])
        zero_acc()
        plsc.subcore_barrier()

        base_b = c * (E // 2)
        pipeline(NB, base_b + s * (NB * CH), 2)

        @pl.when(s < NB_EXTRA)
        def _extra():
            gather, wait_gather, scatter, wait_scatter = make_ops(
                base_b + NS * NB * CH + s * CH, 2)
            gather(0, 0)
            wait_gather(0, 0)
            scatter(0)
            wait_scatter(0)

        plsc.subcore_barrier()

        pltpu.sync_copy(acc.at[pl.ds(r0, ROWS_PER_TILE)],
                        out2_hbm.at[c, pl.ds(r0, ROWS_PER_TILE)])

    return seg_sum


_seg_sum_sc = _seg_sum_sc_build()

_BLK = 2000


def _mlp_kernel(denA_ref, den2a_ref, den2b_ref, wl1_ref, bs1_ref, ws2_ref,
                bs2_ref, out_ref, zero_ref, sw_ref):
    @pl.when(pl.program_id(0) == 0)
    def _init():
        h = jax.nn.silu(bs1_ref[...])
        alpha = jnp.dot(h, ws2_ref[...].T,
                        preferred_element_type=jnp.float32) + bs2_ref[...]
        sw_ref[...] = wl1_ref[...].T * (alpha * INV_SQRT_DEG)

    sw = sw_ref[...]
    out_ref[0] = jnp.dot(denA_ref[:, :F], sw,
                         preferred_element_type=jnp.float32)
    out_ref[1] = jnp.dot(denA_ref[:, F:], sw,
                         preferred_element_type=jnp.float32)
    out_ref[2] = jnp.dot(den2a_ref[0] + den2b_ref[0], sw,
                         preferred_element_type=jnp.float32)
    zero_ref[...] = jnp.zeros_like(zero_ref)


_mlp = pl.pallas_call(
    _mlp_kernel,
    grid=(N // _BLK,),
    in_specs=[
        pl.BlockSpec((_BLK, 2 * F), lambda i: (i, 0)),
        pl.BlockSpec((1, _BLK, F), lambda i: (0, i, 0)),
        pl.BlockSpec((1, _BLK, F), lambda i: (1, i, 0)),
        pl.BlockSpec((F, F), lambda i: (0, 0)),
        pl.BlockSpec((1, F), lambda i: (0, 0)),
        pl.BlockSpec((F, F), lambda i: (0, 0)),
        pl.BlockSpec((1, F), lambda i: (0, 0)),
    ],
    out_specs=[
        pl.BlockSpec((3, _BLK, F), lambda i: (0, i, 0)),
        pl.BlockSpec((_BLK, F), lambda i: (i, 0)),
    ],
    out_shape=[
        jax.ShapeDtypeStruct((3, N, F), jnp.float32),
        jax.ShapeDtypeStruct((N, F), jnp.float32),
    ],
    scratch_shapes=[pltpu.VMEM((F, F), jnp.float32)],
)


def kernel(msgs_0, msgs_1, index, num_nodes, W1, b1, W2, b2, W_L1, Ws1, bs1,
           Ws2, bs2):
    del msgs_0, num_nodes, W1, b1, W2, b2, Ws1
    msgs_t = jnp.transpose(msgs_1, (1, 0, 2))
    denA, den2 = _seg_sum_sc(msgs_t, index)
    out, delta_h0 = _mlp(denA, den2, den2, W_L1, bs1.reshape(1, F), Ws2,
                         bs2.reshape(1, F))
    delta_h1 = jnp.transpose(out, (1, 0, 2))
    return (delta_h0, delta_h1)

# --- scband reference (transcript-rebuilt; emitter-appended) ---
"""Pipeline reference for scband-cartesian-density-block-27943057228070 (READ-ONLY COPY).

The authoritative reference and input builder live on the scoring server;
editing this copy changes nothing except your own understanding.
"""

import jax, jax.numpy as jnp
import numpy as np

N = 10000
E = 160000
F = 128
IN_DIM = 2 * F  # use_L0 + use_L1
SCALE_OUT = F   # use_L1 only
INV_SQRT_DEG = 1.0 / 50.0 ** 0.5


def setup_inputs(seed: int = 0) -> dict:
    key = jax.random.key(seed)
    ks = jax.random.split(key, 12)
    msgs_0 = jax.random.normal(ks[0], (E, F), dtype=jnp.float32)
    msgs_1 = jax.random.normal(ks[1], (E, 3, F), dtype=jnp.float32)
    index = jax.random.randint(ks[2], (E,), 0, N, dtype=jnp.int64) if jax.config.jax_enable_x64 else jax.random.randint(ks[2], (E,), 0, N, dtype=jnp.int32)
    # learned params (torch nn.Linear layout: W [out, in], y = x @ W.T + b)
    W1 = jax.random.normal(ks[3], (F, IN_DIM), dtype=jnp.float32) / np.sqrt(IN_DIM)
    b1 = jnp.zeros((F,), dtype=jnp.float32)
    W2 = jax.random.normal(ks[4], (F, F), dtype=jnp.float32) / np.sqrt(F)
    b2 = jnp.zeros((F,), dtype=jnp.float32)
    W_L1 = jax.random.normal(ks[5], (F, F), dtype=jnp.float32) / np.sqrt(F)
    Ws1 = jax.random.normal(ks[6], (F, F), dtype=jnp.float32) / np.sqrt(F)
    bs1 = jax.random.normal(ks[7], (F,), dtype=jnp.float32) * 0.1
    Ws2 = jax.random.normal(ks[8], (SCALE_OUT, F), dtype=jnp.float32) / np.sqrt(F)
    bs2 = jax.random.normal(ks[9], (SCALE_OUT,), dtype=jnp.float32) * 0.1
    return {"msgs_0": msgs_0, "msgs_1": msgs_1, "index": index, "num_nodes": N,
            "W1": W1, "b1": b1, "W2": W2, "b2": b2, "W_L1": W_L1,
            "Ws1": Ws1, "bs1": bs1, "Ws2": Ws2, "bs2": bs2}


def reference(msgs_0, msgs_1, index, num_nodes, W1, b1, W2, b2, W_L1, Ws1, bs1, Ws2, bs2):
    # scatter_add aggregation of per-edge messages to destination nodes
    den0 = jax.ops.segment_sum(msgs_0, index, num_segments=N) * INV_SQRT_DEG  # [N, F]
    den1 = jax.ops.segment_sum(msgs_1, index, num_segments=N) * INV_SQRT_DEG  # [N, 3, F]
    # compute_invariants (computed in the torch eager path, but the original code
    # guards the MLP on an always-empty list, so concat is unused downstream)
    norm1 = jnp.sqrt(jnp.sum(den1 ** 2, axis=1) + 1e-08)  # [N, F]
    concat = jnp.concatenate([den0, norm1], axis=-1)  # [N, 2F], dead value (faithful to bug)
    del concat
    # `if invariants:` is always False in the original -> delta_h0 = zeros
    delta_h0 = jnp.zeros((N, F), dtype=jnp.float32) * (1 + 0 * num_nodes)
    # scale_mlp(delta_h0)
    h = jax.nn.silu(delta_h0 @ Ws1.T + bs1)
    scales = h @ Ws2.T + bs2  # [N, SCALE_OUT]
    alpha1 = scales[:, 0:F]
    h1_mixed = den1 @ W_L1.T  # [N, 3, F]
    delta_h1 = h1_mixed * alpha1[:, None, :]
    return (delta_h0, delta_h1)

if __name__ == "__main__":
    import jax
    _d = setup_inputs()
    print(jax.jit(kernel)(*tuple(_d.values())))

</pallas_src>

<mosaic_0001>
#map = affine_map<(d0, d1) -> (0, 0, 0)>
#map1 = affine_map<(d0, d1) -> (0)>
#map2 = affine_map<(d0, d1) -> (0, 0)>
module attributes {stable_mosaic.version = 14 : i64} {
  func.func @seg_sum(%arg0: i32, %arg1: i32, %arg2: memref<3x160000x128xf32, #tpu.memory_space<hbm>>, %arg3: memref<160000xi32, #tpu.memory_space<hbm>>, %arg4: memref<10240x256xf32, #tpu.memory_space<hbm>>, %arg5: memref<2x10240x128xf32, #tpu.memory_space<hbm>>, %arg6: memref<80xi32, #tpu.memory_space<vmem>>, %arg7: memref<80xi32, #tpu.memory_space<vmem>>, %arg8: memref<80xi32, #tpu.memory_space<vmem>>, %arg9: memref<80xi32, #tpu.memory_space<vmem>>, %arg10: memref<80x128xf32, #tpu.memory_space<vmem>>, %arg11: memref<80x128xf32, #tpu.memory_space<vmem>>, %arg12: memref<80x128xf32, #tpu.memory_space<vmem>>, %arg13: memref<80x128xf32, #tpu.memory_space<vmem>>, %arg14: memref<32x128xf32, #tpu.memory_space<vmem>>, %arg15: memref<10240x128xf32, #tpu.memory_space<vmem_shared>>, %arg16: memref<!tpu.dma_semaphore, #tpu.memory_space<semaphore_mem>>, %arg17: memref<!tpu.dma_semaphore, #tpu.memory_space<semaphore_mem>>, %arg18: memref<!tpu.dma_semaphore, #tpu.memory_space<semaphore_mem>>, %arg19: memref<!tpu.dma_semaphore, #tpu.memory_space<semaphore_mem>>, %arg20: memref<!tpu.dma_semaphore, #tpu.memory_space<semaphore_mem>>, %arg21: memref<!tpu.dma_semaphore, #tpu.memory_space<semaphore_mem>>, %arg22: memref<!tpu.dma_semaphore, #tpu.memory_space<semaphore_mem>>, %arg23: memref<!tpu.dma_semaphore, #tpu.memory_space<semaphore_mem>>, %arg24: memref<!tpu.dma_semaphore, #tpu.memory_space<semaphore_mem>>, %arg25: memref<!tpu.dma_semaphore, #tpu.memory_space<semaphore_mem>>, %arg26: memref<!tpu.dma_semaphore, #tpu.memory_space<semaphore_mem>>, %arg27: memref<!tpu.dma_semaphore, #tpu.memory_space<semaphore_mem>>) attributes {dimension_semantics = [#tpu.dimension_semantics<core_parallel>, #tpu.dimension_semantics<subcore_parallel>], iteration_bounds = array<i64: 2, 16>, scalar_prefetch = 0 : i64, scratch_operands = 22 : i64, tpu.core_type = #tpu.core_type<sc_vector_subcore>, window_params = [{transform_indices = #map}, {transform_indices = #map1}, {transform_indices = #map2}, {transform_indices = #map}]} {
    %mul3A = arith.constant 640 : i32
    %mul3A_0 = arith.muli %arg1, %mul3A : i32
    %broadcast_in_dim3A = arith.constant 0.000000e+00 : f32
    %broadcast_in_dim3A_1 = vector.broadcast %broadcast_in_dim3A : f32 to vector<16xf32>
    %scan3A = arith.constant 0 : i32
    %scan3A_2 = arith.constant 0 : i32
    %scan3A_3 = arith.constant 32 : i32
    %scan3A_4 = arith.addi %scan3A_2, %scan3A_3 : i32
    %scan3A_5 = arith.constant 1 : i32
    scf.for %scan3A_214 = %scan3A_2 to %scan3A_4 step %scan3A_5  : i32 {
      %scan3A_215 = arith.constant 0 : i32
      %scan3A_216 = arith.constant 8 : i32
      %scan3A_217 = arith.addi %scan3A_215, %scan3A_216 : i32
      %scan3A_218 = arith.constant 1 : i32
      scf.for %scan3A_220 = %scan3A_215 to %scan3A_217 step %scan3A_218  : i32 {
        %mul3A_221 = arith.constant 16 : i32
        %mul3A_222 = arith.muli %scan3A_220, %mul3A_221 : i32
        %swap3A = arith.index_cast %scan3A_214 : i32 to index
        %swap3A_223 = arith.index_cast %mul3A_222 : i32 to index
        %swap3A_224 = tpu.vector_load %arg14[%swap3A, %swap3A_223] {strides = array<i32>} : memref<32x128xf32, #tpu.memory_space<vmem>>, vector<1x16xf32>,
        %swap3A_225 = vector.shape_cast %swap3A_224 : vector<1x16xf32> to vector<16xf32>
        %swap3A_226 = vector.shape_cast %broadcast_in_dim3A_1 : vector<16xf32> to vector<1x16xf32>
        tpu.vector_store %arg14[%swap3A, %swap3A_223], %swap3A_226 {strides = array<i32>} : memref<32x128xf32, #tpu.memory_space<vmem>>, vector<1x16xf32>,
      }
      %scan3A_219 = arith.constant 8 : i32
    }
    %scan3A_6 = arith.constant 32 : i32
    %add3A = arith.constant 0 : i32
    %add3A_7 = arith.addi %mul3A_0, %add3A : i32
    "tpu.region"() ({
      %run_scoped3A = tpu.sem_alloc : memref<!tpu.dma_semaphore, #tpu.memory_space<semaphore_mem>>
      %dma_start3A_214 = arith.constant 0 : i32
      %dma_start3A_215 = tpu.memref_slice %arg15[%add3A_7, %dma_start3A_214] : memref<10240x128xf32, #tpu.memory_space<vmem_shared>> -> memref<32x128xf32, #tpu.memory_space<vmem_shared>>
      %dma_start3A_216 = arith.constant 0 : i32
      %dma_start3A_217 = tpu.memref_slice %arg15[%add3A_7, %dma_start3A_216] : memref<10240x128xf32, #tpu.memory_space<vmem_shared>> -> memref<32x128xf32, #tpu.memory_space<vmem_shared>>
      tpu.enqueue_dma source(%arg14 : memref<32x128xf32, #tpu.memory_space<vmem>>) target(%dma_start3A_217 : memref<32x128xf32, #tpu.memory_space<vmem_shared>>) target_semaphore(%run_scoped3A : memref<!tpu.dma_semaphore, #tpu.memory_space<semaphore_mem>>)
      %dma_wait3A_218 = arith.constant 0 : i32
      %dma_wait3A_219 = tpu.memref_slice %arg15[%add3A_7, %dma_wait3A_218] : memref<10240x128xf32, #tpu.memory_space<vmem_shared>> -> memref<32x128xf32, #tpu.memory_space<vmem_shared>>
      %dma_wait3A_220 = arith.constant 0 : i32
      %dma_wait3A_221 = tpu.memref_slice %arg15[%add3A_7, %dma_wait3A_220] : memref<10240x128xf32, #tpu.memory_space<vmem_shared>> -> memref<32x128xf32, #tpu.memory_space<vmem_shared>>
      tpu.wait_dma2 semaphore(%run_scoped3A : memref<!tpu.dma_semaphore, #tpu.memory_space<semaphore_mem>>) src(%arg14 : memref<32x128xf32, #tpu.memory_space<vmem>>) dst(%dma_wait3A_221 : memref<32x128xf32, #tpu.memory_space<vmem_shared>>)
      tpu.yield
    }) : () -> ()
    %add3A_8 = arith.constant 32 : i32
    %add3A_9 = arith.addi %mul3A_0, %add3A_8 : i32
    "tpu.region"() ({
      %run_scoped3A = tpu.sem_alloc : memref<!tpu.dma_semaphore, #tpu.memory_space<semaphore_mem>>
      %dma_start3A_214 = arith.constant 0 : i32
      %dma_start3A_215 = tpu.memref_slice %arg15[%add3A_9, %dma_start3A_214] : memref<10240x128xf32, #tpu.memory_space<vmem_shared>> -> memref<32x128xf32, #tpu.memory_space<vmem_shared>>
      %dma_start3A_216 = arith.constant 0 : i32
      %dma_start3A_217 = tpu.memref_slice %arg15[%add3A_9, %dma_start3A_216] : memref<10240x128xf32, #tpu.memory_space<vmem_shared>> -> memref<32x128xf32, #tpu.memory_space<vmem_shared>>
      tpu.enqueue_dma source(%arg14 : memref<32x128xf32, #tpu.memory_space<vmem>>) target(%dma_start3A_217 : memref<32x128xf32, #tpu.memory_space<vmem_shared>>) target_semaphore(%run_scoped3A : memref<!tpu.dma_semaphore, #tpu.memory_space<semaphore_mem>>)
      %dma_wait3A_218 = arith.constant 0 : i32
      %dma_wait3A_219 = tpu.memref_slice %arg15[%add3A_9, %dma_wait3A_218] : memref<10240x128xf32, #tpu.memory_space<vmem_shared>> -> memref<32x128xf32, #tpu.memory_space<vmem_shared>>
      %dma_wait3A_220 = arith.constant 0 : i32
      %dma_wait3A_221 = tpu.memref_slice %arg15[%add3A_9, %dma_wait3A_220] : memref<10240x128xf32, #tpu.memory_space<vmem_shared>> -> memref<32x128xf32, #tpu.memory_space<vmem_shared>>
      tpu.wait_dma2 semaphore(%run_scoped3A : memref<!tpu.dma_semaphore, #tpu.memory_space<semaphore_mem>>) src(%arg14 : memref<32x128xf32, #tpu.memory_space<vmem>>) dst(%dma_wait3A_221 : memref<32x128xf32, #tpu.memory_space<vmem_shared>>)
      tpu.yield
    }) : () -> ()
    %add3A_10 = arith.constant 64 : i32
    %add3A_11 = arith.addi %mul3A_0, %add3A_10 : i32
    "tpu.region"() ({
      %run_scoped3A = tpu.sem_alloc : memref<!tpu.dma_semaphore, #tpu.memory_space<semaphore_mem>>
      %dma_start3A_214 = arith.constant 0 : i32
      %dma_start3A_215 = tpu.memref_slice %arg15[%add3A_11, %dma_start3A_214] : memref<10240x128xf32, #tpu.memory_space<vmem_shared>> -> memref<32x128xf32, #tpu.memory_space<vmem_shared>>
      %dma_start3A_216 = arith.constant 0 : i32
      %dma_start3A_217 = tpu.memref_slice %arg15[%add3A_11, %dma_start3A_216] : memref<10240x128xf32, #tpu.memory_space<vmem_shared>> -> memref<32x128xf32, #tpu.memory_space<vmem_shared>>
      tpu.enqueue_dma source(%arg14 : memref<32x128xf32, #tpu.memory_space<vmem>>) target(%dma_start3A_217 : memref<32x128xf32, #tpu.memory_space<vmem_shared>>) target_semaphore(%run_scoped3A : memref<!tpu.dma_semaphore, #tpu.memory_space<semaphore_mem>>)
      %dma_wait3A_218 = arith.constant 0 : i32
      %dma_wait3A_219 = tpu.memref_slice %arg15[%add3A_11, %dma_wait3A_218] : memref<10240x128xf32, #tpu.memory_space<vmem_shared>> -> memref<32x128xf32, #tpu.memory_space<vmem_shared>>
      %dma_wait3A_220 = arith.constant 0 : i32
      %dma_wait3A_221 = tpu.memref_slice %arg15[%add3A_11, %dma_wait3A_220] : memref<10240x128xf32, #tpu.memory_space<vmem_shared>> -> memref<32x128xf32, #tpu.memory_space<vmem_shared>>
      tpu.wait_dma2 semaphore(%run_scoped3A : memref<!tpu.dma_semaphore, #tpu.memory_space<semaphore_mem>>) src(%arg14 : memref<32x128xf32, #tpu.memory_space<vmem>>) dst(%dma_wait3A_221 : memref<32x128xf32, #tpu.memory_space<vmem_shared>>)
      tpu.yield
    }) : () -> ()
    %add3A_12 = arith.constant 96 : i32
    %add3A_13 = arith.addi %mul3A_0, %add3A_12 : i32
    "tpu.region"() ({
      %run_scoped3A = tpu.sem_alloc : memref<!tpu.dma_semaphore, #tpu.memory_space<semaphore_mem>>
      %dma_start3A_214 = arith.constant 0 : i32
      %dma_start3A_215 = tpu.memref_slice %arg15[%add3A_13, %dma_start3A_214] : memref<10240x128xf32, #tpu.memory_space<vmem_shared>> -> memref<32x128xf32, #tpu.memory_space<vmem_shared>>
      %dma_start3A_216 = arith.constant 0 : i32
      %dma_start3A_217 = tpu.memref_slice %arg15[%add3A_13, %dma_start3A_216] : memref<10240x128xf32, #tpu.memory_space<vmem_shared>> -> memref<32x128xf32, #tpu.memory_space<vmem_shared>>
      tpu.enqueue_dma source(%arg14 : memref<32x128xf32, #tpu.memory_space<vmem>>) target(%dma_start3A_217 : memref<32x128xf32, #tpu.memory_space<vmem_shared>>) target_semaphore(%run_scoped3A : memref<!tpu.dma_semaphore, #tpu.memory_space<semaphore_mem>>)
      %dma_wait3A_218 = arith.constant 0 : i32
      %dma_wait3A_219 = tpu.memref_slice %arg15[%add3A_13, %dma_wait3A_218] : memref<10240x128xf32, #tpu.memory_space<vmem_shared>> -> memref<32x128xf32, #tpu.memory_space<vmem_shared>>
      %dma_wait3A_220 = arith.constant 0 : i32
      %dma_wait3A_221 = tpu.memref_slice %arg15[%add3A_13, %dma_wait3A_220] : memref<10240x128xf32, #tpu.memory_space<vmem_shared>> -> memref<32x128xf32, #tpu.memory_space<vmem_shared>>
      tpu.wait_dma2 semaphore(%run_scoped3A : memref<!tpu.dma_semaphore, #tpu.memory_space<semaphore_mem>>) src(%arg14 : memref<32x128xf32, #tpu.memory_space<vmem>>) dst(%dma_wait3A_221 : memref<32x128xf32, #tpu.memory_space<vmem_shared>>)
      tpu.yield
    }) : () -> ()
    %add3A_14 = arith.constant 128 : i32
    %add3A_15 = arith.addi %mul3A_0, %add3A_14 : i32
    "tpu.region"() ({
      %run_scoped3A = tpu.sem_alloc : memref<!tpu.dma_semaphore, #tpu.memory_space<semaphore_mem>>
      %dma_start3A_214 = arith.constant 0 : i32
      %dma_start3A_215 = tpu.memref_slice %arg15[%add3A_15, %dma_start3A_214] : memref<10240x128xf32, #tpu.memory_space<vmem_shared>> -> memref<32x128xf32, #tpu.memory_space<vmem_shared>>
      %dma_start3A_216 = arith.constant 0 : i32
      %dma_start3A_217 = tpu.memref_slice %arg15[%add3A_15, %dma_start3A_216] : memref<10240x128xf32, #tpu.memory_space<vmem_shared>> -> memref<32x128xf32, #tpu.memory_space<vmem_shared>>
      tpu.enqueue_dma source(%arg14 : memref<32x128xf32, #tpu.memory_space<vmem>>) target(%dma_start3A_217 : memref<32x128xf32, #tpu.memory_space<vmem_shared>>) target_semaphore(%run_scoped3A : memref<!tpu.dma_semaphore, #tpu.memory_space<semaphore_mem>>)
      %dma_wait3A_218 = arith.constant 0 : i32
      %dma_wait3A_219 = tpu.memref_slice %arg15[%add3A_15, %dma_wait3A_218] : memref<10240x128xf32, #tpu.memory_space<vmem_shared>> -> memref<32x128xf32, #tpu.memory_space<vmem_shared>>
      %dma_wait3A_220 = arith.constant 0 : i32
      %dma_wait3A_221 = tpu.memref_slice %arg15[%add3A_15, %dma_wait3A_220] : memref<10240x128xf32, #tpu.memory_space<vmem_shared>> -> memref<32x128xf32, #tpu.memory_space<vmem_shared>>
      tpu.wait_dma2 semaphore(%run_scoped3A : memref<!tpu.dma_semaphore, #tpu.memory_space<semaphore_mem>>) src(%arg14 : memref<32x128xf32, #tpu.memory_space<vmem>>) dst(%dma_wait3A_221 : memref<32x128xf32, #tpu.memory_space<vmem_shared>>)
      tpu.yield
    }) : () -> ()
    %add3A_16 = arith.constant 160 : i32
    %add3A_17 = arith.addi %mul3A_0, %add3A_16 : i32
    "tpu.region"() ({
      %run_scoped3A = tpu.sem_alloc : memref<!tpu.dma_semaphore, #tpu.memory_space<semaphore_mem>>
      %dma_start3A_214 = arith.constant 0 : i32
      %dma_start3A_215 = tpu.memref_slice %arg15[%add3A_17, %dma_start3A_214] : memref<10240x128xf32, #tpu.memory_space<vmem_shared>> -> memref<32x128xf32, #tpu.memory_space<vmem_shared>>
      %dma_start3A_216 = arith.constant 0 : i32
      %dma_start3A_217 = tpu.memref_slice %arg15[%add3A_17, %dma_start3A_216] : memref<10240x128xf32, #tpu.memory_space<vmem_shared>> -> memref<32x128xf32, #tpu.memory_space<vmem_shared>>
      tpu.enqueue_dma source(%arg14 : memref<32x128xf32, #tpu.memory_space<vmem>>) target(%dma_start3A_217 : memref<32x128xf32, #tpu.memory_space<vmem_shared>>) target_semaphore(%run_scoped3A : memref<!tpu.dma_semaphore, #tpu.memory_space<semaphore_mem>>)
      %dma_wait3A_218 = arith.constant 0 : i32
      %dma_wait3A_219 = tpu.memref_slice %arg15[%add3A_17, %dma_wait3A_218] : memref<10240x128xf32, #tpu.memory_space<vmem_shared>> -> memref<32x128xf32, #tpu.memory_space<vmem_shared>>
      %dma_wait3A_220 = arith.constant 0 : i32
      %dma_wait3A_221 = tpu.memref_slice %arg15[%add3A_17, %dma_wait3A_220] : memref<10240x128xf32, #tpu.memory_space<vmem_shared>> -> memref<32x128xf32, #tpu.memory_space<vmem_shared>>
      tpu.wait_dma2 semaphore(%run_scoped3A : memref<!tpu.dma_semaphore, #tpu.memory_space<semaphore_mem>>) src(%arg14 : memref<32x128xf32, #tpu.memory_space<vmem>>) dst(%dma_wait3A_221 : memref<32x128xf32, #tpu.memory_space<vmem_shared>>)
      tpu.yield
    }) : () -> ()
    %add3A_18 = arith.constant 192 : i32
    %add3A_19 = arith.addi %mul3A_0, %add3A_18 : i32
    "tpu.region"() ({
      %run_scoped3A = tpu.sem_alloc : memref<!tpu.dma_semaphore, #tpu.memory_space<semaphore_mem>>
      %dma_start3A_214 = arith.constant 0 : i32
      %dma_start3A_215 = tpu.memref_slice %arg15[%add3A_19, %dma_start3A_214] : memref<10240x128xf32, #tpu.memory_space<vmem_shared>> -> memref<32x128xf32, #tpu.memory_space<vmem_shared>>
      %dma_start3A_216 = arith.constant 0 : i32
      %dma_start3A_217 = tpu.memref_slice %arg15[%add3A_19, %dma_start3A_216] : memref<10240x128xf32, #tpu.memory_space<vmem_shared>> -> memref<32x128xf32, #tpu.memory_space<vmem_shared>>
      tpu.enqueue_dma source(%arg14 : memref<32x128xf32, #tpu.memory_space<vmem>>) target(%dma_start3A_217 : memref<32x128xf32, #tpu.memory_space<vmem_shared>>) target_semaphore(%run_scoped3A : memref<!tpu.dma_semaphore, #tpu.memory_space<semaphore_mem>>)
      %dma_wait3A_218 = arith.constant 0 : i32
      %dma_wait3A_219 = tpu.memref_slice %arg15[%add3A_19, %dma_wait3A_218] : memref<10240x128xf32, #tpu.memory_space<vmem_shared>> -> memref<32x128xf32, #tpu.memory_space<vmem_shared>>
      %dma_wait3A_220 = arith.constant 0 : i32
      %dma_wait3A_221 = tpu.memref_slice %arg15[%add3A_19, %dma_wait3A_220] : memref<10240x128xf32, #tpu.memory_space<vmem_shared>> -> memref<32x128xf32, #tpu.memory_space<vmem_shared>>
      tpu.wait_dma2 semaphore(%run_scoped3A : memref<!tpu.dma_semaphore, #tpu.memory_space<semaphore_mem>>) src(%arg14 : memref<32x128xf32, #tpu.memory_space<vmem>>) dst(%dma_wait3A_221 : memref<32x128xf32, #tpu.memory_space<vmem_shared>>)
      tpu.yield
    }) : () -> ()
    %add3A_20 = arith.constant 224 : i32
    %add3A_21 = arith.addi %mul3A_0, %add3A_20 : i32
    "tpu.region"() ({
      %run_scoped3A = tpu.sem_alloc : memref<!tpu.dma_semaphore, #tpu.memory_space<semaphore_mem>>
      %dma_start3A_214 = arith.constant 0 : i32
      %dma_start3A_215 = tpu.memref_slice %arg15[%add3A_21, %dma_start3A_214] : memref<10240x128xf32, #tpu.memory_space<vmem_shared>> -> memref<32x128xf32, #tpu.memory_space<vmem_shared>>
      %dma_start3A_216 = arith.constant 0 : i32
      %dma_start3A_217 = tpu.memref_slice %arg15[%add3A_21, %dma_start3A_216] : memref<10240x128xf32, #tpu.memory_space<vmem_shared>> -> memref<32x128xf32, #tpu.memory_space<vmem_shared>>
      tpu.enqueue_dma source(%arg14 : memref<32x128xf32, #tpu.memory_space<vmem>>) target(%dma_start3A_217 : memref<32x128xf32, #tpu.memory_space<vmem_shared>>) target_semaphore(%run_scoped3A : memref<!tpu.dma_semaphore, #tpu.memory_space<semaphore_mem>>)
      %dma_wait3A_218 = arith.constant 0 : i32
      %dma_wait3A_219 = tpu.memref_slice %arg15[%add3A_21, %dma_wait3A_218] : memref<10240x128xf32, #tpu.memory_space<vmem_shared>> -> memref<32x128xf32, #tpu.memory_space<vmem_shared>>
      %dma_wait3A_220 = arith.constant 0 : i32
      %dma_wait3A_221 = tpu.memref_slice %arg15[%add3A_21, %dma_wait3A_220] : memref<10240x128xf32, #tpu.memory_space<vmem_shared>> -> memref<32x128xf32, #tpu.memory_space<vmem_shared>>
      tpu.wait_dma2 semaphore(%run_scoped3A : memref<!tpu.dma_semaphore, #tpu.memory_space<semaphore_mem>>) src(%arg14 : memref<32x128xf32, #tpu.memory_space<vmem>>) dst(%dma_wait3A_221 : memref<32x128xf32, #tpu.memory_space<vmem_shared>>)
      tpu.yield
    }) : () -> ()
    %add3A_22 = arith.constant 256 : i32
    %add3A_23 = arith.addi %mul3A_0, %add3A_22 : i32
    "tpu.region"() ({
      %run_scoped3A = tpu.sem_alloc : memref<!tpu.dma_semaphore, #tpu.memory_space<semaphore_mem>>
      %dma_start3A_214 = arith.constant 0 : i32
      %dma_start3A_215 = tpu.memref_slice %arg15[%add3A_23, %dma_start3A_214] : memref<10240x128xf32, #tpu.memory_space<vmem_shared>> -> memref<32x128xf32, #tpu.memory_space<vmem_shared>>
      %dma_start3A_216 = arith.constant 0 : i32
      %dma_start3A_217 = tpu.memref_slice %arg15[%add3A_23, %dma_start3A_216] : memref<10240x128xf32, #tpu.memory_space<vmem_shared>> -> memref<32x128xf32, #tpu.memory_space<vmem_shared>>
      tpu.enqueue_dma source(%arg14 : memref<32x128xf32, #tpu.memory_space<vmem>>) target(%dma_start3A_217 : memref<32x128xf32, #tpu.memory_space<vmem_shared>>) target_semaphore(%run_scoped3A : memref<!tpu.dma_semaphore, #tpu.memory_space<semaphore_mem>>)
      %dma_wait3A_218 = arith.constant 0 : i32
      %dma_wait3A_219 = tpu.memref_slice %arg15[%add3A_23, %dma_wait3A_218] : memref<10240x128xf32, #tpu.memory_space<vmem_shared>> -> memref<32x128xf32, #tpu.memory_space<vmem_shared>>
      %dma_wait3A_220 = arith.constant 0 : i32
      %dma_wait3A_221 = tpu.memref_slice %arg15[%add3A_23, %dma_wait3A_220] : memref<10240x128xf32, #tpu.memory_space<vmem_shared>> -> memref<32x128xf32, #tpu.memory_space<vmem_shared>>
      tpu.wait_dma2 semaphore(%run_scoped3A : memref<!tpu.dma_semaphore, #tpu.memory_space<semaphore_mem>>) src(%arg14 : memref<32x128xf32, #tpu.memory_space<vmem>>) dst(%dma_wait3A_221 : memref<32x128xf32, #tpu.memory_space<vmem_shared>>)
      tpu.yield
    }) : () -> ()
    %add3A_24 = arith.constant 288 : i32
    %add3A_25 = arith.addi %mul3A_0, %add3A_24 : i32
    "tpu.region"() ({
      %run_scoped3A = tpu.sem_alloc : memref<!tpu.dma_semaphore, #tpu.memory_space<semaphore_mem>>
      %dma_start3A_214 = arith.constant 0 : i32
      %dma_start3A_215 = tpu.memref_slice %arg15[%add3A_25, %dma_start3A_214] : memref<10240x128xf32, #tpu.memory_space<vmem_shared>> -> memref<32x128xf32, #tpu.memory_space<vmem_shared>>
      %dma_start3A_216 = arith.constant 0 : i32
      %dma_start3A_217 = tpu.memref_slice %arg15[%add3A_25, %dma_start3A_216] : memref<10240x128xf32, #tpu.memory_space<vmem_shared>> -> memref<32x128xf32, #tpu.memory_space<vmem_shared>>
      tpu.enqueue_dma source(%arg14 : memref<32x128xf32, #tpu.memory_space<vmem>>) target(%dma_start3A_217 : memref<32x128xf32, #tpu.memory_space<vmem_shared>>) target_semaphore(%run_scoped3A : memref<!tpu.dma_semaphore, #tpu.memory_space<semaphore_mem>>)
      %dma_wait3A_218 = arith.constant 0 : i32
      %dma_wait3A_219 = tpu.memref_slice %arg15[%add3A_25, %dma_wait3A_218] : memref<10240x128xf32, #tpu.memory_space<vmem_shared>> -> memref<32x128xf32, #tpu.memory_space<vmem_shared>>
      %dma_wait3A_220 = arith.constant 0 : i32
      %dma_wait3A_221 = tpu.memref_slice %arg15[%add3A_25, %dma_wait3A_220] : memref<10240x128xf32, #tpu.memory_space<vmem_shared>> -> memref<32x128xf32, #tpu.memory_space<vmem_shared>>
      tpu.wait_dma2 semaphore(%run_scoped3A : memref<!tpu.dma_semaphore, #tpu.memory_space<semaphore_mem>>) src(%arg14 : memref<32x128xf32, #tpu.memory_space<vmem>>) dst(%dma_wait3A_221 : memref<32x128xf32, #tpu.memory_space<vmem_shared>>)
      tpu.yield
    }) : () -> ()
    %add3A_26 = arith.constant 320 : i32
    %add3A_27 = arith.addi %mul3A_0, %add3A_26 : i32
    "tpu.region"() ({
      %run_scoped3A = tpu.sem_alloc : memref<!tpu.dma_semaphore, #tpu.memory_space<semaphore_mem>>
      %dma_start3A_214 = arith.constant 0 : i32
      %dma_start3A_215 = tpu.memref_slice %arg15[%add3A_27, %dma_start3A_214] : memref<10240x128xf32, #tpu.memory_space<vmem_shared>> -> memref<32x128xf32, #tpu.memory_space<vmem_shared>>
      %dma_start3A_216 = arith.constant 0 : i32
      %dma_start3A_217 = tpu.memref_slice %arg15[%add3A_27, %dma_start3A_216] : memref<10240x128xf32, #tpu.memory_space<vmem_shared>> -> memref<32x128xf32, #tpu.memory_space<vmem_shared>>
      tpu.enqueue_dma source(%arg14 : memref<32x128xf32, #tpu.memory_space<vmem>>) target(%dma_start3A_217 : memref<32x128xf32, #tpu.memory_space<vmem_shared>>) target_semaphore(%run_scoped3A : memref<!tpu.dma_semaphore, #tpu.memory_space<semaphore_mem>>)
      %dma_wait3A_218 = arith.constant 0 : i32
      %dma_wait3A_219 = tpu.memref_slice %arg15[%add3A_27, %dma_wait3A_218] : memref<10240x128xf32, #tpu.memory_space<vmem_shared>> -> memref<32x128xf32, #tpu.memory_space<vmem_shared>>
      %dma_wait3A_220 = arith.constant 0 : i32
      %dma_wait3A_221 = tpu.memref_slice %arg15[%add3A_27, %dma_wait3A_220] : memref<10240x128xf32, #tpu.memory_space<vmem_shared>> -> memref<32x128xf32, #tpu.memory_space<vmem_shared>>
      tpu.wait_dma2 semaphore(%run_scoped3A : memref<!tpu.dma_semaphore, #tpu.memory_space<semaphore_mem>>) src(%arg14 : memref<32x128xf32, #tpu.memory_space<vmem>>) dst(%dma_wait3A_221 : memref<32x128xf32, #tpu.memory_space<vmem_shared>>)
      tpu.yield
    }) : () -> ()
    %add3A_28 = arith.constant 352 : i32
    %add3A_29 = arith.addi %mul3A_0, %add3A_28 : i32
    "tpu.region"() ({
      %run_scoped3A = tpu.sem_alloc : memref<!tpu.dma_semaphore, #tpu.memory_space<semaphore_mem>>
      %dma_start3A_214 = arith.constant 0 : i32
      %dma_start3A_215 = tpu.memref_slice %arg15[%add3A_29, %dma_start3A_214] : memref<10240x128xf32, #tpu.memory_space<vmem_shared>> -> memref<32x128xf32, #tpu.memory_space<vmem_shared>>
      %dma_start3A_216 = arith.constant 0 : i32
      %dma_start3A_217 = tpu.memref_slice %arg15[%add3A_29, %dma_start3A_216] : memref<10240x128xf32, #tpu.memory_space<vmem_shared>> -> memref<32x128xf32, #tpu.memory_space<vmem_shared>>
      tpu.enqueue_dma source(%arg14 : memref<32x128xf32, #tpu.memory_space<vmem>>) target(%dma_start3A_217 : memref<32x128xf32, #tpu.memory_space<vmem_shared>>) target_semaphore(%run_scoped3A : memref<!tpu.dma_semaphore, #tpu.memory_space<semaphore_mem>>)
      %dma_wait3A_218 = arith.constant 0 : i32
      %dma_wait3A_219 = tpu.memref_slice %arg15[%add3A_29, %dma_wait3A_218] : memref<10240x128xf32, #tpu.memory_space<vmem_shared>> -> memref<32x128xf32, #tpu.memory_space<vmem_shared>>
      %dma_wait3A_220 = arith.constant 0 : i32
      %dma_wait3A_221 = tpu.memref_slice %arg15[%add3A_29, %dma_wait3A_220] : memref<10240x128xf32, #tpu.memory_space<vmem_shared>> -> memref<32x128xf32, #tpu.memory_space<vmem_shared>>
      tpu.wait_dma2 semaphore(%run_scoped3A : memref<!tpu.dma_semaphore, #tpu.memory_space<semaphore_mem>>) src(%arg14 : memref<32x128xf32, #tpu.memory_space<vmem>>) dst(%dma_wait3A_221 : memref<32x128xf32, #tpu.memory_space<vmem_shared>>)
      tpu.yield
    }) : () -> ()
    %add3A_30 = arith.constant 384 : i32
    %add3A_31 = arith.addi %mul3A_0, %add3A_30 : i32
    "tpu.region"() ({
      %run_scoped3A = tpu.sem_alloc : memref<!tpu.dma_semaphore, #tpu.memory_space<semaphore_mem>>
      %dma_start3A_214 = arith.constant 0 : i32
      %dma_start3A_215 = tpu.memref_slice %arg15[%add3A_31, %dma_start3A_214] : memref<10240x128xf32, #tpu.memory_space<vmem_shared>> -> memref<32x128xf32, #tpu.memory_space<vmem_shared>>
      %dma_start3A_216 = arith.constant 0 : i32
      %dma_start3A_217 = tpu.memref_slice %arg15[%add3A_31, %dma_start3A_216] : memref<10240x128xf32, #tpu.memory_space<vmem_shared>> -> memref<32x128xf32, #tpu.memory_space<vmem_shared>>
      tpu.enqueue_dma source(%arg14 : memref<32x128xf32, #tpu.memory_space<vmem>>) target(%dma_start3A_217 : memref<32x128xf32, #tpu.memory_space<vmem_shared>>) target_semaphore(%run_scoped3A : memref<!tpu.dma_semaphore, #tpu.memory_space<semaphore_mem>>)
      %dma_wait3A_218 = arith.constant 0 : i32
      %dma_wait3A_219 = tpu.memref_slice %arg15[%add3A_31, %dma_wait3A_218] : memref<10240x128xf32, #tpu.memory_space<vmem_shared>> -> memref<32x128xf32, #tpu.memory_space<vmem_shared>>
      %dma_wait3A_220 = arith.constant 0 : i32
      %dma_wait3A_221 = tpu.memref_slice %arg15[%add3A_31, %dma_wait3A_220] : memref<10240x128xf32, #tpu.memory_space<vmem_shared>> -> memref<32x128xf32, #tpu.memory_space<vmem_shared>>
      tpu.wait_dma2 semaphore(%run_scoped3A : memref<!tpu.dma_semaphore, #tpu.memory_space<semaphore_mem>>) src(%arg14 : memref<32x128xf32, #tpu.memory_space<vmem>>) dst(%dma_wait3A_221 : memref<32x128xf32, #tpu.memory_space<vmem_shared>>)
      tpu.yield
    }) : () -> ()
    %add3A_32 = arith.constant 416 : i32
    %add3A_33 = arith.addi %mul3A_0, %add3A_32 : i32
    "tpu.region"() ({
      %run_scoped3A = tpu.sem_alloc : memref<!tpu.dma_semaphore, #tpu.memory_space<semaphore_mem>>
      %dma_start3A_214 = arith.constant 0 : i32
      %dma_start3A_215 = tpu.memref_slice %arg15[%add3A_33, %dma_start3A_214] : memref<10240x128xf32, #tpu.memory_space<vmem_shared>> -> memref<32x128xf32, #tpu.memory_space<vmem_shared>>
      %dma_start3A_216 = arith.constant 0 : i32
      %dma_start3A_217 = tpu.memref_slice %arg15[%add3A_33, %dma_start3A_216] : memref<10240x128xf32, #tpu.memory_space<vmem_shared>> -> memref<32x128xf32, #tpu.memory_space<vmem_shared>>
      tpu.enqueue_dma source(%arg14 : memref<32x128xf32, #tpu.memory_space<vmem>>) target(%dma_start3A_217 : memref<32x128xf32, #tpu.memory_space<vmem_shared>>) target_semaphore(%run_scoped3A : memref<!tpu.dma_semaphore, #tpu.memory_space<semaphore_mem>>)
      %dma_wait3A_218 = arith.constant 0 : i32
      %dma_wait3A_219 = tpu.memref_slice %arg15[%add3A_33, %dma_wait3A_218] : memref<10240x128xf32, #tpu.memory_space<vmem_shared>> -> memref<32x128xf32, #tpu.memory_space<vmem_shared>>
      %dma_wait3A_220 = arith.constant 0 : i32
      %dma_wait3A_221 = tpu.memref_slice %arg15[%add3A_33, %dma_wait3A_220] : memref<10240x128xf32, #tpu.memory_space<vmem_shared>> -> memref<32x128xf32, #tpu.memory_space<vmem_shared>>
      tpu.wait_dma2 semaphore(%run_scoped3A : memref<!tpu.dma_semaphore, #tpu.memory_space<semaphore_mem>>) src(%arg14 : memref<32x128xf32, #tpu.memory_space<vmem>>) dst(%dma_wait3A_221 : memref<32x128xf32, #tpu.memory_space<vmem_shared>>)
      tpu.yield
    }) : () -> ()
    %add3A_34 = arith.constant 448 : i32
    %add3A_35 = arith.addi %mul3A_0, %add3A_34 : i32
    "tpu.region"() ({
      %run_scoped3A = tpu.sem_alloc : memref<!tpu.dma_semaphore, #tpu.memory_space<semaphore_mem>>
      %dma_start3A_214 = arith.constant 0 : i32
      %dma_start3A_215 = tpu.memref_slice %arg15[%add3A_35, %dma_start3A_214] : memref<10240x128xf32, #tpu.memory_space<vmem_shared>> -> memref<32x128xf32, #tpu.memory_space<vmem_shared>>
      %dma_start3A_216 = arith.constant 0 : i32
      %dma_start3A_217 = tpu.memref_slice %arg15[%add3A_35, %dma_start3A_216] : memref<10240x128xf32, #tpu.memory_space<vmem_shared>> -> memref<32x128xf32, #tpu.memory_space<vmem_shared>>
      tpu.enqueue_dma source(%arg14 : memref<32x128xf32, #tpu.memory_space<vmem>>) target(%dma_start3A_217 : memref<32x128xf32, #tpu.memory_space<vmem_shared>>) target_semaphore(%run_scoped3A : memref<!tpu.dma_semaphore, #tpu.memory_space<semaphore_mem>>)
      %dma_wait3A_218 = arith.constant 0 : i32
      %dma_wait3A_219 = tpu.memref_slice %arg15[%add3A_35, %dma_wait3A_218] : memref<10240x128xf32, #tpu.memory_space<vmem_shared>> -> memref<32x128xf32, #tpu.memory_space<vmem_shared>>
      %dma_wait3A_220 = arith.constant 0 : i32
      %dma_wait3A_221 = tpu.memref_slice %arg15[%add3A_35, %dma_wait3A_220] : memref<10240x128xf32, #tpu.memory_space<vmem_shared>> -> memref<32x128xf32, #tpu.memory_space<vmem_shared>>
      tpu.wait_dma2 semaphore(%run_scoped3A : memref<!tpu.dma_semaphore, #tpu.memory_space<semaphore_mem>>) src(%arg14 : memref<32x128xf32, #tpu.memory_space<vmem>>) dst(%dma_wait3A_221 : memref<32x128xf32, #tpu.memory_space<vmem_shared>>)
      tpu.yield
    }) : () -> ()
    %add3A_36 = arith.constant 480 : i32
    %add3A_37 = arith.addi %mul3A_0, %add3A_36 : i32
    "tpu.region"() ({
      %run_scoped3A = tpu.sem_alloc : memref<!tpu.dma_semaphore, #tpu.memory_space<semaphore_mem>>
      %dma_start3A_214 = arith.constant 0 : i32
      %dma_start3A_215 = tpu.memref_slice %arg15[%add3A_37, %dma_start3A_214] : memref<10240x128xf32, #tpu.memory_space<vmem_shared>> -> memref<32x128xf32, #tpu.memory_space<vmem_shared>>
      %dma_start3A_216 = arith.constant 0 : i32
      %dma_start3A_217 = tpu.memref_slice %arg15[%add3A_37, %dma_start3A_216] : memref<10240x128xf32, #tpu.memory_space<vmem_shared>> -> memref<32x128xf32, #tpu.memory_space<vmem_shared>>
      tpu.enqueue_dma source(%arg14 : memref<32x128xf32, #tpu.memory_space<vmem>>) target(%dma_start3A_217 : memref<32x128xf32, #tpu.memory_space<vmem_shared>>) target_semaphore(%run_scoped3A : memref<!tpu.dma_semaphore, #tpu.memory_space<semaphore_mem>>)
      %dma_wait3A_218 = arith.constant 0 : i32
      %dma_wait3A_219 = tpu.memref_slice %arg15[%add3A_37, %dma_wait3A_218] : memref<10240x128xf32, #tpu.memory_space<vmem_shared>> -> memref<32x128xf32, #tpu.memory_space<vmem_shared>>
      %dma_wait3A_220 = arith.constant 0 : i32
      %dma_wait3A_221 = tpu.memref_slice %arg15[%add3A_37, %dma_wait3A_220] : memref<10240x128xf32, #tpu.memory_space<vmem_shared>> -> memref<32x128xf32, #tpu.memory_space<vmem_shared>>
      tpu.wait_dma2 semaphore(%run_scoped3A : memref<!tpu.dma_semaphore, #tpu.memory_space<semaphore_mem>>) src(%arg14 : memref<32x128xf32, #tpu.memory_space<vmem>>) dst(%dma_wait3A_221 : memref<32x128xf32, #tpu.memory_space<vmem_shared>>)
      tpu.yield
    }) : () -> ()
    %add3A_38 = arith.constant 512 : i32
    %add3A_39 = arith.addi %mul3A_0, %add3A_38 : i32
    "tpu.region"() ({
      %run_scoped3A = tpu.sem_alloc : memref<!tpu.dma_semaphore, #tpu.memory_space<semaphore_mem>>
      %dma_start3A_214 = arith.constant 0 : i32
      %dma_start3A_215 = tpu.memref_slice %arg15[%add3A_39, %dma_start3A_214] : memref<10240x128xf32, #tpu.memory_space<vmem_shared>> -> memref<32x128xf32, #tpu.memory_space<vmem_shared>>
      %dma_start3A_216 = arith.constant 0 : i32
      %dma_start3A_217 = tpu.memref_slice %arg15[%add3A_39, %dma_start3A_216] : memref<10240x128xf32, #tpu.memory_space<vmem_shared>> -> memref<32x128xf32, #tpu.memory_space<vmem_shared>>
      tpu.enqueue_dma source(%arg14 : memref<32x128xf32, #tpu.memory_space<vmem>>) target(%dma_start3A_217 : memref<32x128xf32, #tpu.memory_space<vmem_shared>>) target_semaphore(%run_scoped3A : memref<!tpu.dma_semaphore, #tpu.memory_space<semaphore_mem>>)
      %dma_wait3A_218 = arith.constant 0 : i32
      %dma_wait3A_219 = tpu.memref_slice %arg15[%add3A_39, %dma_wait3A_218] : memref<10240x128xf32, #tpu.memory_space<vmem_shared>> -> memref<32x128xf32, #tpu.memory_space<vmem_shared>>
      %dma_wait3A_220 = arith.constant 0 : i32
      %dma_wait3A_221 = tpu.memref_slice %arg15[%add3A_39, %dma_wait3A_220] : memref<10240x128xf32, #tpu.memory_space<vmem_shared>> -> memref<32x128xf32, #tpu.memory_space<vmem_shared>>
      tpu.wait_dma2 semaphore(%run_scoped3A : memref<!tpu.dma_semaphore, #tpu.memory_space<semaphore_mem>>) src(%arg14 : memref<32x128xf32, #tpu.memory_space<vmem>>) dst(%dma_wait3A_221 : memref<32x128xf32, #tpu.memory_space<vmem_shared>>)
      tpu.yield
    }) : () -> ()
    %add3A_40 = arith.constant 544 : i32
    %add3A_41 = arith.addi %mul3A_0, %add3A_40 : i32
    "tpu.region"() ({
      %run_scoped3A = tpu.sem_alloc : memref<!tpu.dma_semaphore, #tpu.memory_space<semaphore_mem>>
      %dma_start3A_214 = arith.constant 0 : i32
      %dma_start3A_215 = tpu.memref_slice %arg15[%add3A_41, %dma_start3A_214] : memref<10240x128xf32, #tpu.memory_space<vmem_shared>> -> memref<32x128xf32, #tpu.memory_space<vmem_shared>>
      %dma_start3A_216 = arith.constant 0 : i32
      %dma_start3A_217 = tpu.memref_slice %arg15[%add3A_41, %dma_start3A_216] : memref<10240x128xf32, #tpu.memory_space<vmem_shared>> -> memref<32x128xf32, #tpu.memory_space<vmem_shared>>
      tpu.enqueue_dma source(%arg14 : memref<32x128xf32, #tpu.memory_space<vmem>>) target(%dma_start3A_217 : memref<32x128xf32, #tpu.memory_space<vmem_shared>>) target_semaphore(%run_scoped3A : memref<!tpu.dma_semaphore, #tpu.memory_space<semaphore_mem>>)
      %dma_wait3A_218 = arith.constant 0 : i32
      %dma_wait3A_219 = tpu.memref_slice %arg15[%add3A_41, %dma_wait3A_218] : memref<10240x128xf32, #tpu.memory_space<vmem_shared>> -> memref<32x128xf32, #tpu.memory_space<vmem_shared>>
      %dma_wait3A_220 = arith.constant 0 : i32
      %dma_wait3A_221 = tpu.memref_slice %arg15[%add3A_41, %dma_wait3A_220] : memref<10240x128xf32, #tpu.memory_space<vmem_shared>> -> memref<32x128xf32, #tpu.memory_space<vmem_shared>>
      tpu.wait_dma2 semaphore(%run_scoped3A : memref<!tpu.dma_semaphore, #tpu.memory_space<semaphore_mem>>) src(%arg14 : memref<32x128xf32, #tpu.memory_space<vmem>>) dst(%dma_wait3A_221 : memref<32x128xf32, #tpu.memory_space<vmem_shared>>)
      tpu.yield
    }) : () -> ()
    %add3A_42 = arith.constant 576 : i32
    %add3A_43 = arith.addi %mul3A_0, %add3A_42 : i32
    "tpu.region"() ({
      %run_scoped3A = tpu.sem_alloc : memref<!tpu.dma_semaphore, #tpu.memory_space<semaphore_mem>>
      %dma_start3A_214 = arith.constant 0 : i32
      %dma_start3A_215 = tpu.memref_slice %arg15[%add3A_43, %dma_start3A_214] : memref<10240x128xf32, #tpu.memory_space<vmem_shared>> -> memref<32x128xf32, #tpu.memory_space<vmem_shared>>
      %dma_start3A_216 = arith.constant 0 : i32
      %dma_start3A_217 = tpu.memref_slice %arg15[%add3A_43, %dma_start3A_216] : memref<10240x128xf32, #tpu.memory_space<vmem_shared>> -> memref<32x128xf32, #tpu.memory_space<vmem_shared>>
      tpu.enqueue_dma source(%arg14 : memref<32x128xf32, #tpu.memory_space<vmem>>) target(%dma_start3A_217 : memref<32x128xf32, #tpu.memory_space<vmem_shared>>) target_semaphore(%run_scoped3A : memref<!tpu.dma_semaphore, #tpu.memory_space<semaphore_mem>>)
      %dma_wait3A_218 = arith.constant 0 : i32
      %dma_wait3A_219 = tpu.memref_slice %arg15[%add3A_43, %dma_wait3A_218] : memref<10240x128xf32, #tpu.memory_space<vmem_shared>> -> memref<32x128xf32, #tpu.memory_space<vmem_shared>>
      %dma_wait3A_220 = arith.constant 0 : i32
      %dma_wait3A_221 = tpu.memref_slice %arg15[%add3A_43, %dma_wait3A_220] : memref<10240x128xf32, #tpu.memory_space<vmem_shared>> -> memref<32x128xf32, #tpu.memory_space<vmem_shared>>
      tpu.wait_dma2 semaphore(%run_scoped3A : memref<!tpu.dma_semaphore, #tpu.memory_space<semaphore_mem>>) src(%arg14 : memref<32x128xf32, #tpu.memory_space<vmem>>) dst(%dma_wait3A_221 : memref<32x128xf32, #tpu.memory_space<vmem_shared>>)
      tpu.yield
    }) : () -> ()
    %add3A_44 = arith.constant 608 : i32
    %add3A_45 = arith.addi %mul3A_0, %add3A_44 : i32
    "tpu.region"() ({
      %run_scoped3A = tpu.sem_alloc : memref<!tpu.dma_semaphore, #tpu.memory_space<semaphore_mem>>
      %dma_start3A_214 = arith.constant 0 : i32
      %dma_start3A_215 = tpu.memref_slice %arg15[%add3A_45, %dma_start3A_214] : memref<10240x128xf32, #tpu.memory_space<vmem_shared>> -> memref<32x128xf32, #tpu.memory_space<vmem_shared>>
      %dma_start3A_216 = arith.constant 0 : i32
      %dma_start3A_217 = tpu.memref_slice %arg15[%add3A_45, %dma_start3A_216] : memref<10240x128xf32, #tpu.memory_space<vmem_shared>> -> memref<32x128xf32, #tpu.memory_space<vmem_shared>>
      tpu.enqueue_dma source(%arg14 : memref<32x128xf32, #tpu.memory_space<vmem>>) target(%dma_start3A_217 : memref<32x128xf32, #tpu.memory_space<vmem_shared>>) target_semaphore(%run_scoped3A : memref<!tpu.dma_semaphore, #tpu.memory_space<semaphore_mem>>)
      %dma_wait3A_218 = arith.constant 0 : i32
      %dma_wait3A_219 = tpu.memref_slice %arg15[%add3A_45, %dma_wait3A_218] : memref<10240x128xf32, #tpu.memory_space<vmem_shared>> -> memref<32x128xf32, #tpu.memory_space<vmem_shared>>
      %dma_wait3A_220 = arith.constant 0 : i32
      %dma_wait3A_221 = tpu.memref_slice %arg15[%add3A_45, %dma_wait3A_220] : memref<10240x128xf32, #tpu.memory_space<vmem_shared>> -> memref<32x128xf32, #tpu.memory_space<vmem_shared>>
      tpu.wait_dma2 semaphore(%run_scoped3A : memref<!tpu.dma_semaphore, #tpu.memory_space<semaphore_mem>>) src(%arg14 : memref<32x128xf32, #tpu.memory_space<vmem>>) dst(%dma_wait3A_221 : memref<32x128xf32, #tpu.memory_space<vmem_shared>>)
      tpu.yield
    }) : () -> ()
    %barrier3A = arith.constant 0 : index
    tpu.barrier barrier_id(%barrier3A)
    %mul3A_46 = arith.constant 10000 : i32
    %mul3A_47 = arith.muli %arg1, %mul3A_46 : i32
    %add3A_48 = arith.constant 0 : i32
    %add3A_49 = arith.addi %mul3A_47, %add3A_48 : i32
    %dma_start3A = tpu.memref_slice %arg3[%add3A_49] : memref<160000xi32, #tpu.memory_space<hbm>> -> memref<80xi32, #tpu.memory_space<hbm>>
    %dma_start3A_50 = tpu.memref_slice %arg3[%add3A_49] : memref<160000xi32, #tpu.memory_space<hbm>> -> memref<80xi32, #tpu.memory_space<hbm>>
    tpu.enqueue_dma source(%dma_start3A_50 : memref<80xi32, #tpu.memory_space<hbm>>) target(%arg6 : memref<80xi32, #tpu.memory_space<vmem>>) target_semaphore(%arg16 : memref<!tpu.dma_semaphore, #tpu.memory_space<semaphore_mem>>)
    %dma_start3A_51 = arith.constant 0 : i32
    %dma_start3A_52 = tpu.memref_slice %arg2[%arg0, %add3A_49, %dma_start3A_51] : memref<3x160000x128xf32, #tpu.memory_space<hbm>> -> memref<1x80x128xf32, #tpu.memory_space<hbm>>
    %dma_start3A_53 = tpu.memref_squeeze %dma_start3A_52 : memref<1x80x128xf32, #tpu.memory_space<hbm>> -> memref<80x128xf32, #tpu.memory_space<hbm>>
    %dma_start3A_54 = arith.constant 0 : i32
    %dma_start3A_55 = tpu.memref_slice %arg2[%arg0, %add3A_49, %dma_start3A_54] : memref<3x160000x128xf32, #tpu.memory_space<hbm>> -> memref<1x80x128xf32, #tpu.memory_space<hbm>>
    %dma_start3A_56 = tpu.memref_squeeze %dma_start3A_55 : memref<1x80x128xf32, #tpu.memory_space<hbm>> -> memref<80x128xf32, #tpu.memory_space<hbm>>
    tpu.enqueue_dma source(%dma_start3A_56 : memref<80x128xf32, #tpu.memory_space<hbm>>) target(%arg10 : memref<80x128xf32, #tpu.memory_space<vmem>>) target_semaphore(%arg20 : memref<!tpu.dma_semaphore, #tpu.memory_space<semaphore_mem>>)
    %add3A_57 = arith.constant 80 : i32
    %add3A_58 = arith.addi %mul3A_47, %add3A_57 : i32
    %dma_start3A_59 = tpu.memref_slice %arg3[%add3A_58] : memref<160000xi32, #tpu.memory_space<hbm>> -> memref<80xi32, #tpu.memory_space<hbm>>
    %dma_start3A_60 = tpu.memref_slice %arg3[%add3A_58] : memref<160000xi32, #tpu.memory_space<hbm>> -> memref<80xi32, #tpu.memory_space<hbm>>
    tpu.enqueue_dma source(%dma_start3A_60 : memref<80xi32, #tpu.memory_space<hbm>>) target(%arg7 : memref<80xi32, #tpu.memory_space<vmem>>) target_semaphore(%arg17 : memref<!tpu.dma_semaphore, #tpu.memory_space<semaphore_mem>>)
    %dma_start3A_61 = arith.constant 0 : i32
    %dma_start3A_62 = tpu.memref_slice %arg2[%arg0, %add3A_58, %dma_start3A_61] : memref<3x160000x128xf32, #tpu.memory_space<hbm>> -> memref<1x80x128xf32, #tpu.memory_space<hbm>>
    %dma_start3A_63 = tpu.memref_squeeze %dma_start3A_62 : memref<1x80x128xf32, #tpu.memory_space<hbm>> -> memref<80x128xf32, #tpu.memory_space<hbm>>
    %dma_start3A_64 = arith.constant 0 : i32
    %dma_start3A_65 = tpu.memref_slice %arg2[%arg0, %add3A_58, %dma_start3A_64] : memref<3x160000x128xf32, #tpu.memory_space<hbm>> -> memref<1x80x128xf32, #tpu.memory_space<hbm>>
    %dma_start3A_66 = tpu.memref_squeeze %dma_start3A_65 : memref<1x80x128xf32, #tpu.memory_space<hbm>> -> memref<80x128xf32, #tpu.memory_space<hbm>>
    tpu.enqueue_dma source(%dma_start3A_66 : memref<80x128xf32, #tpu.memory_space<hbm>>) target(%arg11 : memref<80x128xf32, #tpu.memory_space<vmem>>) target_semaphore(%arg21 : memref<!tpu.dma_semaphore, #tpu.memory_space<semaphore_mem>>)
    %scan3A_67 = arith.constant 0 : i32
    %scan3A_68 = arith.constant 0 : i32
    %scan3A_69 = arith.constant 31 : i32
    %scan3A_70 = arith.addi %scan3A_68, %scan3A_69 : i32
    %scan3A_71 = arith.constant 1 : i32
    scf.for %scan3A_214 = %scan3A_68 to %scan3A_70 step %scan3A_71  : i32 {
      %mul3A_215 = arith.constant 4 : i32
      %mul3A_216 = arith.muli %scan3A_214, %mul3A_215 : i32
      %add3A_217 = arith.constant 0 : i32
      %add3A_218 = arith.addi %mul3A_216, %add3A_217 : i32
      %gt3A = arith.constant 0 : i32
      %gt3A_219 = arith.cmpi sgt, %scan3A_214, %gt3A : i32
      %convert_element_type3A_220 = arith.extui %gt3A_219 : i1 to i32
      %cond3A_221 = arith.constant 0 : i32
      %cond3A_222 = arith.cmpi ne, %convert_element_type3A_220, %cond3A_221 : i32
      scf.if %cond3A_222 {
        %dma_wait3A_331 = arith.constant 0 : i32
        %dma_wait3A_332 = arith.constant 0 : i32
        %dma_wait3A_333 = tpu.memref_slice %arg15[%dma_wait3A_331, %dma_wait3A_332] : memref<10240x128xf32, #tpu.memory_space<vmem_shared>> -> memref<10240x128xf32, #tpu.memory_space<vmem_shared>>
        tpu.wait_indirect_dma semaphore(%arg26 : memref<!tpu.dma_semaphore, #tpu.memory_space<semaphore_mem>>) src(%arg12 : memref<80x128xf32, #tpu.memory_space<vmem>>) dst(%dma_wait3A_333 : memref<10240x128xf32, #tpu.memory_space<vmem_shared>>)
        %add3A_334 = arith.constant 2 : i32
        %add3A_335 = arith.addi %add3A_218, %add3A_334 : i32
        %mul3A_336 = arith.constant 80 : i32
        %mul3A_337 = arith.muli %add3A_335, %mul3A_336 : i32
        %add3A_338 = arith.addi %mul3A_47, %mul3A_337 : i32
        %dma_start3A_339 = tpu.memref_slice %arg3[%add3A_338] : memref<160000xi32, #tpu.memory_space<hbm>> -> memref<80xi32, #tpu.memory_space<hbm>>
        %dma_start3A_340 = tpu.memref_slice %arg3[%add3A_338] : memref<160000xi32, #tpu.memory_space<hbm>> -> memref<80xi32, #tpu.memory_space<hbm>>
        tpu.enqueue_dma source(%dma_start3A_340 : memref<80xi32, #tpu.memory_space<hbm>>) target(%arg8 : memref<80xi32, #tpu.memory_space<vmem>>) target_semaphore(%arg18 : memref<!tpu.dma_semaphore, #tpu.memory_space<semaphore_mem>>)
        %dma_start3A_341 = arith.constant 0 : i32
        %dma_start3A_342 = tpu.memref_slice %arg2[%arg0, %add3A_338, %dma_start3A_341] : memref<3x160000x128xf32, #tpu.memory_space<hbm>> -> memref<1x80x128xf32, #tpu.memory_space<hbm>>
        %dma_start3A_343 = tpu.memref_squeeze %dma_start3A_342 : memref<1x80x128xf32, #tpu.memory_space<hbm>> -> memref<80x128xf32, #tpu.memory_space<hbm>>
        %dma_start3A_344 = arith.constant 0 : i32
        %dma_start3A_345 = tpu.memref_slice %arg2[%arg0, %add3A_338, %dma_start3A_344] : memref<3x160000x128xf32, #tpu.memory_space<hbm>> -> memref<1x80x128xf32, #tpu.memory_space<hbm>>
        %dma_start3A_346 = tpu.memref_squeeze %dma_start3A_345 : memref<1x80x128xf32, #tpu.memory_space<hbm>> -> memref<80x128xf32, #tpu.memory_space<hbm>>
        tpu.enqueue_dma source(%dma_start3A_346 : memref<80x128xf32, #tpu.memory_space<hbm>>) target(%arg12 : memref<80x128xf32, #tpu.memory_space<vmem>>) target_semaphore(%arg22 : memref<!tpu.dma_semaphore, #tpu.memory_space<semaphore_mem>>)
      } else {
      }
      %eq3A = arith.constant 0 : i32
      %eq3A_223 = arith.cmpi eq, %scan3A_214, %eq3A : i32
      %convert_element_type3A_224 = arith.extui %eq3A_223 : i1 to i32
      %cond3A_225 = arith.constant 0 : i32
      %cond3A_226 = arith.cmpi ne, %convert_element_type3A_224, %cond3A_225 : i32
      scf.if %cond3A_226 {
        %add3A_331 = arith.constant 2 : i32
        %add3A_332 = arith.addi %add3A_218, %add3A_331 : i32
        %mul3A_333 = arith.constant 80 : i32
        %mul3A_334 = arith.muli %add3A_332, %mul3A_333 : i32
        %add3A_335 = arith.addi %mul3A_47, %mul3A_334 : i32
        %dma_start3A_336 = tpu.memref_slice %arg3[%add3A_335] : memref<160000xi32, #tpu.memory_space<hbm>> -> memref<80xi32, #tpu.memory_space<hbm>>
        %dma_start3A_337 = tpu.memref_slice %arg3[%add3A_335] : memref<160000xi32, #tpu.memory_space<hbm>> -> memref<80xi32, #tpu.memory_space<hbm>>
        tpu.enqueue_dma source(%dma_start3A_337 : memref<80xi32, #tpu.memory_space<hbm>>) target(%arg8 : memref<80xi32, #tpu.memory_space<vmem>>) target_semaphore(%arg18 : memref<!tpu.dma_semaphore, #tpu.memory_space<semaphore_mem>>)
        %dma_start3A_338 = arith.constant 0 : i32
        %dma_start3A_339 = tpu.memref_slice %arg2[%arg0, %add3A_335, %dma_start3A_338] : memref<3x160000x128xf32, #tpu.memory_space<hbm>> -> memref<1x80x128xf32, #tpu.memory_space<hbm>>
        %dma_start3A_340 = tpu.memref_squeeze %dma_start3A_339 : memref<1x80x128xf32, #tpu.memory_space<hbm>> -> memref<80x128xf32, #tpu.memory_space<hbm>>
        %dma_start3A_341 = arith.constant 0 : i32
        %dma_start3A_342 = tpu.memref_slice %arg2[%arg0, %add3A_335, %dma_start3A_341] : memref<3x160000x128xf32, #tpu.memory_space<hbm>> -> memref<1x80x128xf32, #tpu.memory_space<hbm>>
        %dma_start3A_343 = tpu.memref_squeeze %dma_start3A_342 : memref<1x80x128xf32, #tpu.memory_space<hbm>> -> memref<80x128xf32, #tpu.memory_space<hbm>>
        tpu.enqueue_dma source(%dma_start3A_343 : memref<80x128xf32, #tpu.memory_space<hbm>>) target(%arg12 : memref<80x128xf32, #tpu.memory_space<vmem>>) target_semaphore(%arg22 : memref<!tpu.dma_semaphore, #tpu.memory_space<semaphore_mem>>)
      } else {
      }
      %mul3A_227 = arith.constant 80 : i32
      %mul3A_228 = arith.muli %add3A_218, %mul3A_227 : i32
      %add3A_229 = arith.addi %mul3A_47, %mul3A_228 : i32
      %dma_wait3A_230 = tpu.memref_slice %arg3[%add3A_229] : memref<160000xi32, #tpu.memory_space<hbm>> -> memref<80xi32, #tpu.memory_space<hbm>>
      %dma_wait3A_231 = tpu.memref_slice %arg3[%add3A_229] : memref<160000xi32, #tpu.memory_space<hbm>> -> memref<80xi32, #tpu.memory_space<hbm>>
      tpu.wait_dma2 semaphore(%arg16 : memref<!tpu.dma_semaphore, #tpu.memory_space<semaphore_mem>>) src(%dma_wait3A_231 : memref<80xi32, #tpu.memory_space<hbm>>) dst(%arg6 : memref<80xi32, #tpu.memory_space<vmem>>)
      %dma_wait3A_232 = arith.constant 0 : i32
      %dma_wait3A_233 = tpu.memref_slice %arg2[%arg0, %add3A_229, %dma_wait3A_232] : memref<3x160000x128xf32, #tpu.memory_space<hbm>> -> memref<1x80x128xf32, #tpu.memory_space<hbm>>
      %dma_wait3A_234 = tpu.memref_squeeze %dma_wait3A_233 : memref<1x80x128xf32, #tpu.memory_space<hbm>> -> memref<80x128xf32, #tpu.memory_space<hbm>>
      %dma_wait3A_235 = arith.constant 0 : i32
      %dma_wait3A_236 = tpu.memref_slice %arg2[%arg0, %add3A_229, %dma_wait3A_235] : memref<3x160000x128xf32, #tpu.memory_space<hbm>> -> memref<1x80x128xf32, #tpu.memory_space<hbm>>
      %dma_wait3A_237 = tpu.memref_squeeze %dma_wait3A_236 : memref<1x80x128xf32, #tpu.memory_space<hbm>> -> memref<80x128xf32, #tpu.memory_space<hbm>>
      tpu.wait_dma2 semaphore(%arg20 : memref<!tpu.dma_semaphore, #tpu.memory_space<semaphore_mem>>) src(%dma_wait3A_237 : memref<80x128xf32, #tpu.memory_space<hbm>>) dst(%arg10 : memref<80x128xf32, #tpu.memory_space<vmem>>)
      %dma_start3A_238 = arith.constant 0 : i32
      %dma_start3A_239 = arith.constant 0 : i32
      %dma_start3A_240 = tpu.memref_slice %arg15[%dma_start3A_238, %dma_start3A_239] : memref<10240x128xf32, #tpu.memory_space<vmem_shared>> -> memref<10240x128xf32, #tpu.memory_space<vmem_shared>>
      tpu.enqueue_indirect_dma source(%arg10 : memref<80x128xf32, #tpu.memory_space<vmem>>) target(%dma_start3A_240 : memref<10240x128xf32, #tpu.memory_space<vmem_shared>>) offsets(%arg6 : memref<80xi32, #tpu.memory_space<vmem>>) semaphore(%arg24 : memref<!tpu.dma_semaphore, #tpu.memory_space<semaphore_mem>>) {add = true}
      %mul3A_241 = arith.constant 4 : i32
      %mul3A_242 = arith.muli %scan3A_214, %mul3A_241 : i32
      %add3A_243 = arith.constant 1 : i32
      %add3A_244 = arith.addi %mul3A_242, %add3A_243 : i32
      %gt3A_245 = arith.constant 0 : i32
      %gt3A_246 = arith.cmpi sgt, %scan3A_214, %gt3A_245 : i32
      %convert_element_type3A_247 = arith.extui %gt3A_246 : i1 to i32
      %cond3A_248 = arith.constant 0 : i32
      %cond3A_249 = arith.cmpi ne, %convert_element_type3A_247, %cond3A_248 : i32
      scf.if %cond3A_249 {
        %dma_wait3A_331 = arith.constant 0 : i32
        %dma_wait3A_332 = arith.constant 0 : i32
        %dma_wait3A_333 = tpu.memref_slice %arg15[%dma_wait3A_331, %dma_wait3A_332] : memref<10240x128xf32, #tpu.memory_space<vmem_shared>> -> memref<10240x128xf32, #tpu.memory_space<vmem_shared>>
        tpu.wait_indirect_dma semaphore(%arg27 : memref<!tpu.dma_semaphore, #tpu.memory_space<semaphore_mem>>) src(%arg13 : memref<80x128xf32, #tpu.memory_space<vmem>>) dst(%dma_wait3A_333 : memref<10240x128xf32, #tpu.memory_space<vmem_shared>>)
        %add3A_334 = arith.constant 2 : i32
        %add3A_335 = arith.addi %add3A_244, %add3A_334 : i32
        %mul3A_336 = arith.constant 80 : i32
        %mul3A_337 = arith.muli %add3A_335, %mul3A_336 : i32
        %add3A_338 = arith.addi %mul3A_47, %mul3A_337 : i32
        %dma_start3A_339 = tpu.memref_slice %arg3[%add3A_338] : memref<160000xi32, #tpu.memory_space<hbm>> -> memref<80xi32, #tpu.memory_space<hbm>>
        %dma_start3A_340 = tpu.memref_slice %arg3[%add3A_338] : memref<160000xi32, #tpu.memory_space<hbm>> -> memref<80xi32, #tpu.memory_space<hbm>>
        tpu.enqueue_dma source(%dma_start3A_340 : memref<80xi32, #tpu.memory_space<hbm>>) target(%arg9 : memref<80xi32, #tpu.memory_space<vmem>>) target_semaphore(%arg19 : memref<!tpu.dma_semaphore, #tpu.memory_space<semaphore_mem>>)
        %dma_start3A_341 = arith.constant 0 : i32
        %dma_start3A_342 = tpu.memref_slice %arg2[%arg0, %add3A_338, %dma_start3A_341] : memref<3x160000x128xf32, #tpu.memory_space<hbm>> -> memref<1x80x128xf32, #tpu.memory_space<hbm>>
        %dma_start3A_343 = tpu.memref_squeeze %dma_start3A_342 : memref<1x80x128xf32, #tpu.memory_space<hbm>> -> memref<80x128xf32, #tpu.memory_space<hbm>>
        %dma_start3A_344 = arith.constant 0 : i32
        %dma_start3A_345 = tpu.memref_slice %arg2[%arg0, %add3A_338, %dma_start3A_344] : memref<3x160000x128xf32, #tpu.memory_space<hbm>> -> memref<1x80x128xf32, #tpu.memory_space<hbm>>
        %dma_start3A_346 = tpu.memref_squeeze %dma_start3A_345 : memref<1x80x128xf32, #tpu.memory_space<hbm>> -> memref<80x128xf32, #tpu.memory_space<hbm>>
        tpu.enqueue_dma source(%dma_start3A_346 : memref<80x128xf32, #tpu.memory_space<hbm>>) target(%arg13 : memref<80x128xf32, #tpu.memory_space<vmem>>) target_semaphore(%arg23 : memref<!tpu.dma_semaphore, #tpu.memory_space<semaphore_mem>>)
      } else {
      }
      %eq3A_250 = arith.constant 0 : i32
      %eq3A_251 = arith.cmpi eq, %scan3A_214, %eq3A_250 : i32
      %convert_element_type3A_252 = arith.extui %eq3A_251 : i1 to i32
      %cond3A_253 = arith.constant 0 : i32
      %cond3A_254 = arith.cmpi ne, %convert_element_type3A_252, %cond3A_253 : i32
      scf.if %cond3A_254 {
        %add3A_331 = arith.constant 2 : i32
        %add3A_332 = arith.addi %add3A_244, %add3A_331 : i32
        %mul3A_333 = arith.constant 80 : i32
        %mul3A_334 = arith.muli %add3A_332, %mul3A_333 : i32
        %add3A_335 = arith.addi %mul3A_47, %mul3A_334 : i32
        %dma_start3A_336 = tpu.memref_slice %arg3[%add3A_335] : memref<160000xi32, #tpu.memory_space<hbm>> -> memref<80xi32, #tpu.memory_space<hbm>>
        %dma_start3A_337 = tpu.memref_slice %arg3[%add3A_335] : memref<160000xi32, #tpu.memory_space<hbm>> -> memref<80xi32, #tpu.memory_space<hbm>>
        tpu.enqueue_dma source(%dma_start3A_337 : memref<80xi32, #tpu.memory_space<hbm>>) target(%arg9 : memref<80xi32, #tpu.memory_space<vmem>>) target_semaphore(%arg19 : memref<!tpu.dma_semaphore, #tpu.memory_space<semaphore_mem>>)
        %dma_start3A_338 = arith.constant 0 : i32
        %dma_start3A_339 = tpu.memref_slice %arg2[%arg0, %add3A_335, %dma_start3A_338] : memref<3x160000x128xf32, #tpu.memory_space<hbm>> -> memref<1x80x128xf32, #tpu.memory_space<hbm>>
        %dma_start3A_340 = tpu.memref_squeeze %dma_start3A_339 : memref<1x80x128xf32, #tpu.memory_space<hbm>> -> memref<80x128xf32, #tpu.memory_space<hbm>>
        %dma_start3A_341 = arith.constant 0 : i32
        %dma_start3A_342 = tpu.memref_slice %arg2[%arg0, %add3A_335, %dma_start3A_341] : memref<3x160000x128xf32, #tpu.memory_space<hbm>> -> memref<1x80x128xf32, #tpu.memory_space<hbm>>
        %dma_start3A_343 = tpu.memref_squeeze %dma_start3A_342 : memref<1x80x128xf32, #tpu.memory_space<hbm>> -> memref<80x128xf32, #tpu.memory_space<hbm>>
        tpu.enqueue_dma source(%dma_start3A_343 : memref<80x128xf32, #tpu.memory_space<hbm>>) target(%arg13 : memref<80x128xf32, #tpu.memory_space<vmem>>) target_semaphore(%arg23 : memref<!tpu.dma_semaphore, #tpu.memory_space<semaphore_mem>>)
      } else {
      }
      %mul3A_255 = arith.constant 80 : i32
      %mul3A_256 = arith.muli %add3A_244, %mul3A_255 : i32
      %add3A_257 = arith.addi %mul3A_47, %mul3A_256 : i32
      %dma_wait3A_258 = tpu.memref_slice %arg3[%add3A_257] : memref<160000xi32, #tpu.memory_space<hbm>> -> memref<80xi32, #tpu.memory_space<hbm>>
      %dma_wait3A_259 = tpu.memref_slice %arg3[%add3A_257] : memref<160000xi32, #tpu.memory_space<hbm>> -> memref<80xi32, #tpu.memory_space<hbm>>
      tpu.wait_dma2 semaphore(%arg17 : memref<!tpu.dma_semaphore, #tpu.memory_space<semaphore_mem>>) src(%dma_wait3A_259 : memref<80xi32, #tpu.memory_space<hbm>>) dst(%arg7 : memref<80xi32, #tpu.memory_space<vmem>>)
      %dma_wait3A_260 = arith.constant 0 : i32
      %dma_wait3A_261 = tpu.memref_slice %arg2[%arg0, %add3A_257, %dma_wait3A_260] : memref<3x160000x128xf32, #tpu.memory_space<hbm>> -> memref<1x80x128xf32, #tpu.memory_space<hbm>>
      %dma_wait3A_262 = tpu.memref_squeeze %dma_wait3A_261 : memref<1x80x128xf32, #tpu.memory_space<hbm>> -> memref<80x128xf32, #tpu.memory_space<hbm>>
      %dma_wait3A_263 = arith.constant 0 : i32
      %dma_wait3A_264 = tpu.memref_slice %arg2[%arg0, %add3A_257, %dma_wait3A_263] : memref<3x160000x128xf32, #tpu.memory_space<hbm>> -> memref<1x80x128xf32, #tpu.memory_space<hbm>>
      %dma_wait3A_265 = tpu.memref_squeeze %dma_wait3A_264 : memref<1x80x128xf32, #tpu.memory_space<hbm>> -> memref<80x128xf32, #tpu.memory_space<hbm>>
      tpu.wait_dma2 semaphore(%arg21 : memref<!tpu.dma_semaphore, #tpu.memory_space<semaphore_mem>>) src(%dma_wait3A_265 : memref<80x128xf32, #tpu.memory_space<hbm>>) dst(%arg11 : memref<80x128xf32, #tpu.memory_space<vmem>>)
      %dma_start3A_266 = arith.constant 0 : i32
      %dma_start3A_267 = arith.constant 0 : i32
      %dma_start3A_268 = tpu.memref_slice %arg15[%dma_start3A_266, %dma_start3A_267] : memref<10240x128xf32, #tpu.memory_space<vmem_shared>> -> memref<10240x128xf32, #tpu.memory_space<vmem_shared>>
      tpu.enqueue_indirect_dma source(%arg11 : memref<80x128xf32, #tpu.memory_space<vmem>>) target(%dma_start3A_268 : memref<10240x128xf32, #tpu.memory_space<vmem_shared>>) offsets(%arg7 : memref<80xi32, #tpu.memory_space<vmem>>) semaphore(%arg25 : memref<!tpu.dma_semaphore, #tpu.memory_space<semaphore_mem>>) {add = true}
      %mul3A_269 = arith.constant 4 : i32
      %mul3A_270 = arith.muli %scan3A_214, %mul3A_269 : i32
      %add3A_271 = arith.constant 2 : i32
      %add3A_272 = arith.addi %mul3A_270, %add3A_271 : i32
      %dma_wait3A_273 = arith.constant 0 : i32
      %dma_wait3A_274 = arith.constant 0 : i32
      %dma_wait3A_275 = tpu.memref_slice %arg15[%dma_wait3A_273, %dma_wait3A_274] : memref<10240x128xf32, #tpu.memory_space<vmem_shared>> -> memref<10240x128xf32, #tpu.memory_space<vmem_shared>>
      tpu.wait_indirect_dma semaphore(%arg24 : memref<!tpu.dma_semaphore, #tpu.memory_space<semaphore_mem>>) src(%arg10 : memref<80x128xf32, #tpu.memory_space<vmem>>) dst(%dma_wait3A_275 : memref<10240x128xf32, #tpu.memory_space<vmem_shared>>)
      %add3A_276 = arith.constant 2 : i32
      %add3A_277 = arith.addi %add3A_272, %add3A_276 : i32
      %mul3A_278 = arith.constant 80 : i32
      %mul3A_279 = arith.muli %add3A_277, %mul3A_278 : i32
      %add3A_280 = arith.addi %mul3A_47, %mul3A_279 : i32
      %dma_start3A_281 = tpu.memref_slice %arg3[%add3A_280] : memref<160000xi32, #tpu.memory_space<hbm>> -> memref<80xi32, #tpu.memory_space<hbm>>
      %dma_start3A_282 = tpu.memref_slice %arg3[%add3A_280] : memref<160000xi32, #tpu.memory_space<hbm>> -> memref<80xi32, #tpu.memory_space<hbm>>
      tpu.enqueue_dma source(%dma_start3A_282 : memref<80xi32, #tpu.memory_space<hbm>>) target(%arg6 : memref<80xi32, #tpu.memory_space<vmem>>) target_semaphore(%arg16 : memref<!tpu.dma_semaphore, #tpu.memory_space<semaphore_mem>>)
      %dma_start3A_283 = arith.constant 0 : i32
      %dma_start3A_284 = tpu.memref_slice %arg2[%arg0, %add3A_280, %dma_start3A_283] : memref<3x160000x128xf32, #tpu.memory_space<hbm>> -> memref<1x80x128xf32, #tpu.memory_space<hbm>>
      %dma_start3A_285 = tpu.memref_squeeze %dma_start3A_284 : memref<1x80x128xf32, #tpu.memory_space<hbm>> -> memref<80x128xf32, #tpu.memory_space<hbm>>
      %dma_start3A_286 = arith.constant 0 : i32
      %dma_start3A_287 = tpu.memref_slice %arg2[%arg0, %add3A_280, %dma_start3A_286] : memref<3x160000x128xf32, #tpu.memory_space<hbm>> -> memref<1x80x128xf32, #tpu.memory_space<hbm>>
      %dma_start3A_288 = tpu.memref_squeeze %dma_start3A_287 : memref<1x80x128xf32, #tpu.memory_space<hbm>> -> memref<80x128xf32, #tpu.memory_space<hbm>>
      tpu.enqueue_dma source(%dma_start3A_288 : memref<80x128xf32, #tpu.memory_space<hbm>>) target(%arg10 : memref<80x128xf32, #tpu.memory_space<vmem>>) target_semaphore(%arg20 : memref<!tpu.dma_semaphore, #tpu.memory_space<semaphore_mem>>)
      %mul3A_289 = arith.constant 80 : i32
      %mul3A_290 = arith.muli %add3A_272, %mul3A_289 : i32
      %add3A_291 = arith.addi %mul3A_47, %mul3A_290 : i32
      %dma_wait3A_292 = tpu.memref_slice %arg3[%add3A_291] : memref<160000xi32, #tpu.memory_space<hbm>> -> memref<80xi32, #tpu.memory_space<hbm>>
      %dma_wait3A_293 = tpu.memref_slice %arg3[%add3A_291] : memref<160000xi32, #tpu.memory_space<hbm>> -> memref<80xi32, #tpu.memory_space<hbm>>
      tpu.wait_dma2 semaphore(%arg18 : memref<!tpu.dma_semaphore, #tpu.memory_space<semaphore_mem>>) src(%dma_wait3A_293 : memref<80xi32, #tpu.memory_space<hbm>>) dst(%arg8 : memref<80xi32, #tpu.memory_space<vmem>>)
      %dma_wait3A_294 = arith.constant 0 : i32
      %dma_wait3A_295 = tpu.memref_slice %arg2[%arg0, %add3A_291, %dma_wait3A_294] : memref<3x160000x128xf32, #tpu.memory_space<hbm>> -> memref<1x80x128xf32, #tpu.memory_space<hbm>>
      %dma_wait3A_296 = tpu.memref_squeeze %dma_wait3A_295 : memref<1x80x128xf32, #tpu.memory_space<hbm>> -> memref<80x128xf32, #tpu.memory_space<hbm>>
      %dma_wait3A_297 = arith.constant 0 : i32
      %dma_wait3A_298 = tpu.memref_slice %arg2[%arg0, %add3A_291, %dma_wait3A_297] : memref<3x160000x128xf32, #tpu.memory_space<hbm>> -> memref<1x80x128xf32, #tpu.memory_space<hbm>>
      %dma_wait3A_299 = tpu.memref_squeeze %dma_wait3A_298 : memref<1x80x128xf32, #tpu.memory_space<hbm>> -> memref<80x128xf32, #tpu.memory_space<hbm>>
      tpu.wait_dma2 semaphore(%arg22 : memref<!tpu.dma_semaphore, #tpu.memory_space<semaphore_mem>>) src(%dma_wait3A_299 : memref<80x128xf32, #tpu.memory_space<hbm>>) dst(%arg12 : memref<80x128xf32, #tpu.memory_space<vmem>>)
      %dma_start3A_300 = arith.constant 0 : i32
      %dma_start3A_301 = arith.constant 0 : i32
      %dma_start3A_302 = tpu.memref_slice %arg15[%dma_start3A_300, %dma_start3A_301] : memref<10240x128xf32, #tpu.memory_space<vmem_shared>> -> memref<10240x128xf32, #tpu.memory_space<vmem_shared>>
      tpu.enqueue_indirect_dma source(%arg12 : memref<80x128xf32, #tpu.memory_space<vmem>>) target(%dma_start3A_302 : memref<10240x128xf32, #tpu.memory_space<vmem_shared>>) offsets(%arg8 : memref<80xi32, #tpu.memory_space<vmem>>) semaphore(%arg26 : memref<!tpu.dma_semaphore, #tpu.memory_space<semaphore_mem>>) {add = true}
      %mul3A_303 = arith.constant 4 : i32
      %mul3A_304 = arith.muli %scan3A_214, %mul3A_303 : i32
      %add3A_305 = arith.constant 3 : i32
      %add3A_306 = arith.addi %mul3A_304, %add3A_305 : i32
      %dma_wait3A_307 = arith.constant 0 : i32
      %dma_wait3A_308 = arith.constant 0 : i32
      %dma_wait3A_309 = tpu.memref_slice %arg15[%dma_wait3A_307, %dma_wait3A_308] : memref<10240x128xf32, #tpu.memory_space<vmem_shared>> -> memref<10240x128xf32, #tpu.memory_space<vmem_shared>>
      tpu.wait_indirect_dma semaphore(%arg25 : memref<!tpu.dma_semaphore, #tpu.memory_space<semaphore_mem>>) src(%arg11 : memref<80x128xf32, #tpu.memory_space<vmem>>) dst(%dma_wait3A_309 : memref<10240x128xf32, #tpu.memory_space<vmem_shared>>)
      %add3A_310 = arith.constant 2 : i32
      %add3A_311 = arith.addi %add3A_306, %add3A_310 : i32
      %lt3A_312 = arith.constant 125 : i32
      %lt3A_313 = arith.cmpi slt, %add3A_311, %lt3A_312 : i32
      %convert_element_type3A_314 = arith.extui %lt3A_313 : i1 to i32
      %cond3A_315 = arith.constant 0 : i32
      %cond3A_316 = arith.cmpi ne, %convert_element_type3A_314, %cond3A_315 : i32
      scf.if %cond3A_316 {
        %add3A_331 = arith.constant 2 : i32
        %add3A_332 = arith.addi %add3A_306, %add3A_331 : i32
        %mul3A_333 = arith.constant 80 : i32
        %mul3A_334 = arith.muli %add3A_332, %mul3A_333 : i32
        %add3A_335 = arith.addi %mul3A_47, %mul3A_334 : i32
        %dma_start3A_336 = tpu.memref_slice %arg3[%add3A_335] : memref<160000xi32, #tpu.memory_space<hbm>> -> memref<80xi32, #tpu.memory_space<hbm>>
        %dma_start3A_337 = tpu.memref_slice %arg3[%add3A_335] : memref<160000xi32, #tpu.memory_space<hbm>> -> memref<80xi32, #tpu.memory_space<hbm>>
        tpu.enqueue_dma source(%dma_start3A_337 : memref<80xi32, #tpu.memory_space<hbm>>) target(%arg7 : memref<80xi32, #tpu.memory_space<vmem>>) target_semaphore(%arg17 : memref<!tpu.dma_semaphore, #tpu.memory_space<semaphore_mem>>)
        %dma_start3A_338 = arith.constant 0 : i32
        %dma_start3A_339 = tpu.memref_slice %arg2[%arg0, %add3A_335, %dma_start3A_338] : memref<3x160000x128xf32, #tpu.memory_space<hbm>> -> memref<1x80x128xf32, #tpu.memory_space<hbm>>
        %dma_start3A_340 = tpu.memref_squeeze %dma_start3A_339 : memref<1x80x128xf32, #tpu.memory_space<hbm>> -> memref<80x128xf32, #tpu.memory_space<hbm>>
        %dma_start3A_341 = arith.constant 0 : i32
        %dma_start3A_342 = tpu.memref_slice %arg2[%arg0, %add3A_335, %dma_start3A_341] : memref<3x160000x128xf32, #tpu.memory_space<hbm>> -> memref<1x80x128xf32, #tpu.memory_space<hbm>>
        %dma_start3A_343 = tpu.memref_squeeze %dma_start3A_342 : memref<1x80x128xf32, #tpu.memory_space<hbm>> -> memref<80x128xf32, #tpu.memory_space<hbm>>
        tpu.enqueue_dma source(%dma_start3A_343 : memref<80x128xf32, #tpu.memory_space<hbm>>) target(%arg11 : memref<80x128xf32, #tpu.memory_space<vmem>>) target_semaphore(%arg21 : memref<!tpu.dma_semaphore, #tpu.memory_space<semaphore_mem>>)
      } else {
      }
      %mul3A_317 = arith.constant 80 : i32
      %mul3A_318 = arith.muli %add3A_306, %mul3A_317 : i32
      %add3A_319 = arith.addi %mul3A_47, %mul3A_318 : i32
      %dma_wait3A_320 = tpu.memref_slice %arg3[%add3A_319] : memref<160000xi32, #tpu.memory_space<hbm>> -> memref<80xi32, #tpu.memory_space<hbm>>
      %dma_wait3A_321 = tpu.memref_slice %arg3[%add3A_319] : memref<160000xi32, #tpu.memory_space<hbm>> -> memref<80xi32, #tpu.memory_space<hbm>>
      tpu.wait_dma2 semaphore(%arg19 : memref<!tpu.dma_semaphore, #tpu.memory_space<semaphore_mem>>) src(%dma_wait3A_321 : memref<80xi32, #tpu.memory_space<hbm>>) dst(%arg9 : memref<80xi32, #tpu.memory_space<vmem>>)
      %dma_wait3A_322 = arith.constant 0 : i32
      %dma_wait3A_323 = tpu.memref_slice %arg2[%arg0, %add3A_319, %dma_wait3A_322] : memref<3x160000x128xf32, #tpu.memory_space<hbm>> -> memref<1x80x128xf32, #tpu.memory_space<hbm>>
      %dma_wait3A_324 = tpu.memref_squeeze %dma_wait3A_323 : memref<1x80x128xf32, #tpu.memory_space<hbm>> -> memref<80x128xf32, #tpu.memory_space<hbm>>
      %dma_wait3A_325 = arith.constant 0 : i32
      %dma_wait3A_326 = tpu.memref_slice %arg2[%arg0, %add3A_319, %dma_wait3A_325] : memref<3x160000x128xf32, #tpu.memory_space<hbm>> -> memref<1x80x128xf32, #tpu.memory_space<hbm>>
      %dma_wait3A_327 = tpu.memref_squeeze %dma_wait3A_326 : memref<1x80x128xf32, #tpu.memory_space<hbm>> -> memref<80x128xf32, #tpu.memory_space<hbm>>
      tpu.wait_dma2 semaphore(%arg23 : memref<!tpu.dma_semaphore, #tpu.memory_space<semaphore_mem>>) src(%dma_wait3A_327 : memref<80x128xf32, #tpu.memory_space<hbm>>) dst(%arg13 : memref<80x128xf32, #tpu.memory_space<vmem>>)
      %dma_start3A_328 = arith.constant 0 : i32
      %dma_start3A_329 = arith.constant 0 : i32
      %dma_start3A_330 = tpu.memref_slice %arg15[%dma_start3A_328, %dma_start3A_329] : memref<10240x128xf32, #tpu.memory_space<vmem_shared>> -> memref<10240x128xf32, #tpu.memory_space<vmem_shared>>
      tpu.enqueue_indirect_dma source(%arg13 : memref<80x128xf32, #tpu.memory_space<vmem>>) target(%dma_start3A_330 : memref<10240x128xf32, #tpu.memory_space<vmem_shared>>) offsets(%arg9 : memref<80xi32, #tpu.memory_space<vmem>>) semaphore(%arg27 : memref<!tpu.dma_semaphore, #tpu.memory_space<semaphore_mem>>) {add = true}
    }
    %scan3A_72 = arith.constant 31 : i32
    %dma_wait3A = arith.constant 0 : i32
    %dma_wait3A_73 = arith.constant 0 : i32
    %dma_wait3A_74 = tpu.memref_slice %arg15[%dma_wait3A, %dma_wait3A_73] : memref<10240x128xf32, #tpu.memory_space<vmem_shared>> -> memref<10240x128xf32, #tpu.memory_space<vmem_shared>>
    tpu.wait_indirect_dma semaphore(%arg26 : memref<!tpu.dma_semaphore, #tpu.memory_space<semaphore_mem>>) src(%arg12 : memref<80x128xf32, #tpu.memory_space<vmem>>) dst(%dma_wait3A_74 : memref<10240x128xf32, #tpu.memory_space<vmem_shared>>)
    %add3A_75 = arith.constant 9920 : i32
    %add3A_76 = arith.addi %mul3A_47, %add3A_75 : i32
    %dma_wait3A_77 = tpu.memref_slice %arg3[%add3A_76] : memref<160000xi32, #tpu.memory_space<hbm>> -> memref<80xi32, #tpu.memory_space<hbm>>
    %dma_wait3A_78 = tpu.memref_slice %arg3[%add3A_76] : memref<160000xi32, #tpu.memory_space<hbm>> -> memref<80xi32, #tpu.memory_space<hbm>>
    tpu.wait_dma2 semaphore(%arg16 : memref<!tpu.dma_semaphore, #tpu.memory_space<semaphore_mem>>) src(%dma_wait3A_78 : memref<80xi32, #tpu.memory_space<hbm>>) dst(%arg6 : memref<80xi32, #tpu.memory_space<vmem>>)
    %dma_wait3A_79 = arith.constant 0 : i32
    %dma_wait3A_80 = tpu.memref_slice %arg2[%arg0, %add3A_76, %dma_wait3A_79] : memref<3x160000x128xf32, #tpu.memory_space<hbm>> -> memref<1x80x128xf32, #tpu.memory_space<hbm>>
    %dma_wait3A_81 = tpu.memref_squeeze %dma_wait3A_80 : memref<1x80x128xf32, #tpu.memory_space<hbm>> -> memref<80x128xf32, #tpu.memory_space<hbm>>
    %dma_wait3A_82 = arith.constant 0 : i32
    %dma_wait3A_83 = tpu.memref_slice %arg2[%arg0, %add3A_76, %dma_wait3A_82] : memref<3x160000x128xf32, #tpu.memory_space<hbm>> -> memref<1x80x128xf32, #tpu.memory_space<hbm>>
    %dma_wait3A_84 = tpu.memref_squeeze %dma_wait3A_83 : memref<1x80x128xf32, #tpu.memory_space<hbm>> -> memref<80x128xf32, #tpu.memory_space<hbm>>
    tpu.wait_dma2 semaphore(%arg20 : memref<!tpu.dma_semaphore, #tpu.memory_space<semaphore_mem>>) src(%dma_wait3A_84 : memref<80x128xf32, #tpu.memory_space<hbm>>) dst(%arg10 : memref<80x128xf32, #tpu.memory_space<vmem>>)
    %dma_start3A_85 = arith.constant 0 : i32
    %dma_start3A_86 = arith.constant 0 : i32
    %dma_start3A_87 = tpu.memref_slice %arg15[%dma_start3A_85, %dma_start3A_86] : memref<10240x128xf32, #tpu.memory_space<vmem_shared>> -> memref<10240x128xf32, #tpu.memory_space<vmem_shared>>
    tpu.enqueue_indirect_dma source(%arg10 : memref<80x128xf32, #tpu.memory_space<vmem>>) target(%dma_start3A_87 : memref<10240x128xf32, #tpu.memory_space<vmem_shared>>) offsets(%arg6 : memref<80xi32, #tpu.memory_space<vmem>>) semaphore(%arg24 : memref<!tpu.dma_semaphore, #tpu.memory_space<semaphore_mem>>) {add = true}
    %dma_wait3A_88 = arith.constant 0 : i32
    %dma_wait3A_89 = arith.constant 0 : i32
    %dma_wait3A_90 = tpu.memref_slice %arg15[%dma_wait3A_88, %dma_wait3A_89] : memref<10240x128xf32, #tpu.memory_space<vmem_shared>> -> memref<10240x128xf32, #tpu.memory_space<vmem_shared>>
    tpu.wait_indirect_dma semaphore(%arg27 : memref<!tpu.dma_semaphore, #tpu.memory_space<semaphore_mem>>) src(%arg13 : memref<80x128xf32, #tpu.memory_space<vmem>>) dst(%dma_wait3A_90 : memref<10240x128xf32, #tpu.memory_space<vmem_shared>>)
    %dma_wait3A_91 = arith.constant 0 : i32
    %dma_wait3A_92 = arith.constant 0 : i32
    %dma_wait3A_93 = tpu.memref_slice %arg15[%dma_wait3A_91, %dma_wait3A_92] : memref<10240x128xf32, #tpu.memory_space<vmem_shared>> -> memref<10240x128xf32, #tpu.memory_space<vmem_shared>>
    tpu.wait_indirect_dma semaphore(%arg24 : memref<!tpu.dma_semaphore, #tpu.memory_space<semaphore_mem>>) src(%arg10 : memref<80x128xf32, #tpu.memory_space<vmem>>) dst(%dma_wait3A_93 : memref<10240x128xf32, #tpu.memory_space<vmem_shared>>)
    %barrier3A_94 = arith.constant 0 : index
    tpu.barrier barrier_id(%barrier3A_94)
    %mul3A_95 = arith.constant 128 : i32
    %mul3A_96 = arith.muli %arg0, %mul3A_95 : i32
    "tpu.region"() ({
      %run_scoped3A = tpu.sem_alloc : memref<!tpu.dma_semaphore, #tpu.memory_space<semaphore_mem>>
      %dma_start3A_214 = tpu.memref_slice %arg4[%mul3A_0, %mul3A_96] : memref<10240x256xf32, #tpu.memory_space<hbm>> -> memref<640x128xf32, #tpu.memory_space<hbm>>
      %dma_start3A_215 = arith.constant 0 : i32
      %dma_start3A_216 = tpu.memref_slice %arg15[%mul3A_0, %dma_start3A_215] : memref<10240x128xf32, #tpu.memory_space<vmem_shared>> -> memref<640x128xf32, #tpu.memory_space<vmem_shared>>
      tpu.enqueue_dma source(%dma_start3A_216 : memref<640x128xf32, #tpu.memory_space<vmem_shared>>) target(%dma_start3A_214 : memref<640x128xf32, #tpu.memory_space<hbm>>) target_semaphore(%run_scoped3A : memref<!tpu.dma_semaphore, #tpu.memory_space<semaphore_mem>>)
      %dma_wait3A_217 = tpu.memref_slice %arg4[%mul3A_0, %mul3A_96] : memref<10240x256xf32, #tpu.memory_space<hbm>> -> memref<640x128xf32, #tpu.memory_space<hbm>>
      %dma_wait3A_218 = arith.constant 0 : i32
      %dma_wait3A_219 = tpu.memref_slice %arg15[%mul3A_0, %dma_wait3A_218] : memref<10240x128xf32, #tpu.memory_space<vmem_shared>> -> memref<640x128xf32, #tpu.memory_space<vmem_shared>>
      tpu.wait_dma2 semaphore(%run_scoped3A : memref<!tpu.dma_semaphore, #tpu.memory_space<semaphore_mem>>) src(%dma_wait3A_219 : memref<640x128xf32, #tpu.memory_space<vmem_shared>>) dst(%dma_wait3A_217 : memref<640x128xf32, #tpu.memory_space<hbm>>)
      tpu.yield
    }) : () -> ()
    %add3A_97 = arith.constant 0 : i32
    %add3A_98 = arith.addi %mul3A_0, %add3A_97 : i32
    "tpu.region"() ({
      %run_scoped3A = tpu.sem_alloc : memref<!tpu.dma_semaphore, #tpu.memory_space<semaphore_mem>>
      %dma_start3A_214 = arith.constant 0 : i32
      %dma_start3A_215 = tpu.memref_slice %arg15[%add3A_98, %dma_start3A_214] : memref<10240x128xf32, #tpu.memory_space<vmem_shared>> -> memref<32x128xf32, #tpu.memory_space<vmem_shared>>
      %dma_start3A_216 = arith.constant 0 : i32
      %dma_start3A_217 = tpu.memref_slice %arg15[%add3A_98, %dma_start3A_216] : memref<10240x128xf32, #tpu.memory_space<vmem_shared>> -> memref<32x128xf32, #tpu.memory_space<vmem_shared>>
      tpu.enqueue_dma source(%arg14 : memref<32x128xf32, #tpu.memory_space<vmem>>) target(%dma_start3A_217 : memref<32x128xf32, #tpu.memory_space<vmem_shared>>) target_semaphore(%run_scoped3A : memref<!tpu.dma_semaphore, #tpu.memory_space<semaphore_mem>>)
      %dma_wait3A_218 = arith.constant 0 : i32
      %dma_wait3A_219 = tpu.memref_slice %arg15[%add3A_98, %dma_wait3A_218] : memref<10240x128xf32, #tpu.memory_space<vmem_shared>> -> memref<32x128xf32, #tpu.memory_space<vmem_shared>>
      %dma_wait3A_220 = arith.constant 0 : i32
      %dma_wait3A_221 = tpu.memref_slice %arg15[%add3A_98, %dma_wait3A_220] : memref<10240x128xf32, #tpu.memory_space<vmem_shared>> -> memref<32x128xf32, #tpu.memory_space<vmem_shared>>
      tpu.wait_dma2 semaphore(%run_scoped3A : memref<!tpu.dma_semaphore, #tpu.memory_space<semaphore_mem>>) src(%arg14 : memref<32x128xf32, #tpu.memory_space<vmem>>) dst(%dma_wait3A_221 : memref<32x128xf32, #tpu.memory_space<vmem_shared>>)
      tpu.yield
    }) : () -> ()
    %add3A_99 = arith.constant 32 : i32
    %add3A_100 = arith.addi %mul3A_0, %add3A_99 : i32
    "tpu.region"() ({
      %run_scoped3A = tpu.sem_alloc : memref<!tpu.dma_semaphore, #tpu.memory_space<semaphore_mem>>
      %dma_start3A_214 = arith.constant 0 : i32
      %dma_start3A_215 = tpu.memref_slice %arg15[%add3A_100, %dma_start3A_214] : memref<10240x128xf32, #tpu.memory_space<vmem_shared>> -> memref<32x128xf32, #tpu.memory_space<vmem_shared>>
      %dma_start3A_216 = arith.constant 0 : i32
      %dma_start3A_217 = tpu.memref_slice %arg15[%add3A_100, %dma_start3A_216] : memref<10240x128xf32, #tpu.memory_space<vmem_shared>> -> memref<32x128xf32, #tpu.memory_space<vmem_shared>>
      tpu.enqueue_dma source(%arg14 : memref<32x128xf32, #tpu.memory_space<vmem>>) target(%dma_start3A_217 : memref<32x128xf32, #tpu.memory_space<vmem_shared>>) target_semaphore(%run_scoped3A : memref<!tpu.dma_semaphore, #tpu.memory_space<semaphore_mem>>)
      %dma_wait3A_218 = arith.constant 0 : i32
      %dma_wait3A_219 = tpu.memref_slice %arg15[%add3A_100, %dma_wait3A_218] : memref<10240x128xf32, #tpu.memory_space<vmem_shared>> -> memref<32x128xf32, #tpu.memory_space<vmem_shared>>
      %dma_wait3A_220 = arith.constant 0 : i32
      %dma_wait3A_221 = tpu.memref_slice %arg15[%add3A_100, %dma_wait3A_220] : memref<10240x128xf32, #tpu.memory_space<vmem_shared>> -> memref<32x128xf32, #tpu.memory_space<vmem_shared>>
      tpu.wait_dma2 semaphore(%run_scoped3A : memref<!tpu.dma_semaphore, #tpu.memory_space<semaphore_mem>>) src(%arg14 : memref<32x128xf32, #tpu.memory_space<vmem>>) dst(%dma_wait3A_221 : memref<32x128xf32, #tpu.memory_space<vmem_shared>>)
      tpu.yield
    }) : () -> ()
    %add3A_101 = arith.constant 64 : i32
    %add3A_102 = arith.addi %mul3A_0, %add3A_101 : i32
    "tpu.region"() ({
      %run_scoped3A = tpu.sem_alloc : memref<!tpu.dma_semaphore, #tpu.memory_space<semaphore_mem>>
      %dma_start3A_214 = arith.constant 0 : i32
      %dma_start3A_215 = tpu.memref_slice %arg15[%add3A_102, %dma_start3A_214] : memref<10240x128xf32, #tpu.memory_space<vmem_shared>> -> memref<32x128xf32, #tpu.memory_space<vmem_shared>>
      %dma_start3A_216 = arith.constant 0 : i32
      %dma_start3A_217 = tpu.memref_slice %arg15[%add3A_102, %dma_start3A_216] : memref<10240x128xf32, #tpu.memory_space<vmem_shared>> -> memref<32x128xf32, #tpu.memory_space<vmem_shared>>
      tpu.enqueue_dma source(%arg14 : memref<32x128xf32, #tpu.memory_space<vmem>>) target(%dma_start3A_217 : memref<32x128xf32, #tpu.memory_space<vmem_shared>>) target_semaphore(%run_scoped3A : memref<!tpu.dma_semaphore, #tpu.memory_space<semaphore_mem>>)
      %dma_wait3A_218 = arith.constant 0 : i32
      %dma_wait3A_219 = tpu.memref_slice %arg15[%add3A_102, %dma_wait3A_218] : memref<10240x128xf32, #tpu.memory_space<vmem_shared>> -> memref<32x128xf32, #tpu.memory_space<vmem_shared>>
      %dma_wait3A_220 = arith.constant 0 : i32
      %dma_wait3A_221 = tpu.memref_slice %arg15[%add3A_102, %dma_wait3A_220] : memref<10240x128xf32, #tpu.memory_space<vmem_shared>> -> memref<32x128xf32, #tpu.memory_space<vmem_shared>>
      tpu.wait_dma2 semaphore(%run_scoped3A : memref<!tpu.dma_semaphore, #tpu.memory_space<semaphore_mem>>) src(%arg14 : memref<32x128xf32, #tpu.memory_space<vmem>>) dst(%dma_wait3A_221 : memref<32x128xf32, #tpu.memory_space<vmem_shared>>)
      tpu.yield
    }) : () -> ()
    %add3A_103 = arith.constant 96 : i32
    %add3A_104 = arith.addi %mul3A_0, %add3A_103 : i32
    "tpu.region"() ({
      %run_scoped3A = tpu.sem_alloc : memref<!tpu.dma_semaphore, #tpu.memory_space<semaphore_mem>>
      %dma_start3A_214 = arith.constant 0 : i32
      %dma_start3A_215 = tpu.memref_slice %arg15[%add3A_104, %dma_start3A_214] : memref<10240x128xf32, #tpu.memory_space<vmem_shared>> -> memref<32x128xf32, #tpu.memory_space<vmem_shared>>
      %dma_start3A_216 = arith.constant 0 : i32
      %dma_start3A_217 = tpu.memref_slice %arg15[%add3A_104, %dma_start3A_216] : memref<10240x128xf32, #tpu.memory_space<vmem_shared>> -> memref<32x128xf32, #tpu.memory_space<vmem_shared>>
      tpu.enqueue_dma source(%arg14 : memref<32x128xf32, #tpu.memory_space<vmem>>) target(%dma_start3A_217 : memref<32x128xf32, #tpu.memory_space<vmem_shared>>) target_semaphore(%run_scoped3A : memref<!tpu.dma_semaphore, #tpu.memory_space<semaphore_mem>>)
      %dma_wait3A_218 = arith.constant 0 : i32
      %dma_wait3A_219 = tpu.memref_slice %arg15[%add3A_104, %dma_wait3A_218] : memref<10240x128xf32, #tpu.memory_space<vmem_shared>> -> memref<32x128xf32, #tpu.memory_space<vmem_shared>>
      %dma_wait3A_220 = arith.constant 0 : i32
      %dma_wait3A_221 = tpu.memref_slice %arg15[%add3A_104, %dma_wait3A_220] : memref<10240x128xf32, #tpu.memory_space<vmem_shared>> -> memref<32x128xf32, #tpu.memory_space<vmem_shared>>
      tpu.wait_dma2 semaphore(%run_scoped3A : memref<!tpu.dma_semaphore, #tpu.memory_space<semaphore_mem>>) src(%arg14 : memref<32x128xf32, #tpu.memory_space<vmem>>) dst(%dma_wait3A_221 : memref<32x128xf32, #tpu.memory_space<vmem_shared>>)
      tpu.yield
    }) : () -> ()
    %add3A_105 = arith.constant 128 : i32
    %add3A_106 = arith.addi %mul3A_0, %add3A_105 : i32
    "tpu.region"() ({
      %run_scoped3A = tpu.sem_alloc : memref<!tpu.dma_semaphore, #tpu.memory_space<semaphore_mem>>
      %dma_start3A_214 = arith.constant 0 : i32
      %dma_start3A_215 = tpu.memref_slice %arg15[%add3A_106, %dma_start3A_214] : memref<10240x128xf32, #tpu.memory_space<vmem_shared>> -> memref<32x128xf32, #tpu.memory_space<vmem_shared>>
      %dma_start3A_216 = arith.constant 0 : i32
      %dma_start3A_217 = tpu.memref_slice %arg15[%add3A_106, %dma_start3A_216] : memref<10240x128xf32, #tpu.memory_space<vmem_shared>> -> memref<32x128xf32, #tpu.memory_space<vmem_shared>>
      tpu.enqueue_dma source(%arg14 : memref<32x128xf32, #tpu.memory_space<vmem>>) target(%dma_start3A_217 : memref<32x128xf32, #tpu.memory_space<vmem_shared>>) target_semaphore(%run_scoped3A : memref<!tpu.dma_semaphore, #tpu.memory_space<semaphore_mem>>)
      %dma_wait3A_218 = arith.constant 0 : i32
      %dma_wait3A_219 = tpu.memref_slice %arg15[%add3A_106, %dma_wait3A_218] : memref<10240x128xf32, #tpu.memory_space<vmem_shared>> -> memref<32x128xf32, #tpu.memory_space<vmem_shared>>
      %dma_wait3A_220 = arith.constant 0 : i32
      %dma_wait3A_221 = tpu.memref_slice %arg15[%add3A_106, %dma_wait3A_220] : memref<10240x128xf32, #tpu.memory_space<vmem_shared>> -> memref<32x128xf32, #tpu.memory_space<vmem_shared>>
      tpu.wait_dma2 semaphore(%run_scoped3A : memref<!tpu.dma_semaphore, #tpu.memory_space<semaphore_mem>>) src(%arg14 : memref<32x128xf32, #tpu.memory_space<vmem>>) dst(%dma_wait3A_221 : memref<32x128xf32, #tpu.memory_space<vmem_shared>>)
      tpu.yield
    }) : () -> ()
    %add3A_107 = arith.constant 160 : i32
    %add3A_108 = arith.addi %mul3A_0, %add3A_107 : i32
    "tpu.region"() ({
      %run_scoped3A = tpu.sem_alloc : memref<!tpu.dma_semaphore, #tpu.memory_space<semaphore_mem>>
      %dma_start3A_214 = arith.constant 0 : i32
      %dma_start3A_215 = tpu.memref_slice %arg15[%add3A_108, %dma_start3A_214] : memref<10240x128xf32, #tpu.memory_space<vmem_shared>> -> memref<32x128xf32, #tpu.memory_space<vmem_shared>>
      %dma_start3A_216 = arith.constant 0 : i32
      %dma_start3A_217 = tpu.memref_slice %arg15[%add3A_108, %dma_start3A_216] : memref<10240x128xf32, #tpu.memory_space<vmem_shared>> -> memref<32x128xf32, #tpu.memory_space<vmem_shared>>
      tpu.enqueue_dma source(%arg14 : memref<32x128xf32, #tpu.memory_space<vmem>>) target(%dma_start3A_217 : memref<32x128xf32, #tpu.memory_space<vmem_shared>>) target_semaphore(%run_scoped3A : memref<!tpu.dma_semaphore, #tpu.memory_space<semaphore_mem>>)
      %dma_wait3A_218 = arith.constant 0 : i32
      %dma_wait3A_219 = tpu.memref_slice %arg15[%add3A_108, %dma_wait3A_218] : memref<10240x128xf32, #tpu.memory_space<vmem_shared>> -> memref<32x128xf32, #tpu.memory_space<vmem_shared>>
      %dma_wait3A_220 = arith.constant 0 : i32
      %dma_wait3A_221 = tpu.memref_slice %arg15[%add3A_108, %dma_wait3A_220] : memref<10240x128xf32, #tpu.memory_space<vmem_shared>> -> memref<32x128xf32, #tpu.memory_space<vmem_shared>>
      tpu.wait_dma2 semaphore(%run_scoped3A : memref<!tpu.dma_semaphore, #tpu.memory_space<semaphore_mem>>) src(%arg14 : memref<32x128xf32, #tpu.memory_space<vmem>>) dst(%dma_wait3A_221 : memref<32x128xf32, #tpu.memory_space<vmem_shared>>)
      tpu.yield
    }) : () -> ()
    %add3A_109 = arith.constant 192 : i32
    %add3A_110 = arith.addi %mul3A_0, %add3A_109 : i32
    "tpu.region"() ({
      %run_scoped3A = tpu.sem_alloc : memref<!tpu.dma_semaphore, #tpu.memory_space<semaphore_mem>>
      %dma_start3A_214 = arith.constant 0 : i32
      %dma_start3A_215 = tpu.memref_slice %arg15[%add3A_110, %dma_start3A_214] : memref<10240x128xf32, #tpu.memory_space<vmem_shared>> -> memref<32x128xf32, #tpu.memory_space<vmem_shared>>
      %dma_start3A_216 = arith.constant 0 : i32
      %dma_start3A_217 = tpu.memref_slice %arg15[%add3A_110, %dma_start3A_216] : memref<10240x128xf32, #tpu.memory_space<vmem_shared>> -> memref<32x128xf32, #tpu.memory_space<vmem_shared>>
      tpu.enqueue_dma source(%arg14 : memref<32x128xf32, #tpu.memory_space<vmem>>) target(%dma_start3A_217 : memref<32x128xf32, #tpu.memory_space<vmem_shared>>) target_semaphore(%run_scoped3A : memref<!tpu.dma_semaphore, #tpu.memory_space<semaphore_mem>>)
      %dma_wait3A_218 = arith.constant 0 : i32
      %dma_wait3A_219 = tpu.memref_slice %arg15[%add3A_110, %dma_wait3A_218] : memref<10240x128xf32, #tpu.memory_space<vmem_shared>> -> memref<32x128xf32, #tpu.memory_space<vmem_shared>>
      %dma_wait3A_220 = arith.constant 0 : i32
      %dma_wait3A_221 = tpu.memref_slice %arg15[%add3A_110, %dma_wait3A_220] : memref<10240x128xf32, #tpu.memory_space<vmem_shared>> -> memref<32x128xf32, #tpu.memory_space<vmem_shared>>
      tpu.wait_dma2 semaphore(%run_scoped3A : memref<!tpu.dma_semaphore, #tpu.memory_space<semaphore_mem>>) src(%arg14 : memref<32x128xf32, #tpu.memory_space<vmem>>) dst(%dma_wait3A_221 : memref<32x128xf32, #tpu.memory_space<vmem_shared>>)
      tpu.yield
    }) : () -> ()
    %add3A_111 = arith.constant 224 : i32
    %add3A_112 = arith.addi %mul3A_0, %add3A_111 : i32
    "tpu.region"() ({
      %run_scoped3A = tpu.sem_alloc : memref<!tpu.dma_semaphore, #tpu.memory_space<semaphore_mem>>
      %dma_start3A_214 = arith.constant 0 : i32
      %dma_start3A_215 = tpu.memref_slice %arg15[%add3A_112, %dma_start3A_214] : memref<10240x128xf32, #tpu.memory_space<vmem_shared>> -> memref<32x128xf32, #tpu.memory_space<vmem_shared>>
      %dma_start3A_216 = arith.constant 0 : i32
      %dma_start3A_217 = tpu.memref_slice %arg15[%add3A_112, %dma_start3A_216] : memref<10240x128xf32, #tpu.memory_space<vmem_shared>> -> memref<32x128xf32, #tpu.memory_space<vmem_shared>>
      tpu.enqueue_dma source(%arg14 : memref<32x128xf32, #tpu.memory_space<vmem>>) target(%dma_start3A_217 : memref<32x128xf32, #tpu.memory_space<vmem_shared>>) target_semaphore(%run_scoped3A : memref<!tpu.dma_semaphore, #tpu.memory_space<semaphore_mem>>)
      %dma_wait3A_218 = arith.constant 0 : i32
      %dma_wait3A_219 = tpu.memref_slice %arg15[%add3A_112, %dma_wait3A_218] : memref<10240x128xf32, #tpu.memory_space<vmem_shared>> -> memref<32x128xf32, #tpu.memory_space<vmem_shared>>
      %dma_wait3A_220 = arith.constant 0 : i32
      %dma_wait3A_221 = tpu.memref_slice %arg15[%add3A_112, %dma_wait3A_220] : memref<10240x128xf32, #tpu.memory_space<vmem_shared>> -> memref<32x128xf32, #tpu.memory_space<vmem_shared>>
      tpu.wait_dma2 semaphore(%run_scoped3A : memref<!tpu.dma_semaphore, #tpu.memory_space<semaphore_mem>>) src(%arg14 : memref<32x128xf32, #tpu.memory_space<vmem>>) dst(%dma_wait3A_221 : memref<32x128xf32, #tpu.memory_space<vmem_shared>>)
      tpu.yield
    }) : () -> ()
    %add3A_113 = arith.constant 256 : i32
    %add3A_114 = arith.addi %mul3A_0, %add3A_113 : i32
    "tpu.region"() ({
      %run_scoped3A = tpu.sem_alloc : memref<!tpu.dma_semaphore, #tpu.memory_space<semaphore_mem>>
      %dma_start3A_214 = arith.constant 0 : i32
      %dma_start3A_215 = tpu.memref_slice %arg15[%add3A_114, %dma_start3A_214] : memref<10240x128xf32, #tpu.memory_space<vmem_shared>> -> memref<32x128xf32, #tpu.memory_space<vmem_shared>>
      %dma_start3A_216 = arith.constant 0 : i32
      %dma_start3A_217 = tpu.memref_slice %arg15[%add3A_114, %dma_start3A_216] : memref<10240x128xf32, #tpu.memory_space<vmem_shared>> -> memref<32x128xf32, #tpu.memory_space<vmem_shared>>
      tpu.enqueue_dma source(%arg14 : memref<32x128xf32, #tpu.memory_space<vmem>>) target(%dma_start3A_217 : memref<32x128xf32, #tpu.memory_space<vmem_shared>>) target_semaphore(%run_scoped3A : memref<!tpu.dma_semaphore, #tpu.memory_space<semaphore_mem>>)
      %dma_wait3A_218 = arith.constant 0 : i32
      %dma_wait3A_219 = tpu.memref_slice %arg15[%add3A_114, %dma_wait3A_218] : memref<10240x128xf32, #tpu.memory_space<vmem_shared>> -> memref<32x128xf32, #tpu.memory_space<vmem_shared>>
      %dma_wait3A_220 = arith.constant 0 : i32
      %dma_wait3A_221 = tpu.memref_slice %arg15[%add3A_114, %dma_wait3A_220] : memref<10240x128xf32, #tpu.memory_space<vmem_shared>> -> memref<32x128xf32, #tpu.memory_space<vmem_shared>>
      tpu.wait_dma2 semaphore(%run_scoped3A : memref<!tpu.dma_semaphore, #tpu.memory_space<semaphore_mem>>) src(%arg14 : memref<32x128xf32, #tpu.memory_space<vmem>>) dst(%dma_wait3A_221 : memref<32x128xf32, #tpu.memory_space<vmem_shared>>)
      tpu.yield
    }) : () -> ()
    %add3A_115 = arith.constant 288 : i32
    %add3A_116 = arith.addi %mul3A_0, %add3A_115 : i32
    "tpu.region"() ({
      %run_scoped3A = tpu.sem_alloc : memref<!tpu.dma_semaphore, #tpu.memory_space<semaphore_mem>>
      %dma_start3A_214 = arith.constant 0 : i32
      %dma_start3A_215 = tpu.memref_slice %arg15[%add3A_116, %dma_start3A_214] : memref<10240x128xf32, #tpu.memory_space<vmem_shared>> -> memref<32x128xf32, #tpu.memory_space<vmem_shared>>
      %dma_start3A_216 = arith.constant 0 : i32
      %dma_start3A_217 = tpu.memref_slice %arg15[%add3A_116, %dma_start3A_216] : memref<10240x128xf32, #tpu.memory_space<vmem_shared>> -> memref<32x128xf32, #tpu.memory_space<vmem_shared>>
      tpu.enqueue_dma source(%arg14 : memref<32x128xf32, #tpu.memory_space<vmem>>) target(%dma_start3A_217 : memref<32x128xf32, #tpu.memory_space<vmem_shared>>) target_semaphore(%run_scoped3A : memref<!tpu.dma_semaphore, #tpu.memory_space<semaphore_mem>>)
      %dma_wait3A_218 = arith.constant 0 : i32
      %dma_wait3A_219 = tpu.memref_slice %arg15[%add3A_116, %dma_wait3A_218] : memref<10240x128xf32, #tpu.memory_space<vmem_shared>> -> memref<32x128xf32, #tpu.memory_space<vmem_shared>>
      %dma_wait3A_220 = arith.constant 0 : i32
      %dma_wait3A_221 = tpu.memref_slice %arg15[%add3A_116, %dma_wait3A_220] : memref<10240x128xf32, #tpu.memory_space<vmem_shared>> -> memref<32x128xf32, #tpu.memory_space<vmem_shared>>
      tpu.wait_dma2 semaphore(%run_scoped3A : memref<!tpu.dma_semaphore, #tpu.memory_space<semaphore_mem>>) src(%arg14 : memref<32x128xf32, #tpu.memory_space<vmem>>) dst(%dma_wait3A_221 : memref<32x128xf32, #tpu.memory_space<vmem_shared>>)
      tpu.yield
    }) : () -> ()
    %add3A_117 = arith.constant 320 : i32
    %add3A_118 = arith.addi %mul3A_0, %add3A_117 : i32
    "tpu.region"() ({
      %run_scoped3A = tpu.sem_alloc : memref<!tpu.dma_semaphore, #tpu.memory_space<semaphore_mem>>
      %dma_start3A_214 = arith.constant 0 : i32
      %dma_start3A_215 = tpu.memref_slice %arg15[%add3A_118, %dma_start3A_214] : memref<10240x128xf32, #tpu.memory_space<vmem_shared>> -> memref<32x128xf32, #tpu.memory_space<vmem_shared>>
      %dma_start3A_216 = arith.constant 0 : i32
      %dma_start3A_217 = tpu.memref_slice %arg15[%add3A_118, %dma_start3A_216] : memref<10240x128xf32, #tpu.memory_space<vmem_shared>> -> memref<32x128xf32, #tpu.memory_space<vmem_shared>>
      tpu.enqueue_dma source(%arg14 : memref<32x128xf32, #tpu.memory_space<vmem>>) target(%dma_start3A_217 : memref<32x128xf32, #tpu.memory_space<vmem_shared>>) target_semaphore(%run_scoped3A : memref<!tpu.dma_semaphore, #tpu.memory_space<semaphore_mem>>)
      %dma_wait3A_218 = arith.constant 0 : i32
      %dma_wait3A_219 = tpu.memref_slice %arg15[%add3A_118, %dma_wait3A_218] : memref<10240x128xf32, #tpu.memory_space<vmem_shared>> -> memref<32x128xf32, #tpu.memory_space<vmem_shared>>
      %dma_wait3A_220 = arith.constant 0 : i32
      %dma_wait3A_221 = tpu.memref_slice %arg15[%add3A_118, %dma_wait3A_220] : memref<10240x128xf32, #tpu.memory_space<vmem_shared>> -> memref<32x128xf32, #tpu.memory_space<vmem_shared>>
      tpu.wait_dma2 semaphore(%run_scoped3A : memref<!tpu.dma_semaphore, #tpu.memory_space<semaphore_mem>>) src(%arg14 : memref<32x128xf32, #tpu.memory_space<vmem>>) dst(%dma_wait3A_221 : memref<32x128xf32, #tpu.memory_space<vmem_shared>>)
      tpu.yield
    }) : () -> ()
    %add3A_119 = arith.constant 352 : i32
    %add3A_120 = arith.addi %mul3A_0, %add3A_119 : i32
    "tpu.region"() ({
      %run_scoped3A = tpu.sem_alloc : memref<!tpu.dma_semaphore, #tpu.memory_space<semaphore_mem>>
      %dma_start3A_214 = arith.constant 0 : i32
      %dma_start3A_215 = tpu.memref_slice %arg15[%add3A_120, %dma_start3A_214] : memref<10240x128xf32, #tpu.memory_space<vmem_shared>> -> memref<32x128xf32, #tpu.memory_space<vmem_shared>>
      %dma_start3A_216 = arith.constant 0 : i32
      %dma_start3A_217 = tpu.memref_slice %arg15[%add3A_120, %dma_start3A_216] : memref<10240x128xf32, #tpu.memory_space<vmem_shared>> -> memref<32x128xf32, #tpu.memory_space<vmem_shared>>
      tpu.enqueue_dma source(%arg14 : memref<32x128xf32, #tpu.memory_space<vmem>>) target(%dma_start3A_217 : memref<32x128xf32, #tpu.memory_space<vmem_shared>>) target_semaphore(%run_scoped3A : memref<!tpu.dma_semaphore, #tpu.memory_space<semaphore_mem>>)
      %dma_wait3A_218 = arith.constant 0 : i32
      %dma_wait3A_219 = tpu.memref_slice %arg15[%add3A_120, %dma_wait3A_218] : memref<10240x128xf32, #tpu.memory_space<vmem_shared>> -> memref<32x128xf32, #tpu.memory_space<vmem_shared>>
      %dma_wait3A_220 = arith.constant 0 : i32
      %dma_wait3A_221 = tpu.memref_slice %arg15[%add3A_120, %dma_wait3A_220] : memref<10240x128xf32, #tpu.memory_space<vmem_shared>> -> memref<32x128xf32, #tpu.memory_space<vmem_shared>>
      tpu.wait_dma2 semaphore(%run_scoped3A : memref<!tpu.dma_semaphore, #tpu.memory_space<semaphore_mem>>) src(%arg14 : memref<32x128xf32, #tpu.memory_space<vmem>>) dst(%dma_wait3A_221 : memref<32x128xf32, #tpu.memory_space<vmem_shared>>)
      tpu.yield
    }) : () -> ()
    %add3A_121 = arith.constant 384 : i32
    %add3A_122 = arith.addi %mul3A_0, %add3A_121 : i32
    "tpu.region"() ({
      %run_scoped3A = tpu.sem_alloc : memref<!tpu.dma_semaphore, #tpu.memory_space<semaphore_mem>>
      %dma_start3A_214 = arith.constant 0 : i32
      %dma_start3A_215 = tpu.memref_slice %arg15[%add3A_122, %dma_start3A_214] : memref<10240x128xf32, #tpu.memory_space<vmem_shared>> -> memref<32x128xf32, #tpu.memory_space<vmem_shared>>
      %dma_start3A_216 = arith.constant 0 : i32
      %dma_start3A_217 = tpu.memref_slice %arg15[%add3A_122, %dma_start3A_216] : memref<10240x128xf32, #tpu.memory_space<vmem_shared>> -> memref<32x128xf32, #tpu.memory_space<vmem_shared>>
      tpu.enqueue_dma source(%arg14 : memref<32x128xf32, #tpu.memory_space<vmem>>) target(%dma_start3A_217 : memref<32x128xf32, #tpu.memory_space<vmem_shared>>) target_semaphore(%run_scoped3A : memref<!tpu.dma_semaphore, #tpu.memory_space<semaphore_mem>>)
      %dma_wait3A_218 = arith.constant 0 : i32
      %dma_wait3A_219 = tpu.memref_slice %arg15[%add3A_122, %dma_wait3A_218] : memref<10240x128xf32, #tpu.memory_space<vmem_shared>> -> memref<32x128xf32, #tpu.memory_space<vmem_shared>>
      %dma_wait3A_220 = arith.constant 0 : i32
      %dma_wait3A_221 = tpu.memref_slice %arg15[%add3A_122, %dma_wait3A_220] : memref<10240x128xf32, #tpu.memory_space<vmem_shared>> -> memref<32x128xf32, #tpu.memory_space<vmem_shared>>
      tpu.wait_dma2 semaphore(%run_scoped3A : memref<!tpu.dma_semaphore, #tpu.memory_space<semaphore_mem>>) src(%arg14 : memref<32x128xf32, #tpu.memory_space<vmem>>) dst(%dma_wait3A_221 : memref<32x128xf32, #tpu.memory_space<vmem_shared>>)
      tpu.yield
    }) : () -> ()
    %add3A_123 = arith.constant 416 : i32
    %add3A_124 = arith.addi %mul3A_0, %add3A_123 : i32
    "tpu.region"() ({
      %run_scoped3A = tpu.sem_alloc : memref<!tpu.dma_semaphore, #tpu.memory_space<semaphore_mem>>
      %dma_start3A_214 = arith.constant 0 : i32
      %dma_start3A_215 = tpu.memref_slice %arg15[%add3A_124, %dma_start3A_214] : memref<10240x128xf32, #tpu.memory_space<vmem_shared>> -> memref<32x128xf32, #tpu.memory_space<vmem_shared>>
      %dma_start3A_216 = arith.constant 0 : i32
      %dma_start3A_217 = tpu.memref_slice %arg15[%add3A_124, %dma_start3A_216] : memref<10240x128xf32, #tpu.memory_space<vmem_shared>> -> memref<32x128xf32, #tpu.memory_space<vmem_shared>>
      tpu.enqueue_dma source(%arg14 : memref<32x128xf32, #tpu.memory_space<vmem>>) target(%dma_start3A_217 : memref<32x128xf32, #tpu.memory_space<vmem_shared>>) target_semaphore(%run_scoped3A : memref<!tpu.dma_semaphore, #tpu.memory_space<semaphore_mem>>)
      %dma_wait3A_218 = arith.constant 0 : i32
      %dma_wait3A_219 = tpu.memref_slice %arg15[%add3A_124, %dma_wait3A_218] : memref<10240x128xf32, #tpu.memory_space<vmem_shared>> -> memref<32x128xf32, #tpu.memory_space<vmem_shared>>
      %dma_wait3A_220 = arith.constant 0 : i32
      %dma_wait3A_221 = tpu.memref_slice %arg15[%add3A_124, %dma_wait3A_220] : memref<10240x128xf32, #tpu.memory_space<vmem_shared>> -> memref<32x128xf32, #tpu.memory_space<vmem_shared>>
      tpu.wait_dma2 semaphore(%run_scoped3A : memref<!tpu.dma_semaphore, #tpu.memory_space<semaphore_mem>>) src(%arg14 : memref<32x128xf32, #tpu.memory_space<vmem>>) dst(%dma_wait3A_221 : memref<32x128xf32, #tpu.memory_space<vmem_shared>>)
      tpu.yield
    }) : () -> ()
    %add3A_125 = arith.constant 448 : i32
    %add3A_126 = arith.addi %mul3A_0, %add3A_125 : i32
    "tpu.region"() ({
      %run_scoped3A = tpu.sem_alloc : memref<!tpu.dma_semaphore, #tpu.memory_space<semaphore_mem>>
      %dma_start3A_214 = arith.constant 0 : i32
      %dma_start3A_215 = tpu.memref_slice %arg15[%add3A_126, %dma_start3A_214] : memref<10240x128xf32, #tpu.memory_space<vmem_shared>> -> memref<32x128xf32, #tpu.memory_space<vmem_shared>>
      %dma_start3A_216 = arith.constant 0 : i32
      %dma_start3A_217 = tpu.memref_slice %arg15[%add3A_126, %dma_start3A_216] : memref<10240x128xf32, #tpu.memory_space<vmem_shared>> -> memref<32x128xf32, #tpu.memory_space<vmem_shared>>
      tpu.enqueue_dma source(%arg14 : memref<32x128xf32, #tpu.memory_space<vmem>>) target(%dma_start3A_217 : memref<32x128xf32, #tpu.memory_space<vmem_shared>>) target_semaphore(%run_scoped3A : memref<!tpu.dma_semaphore, #tpu.memory_space<semaphore_mem>>)
      %dma_wait3A_218 = arith.constant 0 : i32
      %dma_wait3A_219 = tpu.memref_slice %arg15[%add3A_126, %dma_wait3A_218] : memref<10240x128xf32, #tpu.memory_space<vmem_shared>> -> memref<32x128xf32, #tpu.memory_space<vmem_shared>>
      %dma_wait3A_220 = arith.constant 0 : i32
      %dma_wait3A_221 = tpu.memref_slice %arg15[%add3A_126, %dma_wait3A_220] : memref<10240x128xf32, #tpu.memory_space<vmem_shared>> -> memref<32x128xf32, #tpu.memory_space<vmem_shared>>
      tpu.wait_dma2 semaphore(%run_scoped3A : memref<!tpu.dma_semaphore, #tpu.memory_space<semaphore_mem>>) src(%arg14 : memref<32x128xf32, #tpu.memory_space<vmem>>) dst(%dma_wait3A_221 : memref<32x128xf32, #tpu.memory_space<vmem_shared>>)
      tpu.yield
    }) : () -> ()
    %add3A_127 = arith.constant 480 : i32
    %add3A_128 = arith.addi %mul3A_0, %add3A_127 : i32
    "tpu.region"() ({
      %run_scoped3A = tpu.sem_alloc : memref<!tpu.dma_semaphore, #tpu.memory_space<semaphore_mem>>
      %dma_start3A_214 = arith.constant 0 : i32
      %dma_start3A_215 = tpu.memref_slice %arg15[%add3A_128, %dma_start3A_214] : memref<10240x128xf32, #tpu.memory_space<vmem_shared>> -> memref<32x128xf32, #tpu.memory_space<vmem_shared>>
      %dma_start3A_216 = arith.constant 0 : i32
      %dma_start3A_217 = tpu.memref_slice %arg15[%add3A_128, %dma_start3A_216] : memref<10240x128xf32, #tpu.memory_space<vmem_shared>> -> memref<32x128xf32, #tpu.memory_space<vmem_shared>>
      tpu.enqueue_dma source(%arg14 : memref<32x128xf32, #tpu.memory_space<vmem>>) target(%dma_start3A_217 : memref<32x128xf32, #tpu.memory_space<vmem_shared>>) target_semaphore(%run_scoped3A : memref<!tpu.dma_semaphore, #tpu.memory_space<semaphore_mem>>)
      %dma_wait3A_218 = arith.constant 0 : i32
      %dma_wait3A_219 = tpu.memref_slice %arg15[%add3A_128, %dma_wait3A_218] : memref<10240x128xf32, #tpu.memory_space<vmem_shared>> -> memref<32x128xf32, #tpu.memory_space<vmem_shared>>
      %dma_wait3A_220 = arith.constant 0 : i32
      %dma_wait3A_221 = tpu.memref_slice %arg15[%add3A_128, %dma_wait3A_220] : memref<10240x128xf32, #tpu.memory_space<vmem_shared>> -> memref<32x128xf32, #tpu.memory_space<vmem_shared>>
      tpu.wait_dma2 semaphore(%run_scoped3A : memref<!tpu.dma_semaphore, #tpu.memory_space<semaphore_mem>>) src(%arg14 : memref<32x128xf32, #tpu.memory_space<vmem>>) dst(%dma_wait3A_221 : memref<32x128xf32, #tpu.memory_space<vmem_shared>>)
      tpu.yield
    }) : () -> ()
    %add3A_129 = arith.constant 512 : i32
    %add3A_130 = arith.addi %mul3A_0, %add3A_129 : i32
    "tpu.region"() ({
      %run_scoped3A = tpu.sem_alloc : memref<!tpu.dma_semaphore, #tpu.memory_space<semaphore_mem>>
      %dma_start3A_214 = arith.constant 0 : i32
      %dma_start3A_215 = tpu.memref_slice %arg15[%add3A_130, %dma_start3A_214] : memref<10240x128xf32, #tpu.memory_space<vmem_shared>> -> memref<32x128xf32, #tpu.memory_space<vmem_shared>>
      %dma_start3A_216 = arith.constant 0 : i32
      %dma_start3A_217 = tpu.memref_slice %arg15[%add3A_130, %dma_start3A_216] : memref<10240x128xf32, #tpu.memory_space<vmem_shared>> -> memref<32x128xf32, #tpu.memory_space<vmem_shared>>
      tpu.enqueue_dma source(%arg14 : memref<32x128xf32, #tpu.memory_space<vmem>>) target(%dma_start3A_217 : memref<32x128xf32, #tpu.memory_space<vmem_shared>>) target_semaphore(%run_scoped3A : memref<!tpu.dma_semaphore, #tpu.memory_space<semaphore_mem>>)
      %dma_wait3A_218 = arith.constant 0 : i32
      %dma_wait3A_219 = tpu.memref_slice %arg15[%add3A_130, %dma_wait3A_218] : memref<10240x128xf32, #tpu.memory_space<vmem_shared>> -> memref<32x128xf32, #tpu.memory_space<vmem_shared>>
      %dma_wait3A_220 = arith.constant 0 : i32
      %dma_wait3A_221 = tpu.memref_slice %arg15[%add3A_130, %dma_wait3A_220] : memref<10240x128xf32, #tpu.memory_space<vmem_shared>> -> memref<32x128xf32, #tpu.memory_space<vmem_shared>>
      tpu.wait_dma2 semaphore(%run_scoped3A : memref<!tpu.dma_semaphore, #tpu.memory_space<semaphore_mem>>) src(%arg14 : memref<32x128xf32, #tpu.memory_space<vmem>>) dst(%dma_wait3A_221 : memref<32x128xf32, #tpu.memory_space<vmem_shared>>)
      tpu.yield
    }) : () -> ()
    %add3A_131 = arith.constant 544 : i32
    %add3A_132 = arith.addi %mul3A_0, %add3A_131 : i32
    "tpu.region"() ({
      %run_scoped3A = tpu.sem_alloc : memref<!tpu.dma_semaphore, #tpu.memory_space<semaphore_mem>>
      %dma_start3A_214 = arith.constant 0 : i32
      %dma_start3A_215 = tpu.memref_slice %arg15[%add3A_132, %dma_start3A_214] : memref<10240x128xf32, #tpu.memory_space<vmem_shared>> -> memref<32x128xf32, #tpu.memory_space<vmem_shared>>
      %dma_start3A_216 = arith.constant 0 : i32
      %dma_start3A_217 = tpu.memref_slice %arg15[%add3A_132, %dma_start3A_216] : memref<10240x128xf32, #tpu.memory_space<vmem_shared>> -> memref<32x128xf32, #tpu.memory_space<vmem_shared>>
      tpu.enqueue_dma source(%arg14 : memref<32x128xf32, #tpu.memory_space<vmem>>) target(%dma_start3A_217 : memref<32x128xf32, #tpu.memory_space<vmem_shared>>) target_semaphore(%run_scoped3A : memref<!tpu.dma_semaphore, #tpu.memory_space<semaphore_mem>>)
      %dma_wait3A_218 = arith.constant 0 : i32
      %dma_wait3A_219 = tpu.memref_slice %arg15[%add3A_132, %dma_wait3A_218] : memref<10240x128xf32, #tpu.memory_space<vmem_shared>> -> memref<32x128xf32, #tpu.memory_space<vmem_shared>>
      %dma_wait3A_220 = arith.constant 0 : i32
      %dma_wait3A_221 = tpu.memref_slice %arg15[%add3A_132, %dma_wait3A_220] : memref<10240x128xf32, #tpu.memory_space<vmem_shared>> -> memref<32x128xf32, #tpu.memory_space<vmem_shared>>
      tpu.wait_dma2 semaphore(%run_scoped3A : memref<!tpu.dma_semaphore, #tpu.memory_space<semaphore_mem>>) src(%arg14 : memref<32x128xf32, #tpu.memory_space<vmem>>) dst(%dma_wait3A_221 : memref<32x128xf32, #tpu.memory_space<vmem_shared>>)
      tpu.yield
    }) : () -> ()
    %add3A_133 = arith.constant 576 : i32
    %add3A_134 = arith.addi %mul3A_0, %add3A_133 : i32
    "tpu.region"() ({
      %run_scoped3A = tpu.sem_alloc : memref<!tpu.dma_semaphore, #tpu.memory_space<semaphore_mem>>
      %dma_start3A_214 = arith.constant 0 : i32
      %dma_start3A_215 = tpu.memref_slice %arg15[%add3A_134, %dma_start3A_214] : memref<10240x128xf32, #tpu.memory_space<vmem_shared>> -> memref<32x128xf32, #tpu.memory_space<vmem_shared>>
      %dma_start3A_216 = arith.constant 0 : i32
      %dma_start3A_217 = tpu.memref_slice %arg15[%add3A_134, %dma_start3A_216] : memref<10240x128xf32, #tpu.memory_space<vmem_shared>> -> memref<32x128xf32, #tpu.memory_space<vmem_shared>>
      tpu.enqueue_dma source(%arg14 : memref<32x128xf32, #tpu.memory_space<vmem>>) target(%dma_start3A_217 : memref<32x128xf32, #tpu.memory_space<vmem_shared>>) target_semaphore(%run_scoped3A : memref<!tpu.dma_semaphore, #tpu.memory_space<semaphore_mem>>)
      %dma_wait3A_218 = arith.constant 0 : i32
      %dma_wait3A_219 = tpu.memref_slice %arg15[%add3A_134, %dma_wait3A_218] : memref<10240x128xf32, #tpu.memory_space<vmem_shared>> -> memref<32x128xf32, #tpu.memory_space<vmem_shared>>
      %dma_wait3A_220 = arith.constant 0 : i32
      %dma_wait3A_221 = tpu.memref_slice %arg15[%add3A_134, %dma_wait3A_220] : memref<10240x128xf32, #tpu.memory_space<vmem_shared>> -> memref<32x128xf32, #tpu.memory_space<vmem_shared>>
      tpu.wait_dma2 semaphore(%run_scoped3A : memref<!tpu.dma_semaphore, #tpu.memory_space<semaphore_mem>>) src(%arg14 : memref<32x128xf32, #tpu.memory_space<vmem>>) dst(%dma_wait3A_221 : memref<32x128xf32, #tpu.memory_space<vmem_shared>>)
      tpu.yield
    }) : () -> ()
    %add3A_135 = arith.constant 608 : i32
    %add3A_136 = arith.addi %mul3A_0, %add3A_135 : i32
    "tpu.region"() ({
      %run_scoped3A = tpu.sem_alloc : memref<!tpu.dma_semaphore, #tpu.memory_space<semaphore_mem>>
      %dma_start3A_214 = arith.constant 0 : i32
      %dma_start3A_215 = tpu.memref_slice %arg15[%add3A_136, %dma_start3A_214] : memref<10240x128xf32, #tpu.memory_space<vmem_shared>> -> memref<32x128xf32, #tpu.memory_space<vmem_shared>>
      %dma_start3A_216 = arith.constant 0 : i32
      %dma_start3A_217 = tpu.memref_slice %arg15[%add3A_136, %dma_start3A_216] : memref<10240x128xf32, #tpu.memory_space<vmem_shared>> -> memref<32x128xf32, #tpu.memory_space<vmem_shared>>
      tpu.enqueue_dma source(%arg14 : memref<32x128xf32, #tpu.memory_space<vmem>>) target(%dma_start3A_217 : memref<32x128xf32, #tpu.memory_space<vmem_shared>>) target_semaphore(%run_scoped3A : memref<!tpu.dma_semaphore, #tpu.memory_space<semaphore_mem>>)
      %dma_wait3A_218 = arith.constant 0 : i32
      %dma_wait3A_219 = tpu.memref_slice %arg15[%add3A_136, %dma_wait3A_218] : memref<10240x128xf32, #tpu.memory_space<vmem_shared>> -> memref<32x128xf32, #tpu.memory_space<vmem_shared>>
      %dma_wait3A_220 = arith.constant 0 : i32
      %dma_wait3A_221 = tpu.memref_slice %arg15[%add3A_136, %dma_wait3A_220] : memref<10240x128xf32, #tpu.memory_space<vmem_shared>> -> memref<32x128xf32, #tpu.memory_space<vmem_shared>>
      tpu.wait_dma2 semaphore(%run_scoped3A : memref<!tpu.dma_semaphore, #tpu.memory_space<semaphore_mem>>) src(%arg14 : memref<32x128xf32, #tpu.memory_space<vmem>>) dst(%dma_wait3A_221 : memref<32x128xf32, #tpu.memory_space<vmem_shared>>)
      tpu.yield
    }) : () -> ()
    %barrier3A_137 = arith.constant 0 : index
    tpu.barrier barrier_id(%barrier3A_137)
    %mul3A_138 = arith.constant 80000 : i32
    %mul3A_139 = arith.muli %arg0, %mul3A_138 : i32
    %mul3A_140 = arith.constant 4960 : i32
    %mul3A_141 = arith.muli %arg1, %mul3A_140 : i32
    %add3A_142 = arith.addi %mul3A_139, %mul3A_141 : i32
    %add3A_143 = arith.constant 0 : i32
    %add3A_144 = arith.addi %add3A_142, %add3A_143 : i32
    %dma_start3A_145 = tpu.memref_slice %arg3[%add3A_144] : memref<160000xi32, #tpu.memory_space<hbm>> -> memref<80xi32, #tpu.memory_space<hbm>>
    %dma_start3A_146 = tpu.memref_slice %arg3[%add3A_144] : memref<160000xi32, #tpu.memory_space<hbm>> -> memref<80xi32, #tpu.memory_space<hbm>>
    tpu.enqueue_dma source(%dma_start3A_146 : memref<80xi32, #tpu.memory_space<hbm>>) target(%arg6 : memref<80xi32, #tpu.memory_space<vmem>>) target_semaphore(%arg16 : memref<!tpu.dma_semaphore, #tpu.memory_space<semaphore_mem>>)
    %dma_start3A_147 = arith.constant 2 : i32
    %dma_start3A_148 = arith.constant 0 : i32
    %dma_start3A_149 = tpu.memref_slice %arg2[%dma_start3A_147, %add3A_144, %dma_start3A_148] : memref<3x160000x128xf32, #tpu.memory_space<hbm>> -> memref<1x80x128xf32, #tpu.memory_space<hbm>>
    %dma_start3A_150 = tpu.memref_squeeze %dma_start3A_149 : memref<1x80x128xf32, #tpu.memory_space<hbm>> -> memref<80x128xf32, #tpu.memory_space<hbm>>
    %dma_start3A_151 = arith.constant 0 : i32
    %dma_start3A_152 = tpu.memref_slice %arg2[%dma_start3A_147, %add3A_144, %dma_start3A_151] : memref<3x160000x128xf32, #tpu.memory_space<hbm>> -> memref<1x80x128xf32, #tpu.memory_space<hbm>>
    %dma_start3A_153 = tpu.memref_squeeze %dma_start3A_152 : memref<1x80x128xf32, #tpu.memory_space<hbm>> -> memref<80x128xf32, #tpu.memory_space<hbm>>
    tpu.enqueue_dma source(%dma_start3A_153 : memref<80x128xf32, #tpu.memory_space<hbm>>) target(%arg10 : memref<80x128xf32, #tpu.memory_space<vmem>>) target_semaphore(%arg20 : memref<!tpu.dma_semaphore, #tpu.memory_space<semaphore_mem>>)
    %add3A_154 = arith.constant 80 : i32
    %add3A_155 = arith.addi %add3A_142, %add3A_154 : i32
    %dma_start3A_156 = tpu.memref_slice %arg3[%add3A_155] : memref<160000xi32, #tpu.memory_space<hbm>> -> memref<80xi32, #tpu.memory_space<hbm>>
    %dma_start3A_157 = tpu.memref_slice %arg3[%add3A_155] : memref<160000xi32, #tpu.memory_space<hbm>> -> memref<80xi32, #tpu.memory_space<hbm>>
    tpu.enqueue_dma source(%dma_start3A_157 : memref<80xi32, #tpu.memory_space<hbm>>) target(%arg7 : memref<80xi32, #tpu.memory_space<vmem>>) target_semaphore(%arg17 : memref<!tpu.dma_semaphore, #tpu.memory_space<semaphore_mem>>)
    %dma_start3A_158 = arith.constant 2 : i32
    %dma_start3A_159 = arith.constant 0 : i32
    %dma_start3A_160 = tpu.memref_slice %arg2[%dma_start3A_158, %add3A_155, %dma_start3A_159] : memref<3x160000x128xf32, #tpu.memory_space<hbm>> -> memref<1x80x128xf32, #tpu.memory_space<hbm>>
    %dma_start3A_161 = tpu.memref_squeeze %dma_start3A_160 : memref<1x80x128xf32, #tpu.memory_space<hbm>> -> memref<80x128xf32, #tpu.memory_space<hbm>>
    %dma_start3A_162 = arith.constant 0 : i32
    %dma_start3A_163 = tpu.memref_slice %arg2[%dma_start3A_158, %add3A_155, %dma_start3A_162] : memref<3x160000x128xf32, #tpu.memory_space<hbm>> -> memref<1x80x128xf32, #tpu.memory_space<hbm>>
    %dma_start3A_164 = tpu.memref_squeeze %dma_start3A_163 : memref<1x80x128xf32, #tpu.memory_space<hbm>> -> memref<80x128xf32, #tpu.memory_space<hbm>>
    tpu.enqueue_dma source(%dma_start3A_164 : memref<80x128xf32, #tpu.memory_space<hbm>>) target(%arg11 : memref<80x128xf32, #tpu.memory_space<vmem>>) target_semaphore(%arg21 : memref<!tpu.dma_semaphore, #tpu.memory_space<semaphore_mem>>)
    %scan3A_165 = arith.constant 0 : i32
    %scan3A_166 = arith.constant 0 : i32
    %scan3A_167 = arith.constant 15 : i32
    %scan3A_168 = arith.addi %scan3A_166, %scan3A_167 : i32
    %scan3A_169 = arith.constant 1 : i32
    scf.for %scan3A_214 = %scan3A_166 to %scan3A_168 step %scan3A_169  : i32 {
      %mul3A_215 = arith.constant 4 : i32
      %mul3A_216 = arith.muli %scan3A_214, %mul3A_215 : i32
      %add3A_217 = arith.constant 0 : i32
      %add3A_218 = arith.addi %mul3A_216, %add3A_217 : i32
      %gt3A = arith.constant 0 : i32
      %gt3A_219 = arith.cmpi sgt, %scan3A_214, %gt3A : i32
      %convert_element_type3A_220 = arith.extui %gt3A_219 : i1 to i32
      %cond3A_221 = arith.constant 0 : i32
      %cond3A_222 = arith.cmpi ne, %convert_element_type3A_220, %cond3A_221 : i32
      scf.if %cond3A_222 {
        %dma_wait3A_336 = arith.constant 0 : i32
        %dma_wait3A_337 = arith.constant 0 : i32
        %dma_wait3A_338 = tpu.memref_slice %arg15[%dma_wait3A_336, %dma_wait3A_337] : memref<10240x128xf32, #tpu.memory_space<vmem_shared>> -> memref<10240x128xf32, #tpu.memory_space<vmem_shared>>
        tpu.wait_indirect_dma semaphore(%arg26 : memref<!tpu.dma_semaphore, #tpu.memory_space<semaphore_mem>>) src(%arg12 : memref<80x128xf32, #tpu.memory_space<vmem>>) dst(%dma_wait3A_338 : memref<10240x128xf32, #tpu.memory_space<vmem_shared>>)
        %add3A_339 = arith.constant 2 : i32
        %add3A_340 = arith.addi %add3A_218, %add3A_339 : i32
        %mul3A_341 = arith.constant 80 : i32
        %mul3A_342 = arith.muli %add3A_340, %mul3A_341 : i32
        %add3A_343 = arith.addi %add3A_142, %mul3A_342 : i32
        %dma_start3A_344 = tpu.memref_slice %arg3[%add3A_343] : memref<160000xi32, #tpu.memory_space<hbm>> -> memref<80xi32, #tpu.memory_space<hbm>>
        %dma_start3A_345 = tpu.memref_slice %arg3[%add3A_343] : memref<160000xi32, #tpu.memory_space<hbm>> -> memref<80xi32, #tpu.memory_space<hbm>>
        tpu.enqueue_dma source(%dma_start3A_345 : memref<80xi32, #tpu.memory_space<hbm>>) target(%arg8 : memref<80xi32, #tpu.memory_space<vmem>>) target_semaphore(%arg18 : memref<!tpu.dma_semaphore, #tpu.memory_space<semaphore_mem>>)
        %dma_start3A_346 = arith.constant 2 : i32
        %dma_start3A_347 = arith.constant 0 : i32
        %dma_start3A_348 = tpu.memref_slice %arg2[%dma_start3A_346, %add3A_343, %dma_start3A_347] : memref<3x160000x128xf32, #tpu.memory_space<hbm>> -> memref<1x80x128xf32, #tpu.memory_space<hbm>>
        %dma_start3A_349 = tpu.memref_squeeze %dma_start3A_348 : memref<1x80x128xf32, #tpu.memory_space<hbm>> -> memref<80x128xf32, #tpu.memory_space<hbm>>
        %dma_start3A_350 = arith.constant 0 : i32
        %dma_start3A_351 = tpu.memref_slice %arg2[%dma_start3A_346, %add3A_343, %dma_start3A_350] : memref<3x160000x128xf32, #tpu.memory_space<hbm>> -> memref<1x80x128xf32, #tpu.memory_space<hbm>>
        %dma_start3A_352 = tpu.memref_squeeze %dma_start3A_351 : memref<1x80x128xf32, #tpu.memory_space<hbm>> -> memref<80x128xf32, #tpu.memory_space<hbm>>
        tpu.enqueue_dma source(%dma_start3A_352 : memref<80x128xf32, #tpu.memory_space<hbm>>) target(%arg12 : memref<80x128xf32, #tpu.memory_space<vmem>>) target_semaphore(%arg22 : memref<!tpu.dma_semaphore, #tpu.memory_space<semaphore_mem>>)
      } else {
      }
      %eq3A = arith.constant 0 : i32
      %eq3A_223 = arith.cmpi eq, %scan3A_214, %eq3A : i32
      %convert_element_type3A_224 = arith.extui %eq3A_223 : i1 to i32
      %cond3A_225 = arith.constant 0 : i32
      %cond3A_226 = arith.cmpi ne, %convert_element_type3A_224, %cond3A_225 : i32
      scf.if %cond3A_226 {
        %add3A_336 = arith.constant 2 : i32
        %add3A_337 = arith.addi %add3A_218, %add3A_336 : i32
        %mul3A_338 = arith.constant 80 : i32
        %mul3A_339 = arith.muli %add3A_337, %mul3A_338 : i32
        %add3A_340 = arith.addi %add3A_142, %mul3A_339 : i32
        %dma_start3A_341 = tpu.memref_slice %arg3[%add3A_340] : memref<160000xi32, #tpu.memory_space<hbm>> -> memref<80xi32, #tpu.memory_space<hbm>>
        %dma_start3A_342 = tpu.memref_slice %arg3[%add3A_340] : memref<160000xi32, #tpu.memory_space<hbm>> -> memref<80xi32, #tpu.memory_space<hbm>>
        tpu.enqueue_dma source(%dma_start3A_342 : memref<80xi32, #tpu.memory_space<hbm>>) target(%arg8 : memref<80xi32, #tpu.memory_space<vmem>>) target_semaphore(%arg18 : memref<!tpu.dma_semaphore, #tpu.memory_space<semaphore_mem>>)
        %dma_start3A_343 = arith.constant 2 : i32
        %dma_start3A_344 = arith.constant 0 : i32
        %dma_start3A_345 = tpu.memref_slice %arg2[%dma_start3A_343, %add3A_340, %dma_start3A_344] : memref<3x160000x128xf32, #tpu.memory_space<hbm>> -> memref<1x80x128xf32, #tpu.memory_space<hbm>>
        %dma_start3A_346 = tpu.memref_squeeze %dma_start3A_345 : memref<1x80x128xf32, #tpu.memory_space<hbm>> -> memref<80x128xf32, #tpu.memory_space<hbm>>
        %dma_start3A_347 = arith.constant 0 : i32
        %dma_start3A_348 = tpu.memref_slice %arg2[%dma_start3A_343, %add3A_340, %dma_start3A_347] : memref<3x160000x128xf32, #tpu.memory_space<hbm>> -> memref<1x80x128xf32, #tpu.memory_space<hbm>>
        %dma_start3A_349 = tpu.memref_squeeze %dma_start3A_348 : memref<1x80x128xf32, #tpu.memory_space<hbm>> -> memref<80x128xf32, #tpu.memory_space<hbm>>
        tpu.enqueue_dma source(%dma_start3A_349 : memref<80x128xf32, #tpu.memory_space<hbm>>) target(%arg12 : memref<80x128xf32, #tpu.memory_space<vmem>>) target_semaphore(%arg22 : memref<!tpu.dma_semaphore, #tpu.memory_space<semaphore_mem>>)
      } else {
      }
      %mul3A_227 = arith.constant 80 : i32
      %mul3A_228 = arith.muli %add3A_218, %mul3A_227 : i32
      %add3A_229 = arith.addi %add3A_142, %mul3A_228 : i32
      %dma_wait3A_230 = tpu.memref_slice %arg3[%add3A_229] : memref<160000xi32, #tpu.memory_space<hbm>> -> memref<80xi32, #tpu.memory_space<hbm>>
      %dma_wait3A_231 = tpu.memref_slice %arg3[%add3A_229] : memref<160000xi32, #tpu.memory_space<hbm>> -> memref<80xi32, #tpu.memory_space<hbm>>
      tpu.wait_dma2 semaphore(%arg16 : memref<!tpu.dma_semaphore, #tpu.memory_space<semaphore_mem>>) src(%dma_wait3A_231 : memref<80xi32, #tpu.memory_space<hbm>>) dst(%arg6 : memref<80xi32, #tpu.memory_space<vmem>>)
      %dma_wait3A_232 = arith.constant 2 : i32
      %dma_wait3A_233 = arith.constant 0 : i32
      %dma_wait3A_234 = tpu.memref_slice %arg2[%dma_wait3A_232, %add3A_229, %dma_wait3A_233] : memref<3x160000x128xf32, #tpu.memory_space<hbm>> -> memref<1x80x128xf32, #tpu.memory_space<hbm>>
      %dma_wait3A_235 = tpu.memref_squeeze %dma_wait3A_234 : memref<1x80x128xf32, #tpu.memory_space<hbm>> -> memref<80x128xf32, #tpu.memory_space<hbm>>
      %dma_wait3A_236 = arith.constant 0 : i32
      %dma_wait3A_237 = tpu.memref_slice %arg2[%dma_wait3A_232, %add3A_229, %dma_wait3A_236] : memref<3x160000x128xf32, #tpu.memory_space<hbm>> -> memref<1x80x128xf32, #tpu.memory_space<hbm>>
      %dma_wait3A_238 = tpu.memref_squeeze %dma_wait3A_237 : memref<1x80x128xf32, #tpu.memory_space<hbm>> -> memref<80x128xf32, #tpu.memory_space<hbm>>
      tpu.wait_dma2 semaphore(%arg20 : memref<!tpu.dma_semaphore, #tpu.memory_space<semaphore_mem>>) src(%dma_wait3A_238 : memref<80x128xf32, #tpu.memory_space<hbm>>) dst(%arg10 : memref<80x128xf32, #tpu.memory_space<vmem>>)
      %dma_start3A_239 = arith.constant 0 : i32
      %dma_start3A_240 = arith.constant 0 : i32
      %dma_start3A_241 = tpu.memref_slice %arg15[%dma_start3A_239, %dma_start3A_240] : memref<10240x128xf32, #tpu.memory_space<vmem_shared>> -> memref<10240x128xf32, #tpu.memory_space<vmem_shared>>
      tpu.enqueue_indirect_dma source(%arg10 : memref<80x128xf32, #tpu.memory_space<vmem>>) target(%dma_start3A_241 : memref<10240x128xf32, #tpu.memory_space<vmem_shared>>) offsets(%arg6 : memref<80xi32, #tpu.memory_space<vmem>>) semaphore(%arg24 : memref<!tpu.dma_semaphore, #tpu.memory_space<semaphore_mem>>) {add = true}
      %mul3A_242 = arith.constant 4 : i32
      %mul3A_243 = arith.muli %scan3A_214, %mul3A_242 : i32
      %add3A_244 = arith.constant 1 : i32
      %add3A_245 = arith.addi %mul3A_243, %add3A_244 : i32
      %gt3A_246 = arith.constant 0 : i32
      %gt3A_247 = arith.cmpi sgt, %scan3A_214, %gt3A_246 : i32
      %convert_element_type3A_248 = arith.extui %gt3A_247 : i1 to i32
      %cond3A_249 = arith.constant 0 : i32
      %cond3A_250 = arith.cmpi ne, %convert_element_type3A_248, %cond3A_249 : i32
      scf.if %cond3A_250 {
        %dma_wait3A_336 = arith.constant 0 : i32
        %dma_wait3A_337 = arith.constant 0 : i32
        %dma_wait3A_338 = tpu.memref_slice %arg15[%dma_wait3A_336, %dma_wait3A_337] : memref<10240x128xf32, #tpu.memory_space<vmem_shared>> -> memref<10240x128xf32, #tpu.memory_space<vmem_shared>>
        tpu.wait_indirect_dma semaphore(%arg27 : memref<!tpu.dma_semaphore, #tpu.memory_space<semaphore_mem>>) src(%arg13 : memref<80x128xf32, #tpu.memory_space<vmem>>) dst(%dma_wait3A_338 : memref<10240x128xf32, #tpu.memory_space<vmem_shared>>)
        %add3A_339 = arith.constant 2 : i32
        %add3A_340 = arith.addi %add3A_245, %add3A_339 : i32
        %mul3A_341 = arith.constant 80 : i32
        %mul3A_342 = arith.muli %add3A_340, %mul3A_341 : i32
        %add3A_343 = arith.addi %add3A_142, %mul3A_342 : i32
        %dma_start3A_344 = tpu.memref_slice %arg3[%add3A_343] : memref<160000xi32, #tpu.memory_space<hbm>> -> memref<80xi32, #tpu.memory_space<hbm>>
        %dma_start3A_345 = tpu.memref_slice %arg3[%add3A_343] : memref<160000xi32, #tpu.memory_space<hbm>> -> memref<80xi32, #tpu.memory_space<hbm>>
        tpu.enqueue_dma source(%dma_start3A_345 : memref<80xi32, #tpu.memory_space<hbm>>) target(%arg9 : memref<80xi32, #tpu.memory_space<vmem>>) target_semaphore(%arg19 : memref<!tpu.dma_semaphore, #tpu.memory_space<semaphore_mem>>)
        %dma_start3A_346 = arith.constant 2 : i32
        %dma_start3A_347 = arith.constant 0 : i32
        %dma_start3A_348 = tpu.memref_slice %arg2[%dma_start3A_346, %add3A_343, %dma_start3A_347] : memref<3x160000x128xf32, #tpu.memory_space<hbm>> -> memref<1x80x128xf32, #tpu.memory_space<hbm>>
        %dma_start3A_349 = tpu.memref_squeeze %dma_start3A_348 : memref<1x80x128xf32, #tpu.memory_space<hbm>> -> memref<80x128xf32, #tpu.memory_space<hbm>>
        %dma_start3A_350 = arith.constant 0 : i32
        %dma_start3A_351 = tpu.memref_slice %arg2[%dma_start3A_346, %add3A_343, %dma_start3A_350] : memref<3x160000x128xf32, #tpu.memory_space<hbm>> -> memref<1x80x128xf32, #tpu.memory_space<hbm>>
        %dma_start3A_352 = tpu.memref_squeeze %dma_start3A_351 : memref<1x80x128xf32, #tpu.memory_space<hbm>> -> memref<80x128xf32, #tpu.memory_space<hbm>>
        tpu.enqueue_dma source(%dma_start3A_352 : memref<80x128xf32, #tpu.memory_space<hbm>>) target(%arg13 : memref<80x128xf32, #tpu.memory_space<vmem>>) target_semaphore(%arg23 : memref<!tpu.dma_semaphore, #tpu.memory_space<semaphore_mem>>)
      } else {
      }
      %eq3A_251 = arith.constant 0 : i32
      %eq3A_252 = arith.cmpi eq, %scan3A_214, %eq3A_251 : i32
      %convert_element_type3A_253 = arith.extui %eq3A_252 : i1 to i32
      %cond3A_254 = arith.constant 0 : i32
      %cond3A_255 = arith.cmpi ne, %convert_element_type3A_253, %cond3A_254 : i32
      scf.if %cond3A_255 {
        %add3A_336 = arith.constant 2 : i32
        %add3A_337 = arith.addi %add3A_245, %add3A_336 : i32
        %mul3A_338 = arith.constant 80 : i32
        %mul3A_339 = arith.muli %add3A_337, %mul3A_338 : i32
        %add3A_340 = arith.addi %add3A_142, %mul3A_339 : i32
        %dma_start3A_341 = tpu.memref_slice %arg3[%add3A_340] : memref<160000xi32, #tpu.memory_space<hbm>> -> memref<80xi32, #tpu.memory_space<hbm>>
        %dma_start3A_342 = tpu.memref_slice %arg3[%add3A_340] : memref<160000xi32, #tpu.memory_space<hbm>> -> memref<80xi32, #tpu.memory_space<hbm>>
        tpu.enqueue_dma source(%dma_start3A_342 : memref<80xi32, #tpu.memory_space<hbm>>) target(%arg9 : memref<80xi32, #tpu.memory_space<vmem>>) target_semaphore(%arg19 : memref<!tpu.dma_semaphore, #tpu.memory_space<semaphore_mem>>)
        %dma_start3A_343 = arith.constant 2 : i32
        %dma_start3A_344 = arith.constant 0 : i32
        %dma_start3A_345 = tpu.memref_slice %arg2[%dma_start3A_343, %add3A_340, %dma_start3A_344] : memref<3x160000x128xf32, #tpu.memory_space<hbm>> -> memref<1x80x128xf32, #tpu.memory_space<hbm>>
        %dma_start3A_346 = tpu.memref_squeeze %dma_start3A_345 : memref<1x80x128xf32, #tpu.memory_space<hbm>> -> memref<80x128xf32, #tpu.memory_space<hbm>>
        %dma_start3A_347 = arith.constant 0 : i32
        %dma_start3A_348 = tpu.memref_slice %arg2[%dma_start3A_343, %add3A_340, %dma_start3A_347] : memref<3x160000x128xf32, #tpu.memory_space<hbm>> -> memref<1x80x128xf32, #tpu.memory_space<hbm>>
        %dma_start3A_349 = tpu.memref_squeeze %dma_start3A_348 : memref<1x80x128xf32, #tpu.memory_space<hbm>> -> memref<80x128xf32, #tpu.memory_space<hbm>>
        tpu.enqueue_dma source(%dma_start3A_349 : memref<80x128xf32, #tpu.memory_space<hbm>>) target(%arg13 : memref<80x128xf32, #tpu.memory_space<vmem>>) target_semaphore(%arg23 : memref<!tpu.dma_semaphore, #tpu.memory_space<semaphore_mem>>)
      } else {
      }
      %mul3A_256 = arith.constant 80 : i32
      %mul3A_257 = arith.muli %add3A_245, %mul3A_256 : i32
      %add3A_258 = arith.addi %add3A_142, %mul3A_257 : i32
      %dma_wait3A_259 = tpu.memref_slice %arg3[%add3A_258] : memref<160000xi32, #tpu.memory_space<hbm>> -> memref<80xi32, #tpu.memory_space<hbm>>
      %dma_wait3A_260 = tpu.memref_slice %arg3[%add3A_258] : memref<160000xi32, #tpu.memory_space<hbm>> -> memref<80xi32, #tpu.memory_space<hbm>>
      tpu.wait_dma2 semaphore(%arg17 : memref<!tpu.dma_semaphore, #tpu.memory_space<semaphore_mem>>) src(%dma_wait3A_260 : memref<80xi32, #tpu.memory_space<hbm>>) dst(%arg7 : memref<80xi32, #tpu.memory_space<vmem>>)
      %dma_wait3A_261 = arith.constant 2 : i32
      %dma_wait3A_262 = arith.constant 0 : i32
      %dma_wait3A_263 = tpu.memref_slice %arg2[%dma_wait3A_261, %add3A_258, %dma_wait3A_262] : memref<3x160000x128xf32, #tpu.memory_space<hbm>> -> memref<1x80x128xf32, #tpu.memory_space<hbm>>
      %dma_wait3A_264 = tpu.memref_squeeze %dma_wait3A_263 : memref<1x80x128xf32, #tpu.memory_space<hbm>> -> memref<80x128xf32, #tpu.memory_space<hbm>>
      %dma_wait3A_265 = arith.constant 0 : i32
      %dma_wait3A_266 = tpu.memref_slice %arg2[%dma_wait3A_261, %add3A_258, %dma_wait3A_265] : memref<3x160000x128xf32, #tpu.memory_space<hbm>> -> memref<1x80x128xf32, #tpu.memory_space<hbm>>
      %dma_wait3A_267 = tpu.memref_squeeze %dma_wait3A_266 : memref<1x80x128xf32, #tpu.memory_space<hbm>> -> memref<80x128xf32, #tpu.memory_space<hbm>>
      tpu.wait_dma2 semaphore(%arg21 : memref<!tpu.dma_semaphore, #tpu.memory_space<semaphore_mem>>) src(%dma_wait3A_267 : memref<80x128xf32, #tpu.memory_space<hbm>>) dst(%arg11 : memref<80x128xf32, #tpu.memory_space<vmem>>)
      %dma_start3A_268 = arith.constant 0 : i32
      %dma_start3A_269 = arith.constant 0 : i32
      %dma_start3A_270 = tpu.memref_slice %arg15[%dma_start3A_268, %dma_start3A_269] : memref<10240x128xf32, #tpu.memory_space<vmem_shared>> -> memref<10240x128xf32, #tpu.memory_space<vmem_shared>>
      tpu.enqueue_indirect_dma source(%arg11 : memref<80x128xf32, #tpu.memory_space<vmem>>) target(%dma_start3A_270 : memref<10240x128xf32, #tpu.memory_space<vmem_shared>>) offsets(%arg7 : memref<80xi32, #tpu.memory_space<vmem>>) semaphore(%arg25 : memref<!tpu.dma_semaphore, #tpu.memory_space<semaphore_mem>>) {add = true}
      %mul3A_271 = arith.constant 4 : i32
      %mul3A_272 = arith.muli %scan3A_214, %mul3A_271 : i32
      %add3A_273 = arith.constant 2 : i32
      %add3A_274 = arith.addi %mul3A_272, %add3A_273 : i32
      %dma_wait3A_275 = arith.constant 0 : i32
      %dma_wait3A_276 = arith.constant 0 : i32
      %dma_wait3A_277 = tpu.memref_slice %arg15[%dma_wait3A_275, %dma_wait3A_276] : memref<10240x128xf32, #tpu.memory_space<vmem_shared>> -> memref<10240x128xf32, #tpu.memory_space<vmem_shared>>
      tpu.wait_indirect_dma semaphore(%arg24 : memref<!tpu.dma_semaphore, #tpu.memory_space<semaphore_mem>>) src(%arg10 : memref<80x128xf32, #tpu.memory_space<vmem>>) dst(%dma_wait3A_277 : memref<10240x128xf32, #tpu.memory_space<vmem_shared>>)
      %add3A_278 = arith.constant 2 : i32
      %add3A_279 = arith.addi %add3A_274, %add3A_278 : i32
      %mul3A_280 = arith.constant 80 : i32
      %mul3A_281 = arith.muli %add3A_279, %mul3A_280 : i32
      %add3A_282 = arith.addi %add3A_142, %mul3A_281 : i32
      %dma_start3A_283 = tpu.memref_slice %arg3[%add3A_282] : memref<160000xi32, #tpu.memory_space<hbm>> -> memref<80xi32, #tpu.memory_space<hbm>>
      %dma_start3A_284 = tpu.memref_slice %arg3[%add3A_282] : memref<160000xi32, #tpu.memory_space<hbm>> -> memref<80xi32, #tpu.memory_space<hbm>>
      tpu.enqueue_dma source(%dma_start3A_284 : memref<80xi32, #tpu.memory_space<hbm>>) target(%arg6 : memref<80xi32, #tpu.memory_space<vmem>>) target_semaphore(%arg16 : memref<!tpu.dma_semaphore, #tpu.memory_space<semaphore_mem>>)
      %dma_start3A_285 = arith.constant 2 : i32
      %dma_start3A_286 = arith.constant 0 : i32
      %dma_start3A_287 = tpu.memref_slice %arg2[%dma_start3A_285, %add3A_282, %dma_start3A_286] : memref<3x160000x128xf32, #tpu.memory_space<hbm>> -> memref<1x80x128xf32, #tpu.memory_space<hbm>>
      %dma_start3A_288 = tpu.memref_squeeze %dma_start3A_287 : memref<1x80x128xf32, #tpu.memory_space<hbm>> -> memref<80x128xf32, #tpu.memory_space<hbm>>
      %dma_start3A_289 = arith.constant 0 : i32
      %dma_start3A_290 = tpu.memref_slice %arg2[%dma_start3A_285, %add3A_282, %dma_start3A_289] : memref<3x160000x128xf32, #tpu.memory_space<hbm>> -> memref<1x80x128xf32, #tpu.memory_space<hbm>>
      %dma_start3A_291 = tpu.memref_squeeze %dma_start3A_290 : memref<1x80x128xf32, #tpu.memory_space<hbm>> -> memref<80x128xf32, #tpu.memory_space<hbm>>
      tpu.enqueue_dma source(%dma_start3A_291 : memref<80x128xf32, #tpu.memory_space<hbm>>) target(%arg10 : memref<80x128xf32, #tpu.memory_space<vmem>>) target_semaphore(%arg20 : memref<!tpu.dma_semaphore, #tpu.memory_space<semaphore_mem>>)
      %mul3A_292 = arith.constant 80 : i32
      %mul3A_293 = arith.muli %add3A_274, %mul3A_292 : i32
      %add3A_294 = arith.addi %add3A_142, %mul3A_293 : i32
      %dma_wait3A_295 = tpu.memref_slice %arg3[%add3A_294] : memref<160000xi32, #tpu.memory_space<hbm>> -> memref<80xi32, #tpu.memory_space<hbm>>
      %dma_wait3A_296 = tpu.memref_slice %arg3[%add3A_294] : memref<160000xi32, #tpu.memory_space<hbm>> -> memref<80xi32, #tpu.memory_space<hbm>>
      tpu.wait_dma2 semaphore(%arg18 : memref<!tpu.dma_semaphore, #tpu.memory_space<semaphore_mem>>) src(%dma_wait3A_296 : memref<80xi32, #tpu.memory_space<hbm>>) dst(%arg8 : memref<80xi32, #tpu.memory_space<vmem>>)
      %dma_wait3A_297 = arith.constant 2 : i32
      %dma_wait3A_298 = arith.constant 0 : i32
      %dma_wait3A_299 = tpu.memref_slice %arg2[%dma_wait3A_297, %add3A_294, %dma_wait3A_298] : memref<3x160000x128xf32, #tpu.memory_space<hbm>> -> memref<1x80x128xf32, #tpu.memory_space<hbm>>
      %dma_wait3A_300 = tpu.memref_squeeze %dma_wait3A_299 : memref<1x80x128xf32, #tpu.memory_space<hbm>> -> memref<80x128xf32, #tpu.memory_space<hbm>>
      %dma_wait3A_301 = arith.constant 0 : i32
      %dma_wait3A_302 = tpu.memref_slice %arg2[%dma_wait3A_297, %add3A_294, %dma_wait3A_301] : memref<3x160000x128xf32, #tpu.memory_space<hbm>> -> memref<1x80x128xf32, #tpu.memory_space<hbm>>
      %dma_wait3A_303 = tpu.memref_squeeze %dma_wait3A_302 : memref<1x80x128xf32, #tpu.memory_space<hbm>> -> memref<80x128xf32, #tpu.memory_space<hbm>>
      tpu.wait_dma2 semaphore(%arg22 : memref<!tpu.dma_semaphore, #tpu.memory_space<semaphore_mem>>) src(%dma_wait3A_303 : memref<80x128xf32, #tpu.memory_space<hbm>>) dst(%arg12 : memref<80x128xf32, #tpu.memory_space<vmem>>)
      %dma_start3A_304 = arith.constant 0 : i32
      %dma_start3A_305 = arith.constant 0 : i32
      %dma_start3A_306 = tpu.memref_slice %arg15[%dma_start3A_304, %dma_start3A_305] : memref<10240x128xf32, #tpu.memory_space<vmem_shared>> -> memref<10240x128xf32, #tpu.memory_space<vmem_shared>>
      tpu.enqueue_indirect_dma source(%arg12 : memref<80x128xf32, #tpu.memory_space<vmem>>) target(%dma_start3A_306 : memref<10240x128xf32, #tpu.memory_space<vmem_shared>>) offsets(%arg8 : memref<80xi32, #tpu.memory_space<vmem>>) semaphore(%arg26 : memref<!tpu.dma_semaphore, #tpu.memory_space<semaphore_mem>>) {add = true}
      %mul3A_307 = arith.constant 4 : i32
      %mul3A_308 = arith.muli %scan3A_214, %mul3A_307 : i32
      %add3A_309 = arith.constant 3 : i32
      %add3A_310 = arith.addi %mul3A_308, %add3A_309 : i32
      %dma_wait3A_311 = arith.constant 0 : i32
      %dma_wait3A_312 = arith.constant 0 : i32
      %dma_wait3A_313 = tpu.memref_slice %arg15[%dma_wait3A_311, %dma_wait3A_312] : memref<10240x128xf32, #tpu.memory_space<vmem_shared>> -> memref<10240x128xf32, #tpu.memory_space<vmem_shared>>
      tpu.wait_indirect_dma semaphore(%arg25 : memref<!tpu.dma_semaphore, #tpu.memory_space<semaphore_mem>>) src(%arg11 : memref<80x128xf32, #tpu.memory_space<vmem>>) dst(%dma_wait3A_313 : memref<10240x128xf32, #tpu.memory_space<vmem_shared>>)
      %add3A_314 = arith.constant 2 : i32
      %add3A_315 = arith.addi %add3A_310, %add3A_314 : i32
      %lt3A_316 = arith.constant 62 : i32
      %lt3A_317 = arith.cmpi slt, %add3A_315, %lt3A_316 : i32
      %convert_element_type3A_318 = arith.extui %lt3A_317 : i1 to i32
      %cond3A_319 = arith.constant 0 : i32
      %cond3A_320 = arith.cmpi ne, %convert_element_type3A_318, %cond3A_319 : i32
      scf.if %cond3A_320 {
        %add3A_336 = arith.constant 2 : i32
        %add3A_337 = arith.addi %add3A_310, %add3A_336 : i32
        %mul3A_338 = arith.constant 80 : i32
        %mul3A_339 = arith.muli %add3A_337, %mul3A_338 : i32
        %add3A_340 = arith.addi %add3A_142, %mul3A_339 : i32
        %dma_start3A_341 = tpu.memref_slice %arg3[%add3A_340] : memref<160000xi32, #tpu.memory_space<hbm>> -> memref<80xi32, #tpu.memory_space<hbm>>
        %dma_start3A_342 = tpu.memref_slice %arg3[%add3A_340] : memref<160000xi32, #tpu.memory_space<hbm>> -> memref<80xi32, #tpu.memory_space<hbm>>
        tpu.enqueue_dma source(%dma_start3A_342 : memref<80xi32, #tpu.memory_space<hbm>>) target(%arg7 : memref<80xi32, #tpu.memory_space<vmem>>) target_semaphore(%arg17 : memref<!tpu.dma_semaphore, #tpu.memory_space<semaphore_mem>>)
        %dma_start3A_343 = arith.constant 2 : i32
        %dma_start3A_344 = arith.constant 0 : i32
        %dma_start3A_345 = tpu.memref_slice %arg2[%dma_start3A_343, %add3A_340, %dma_start3A_344] : memref<3x160000x128xf32, #tpu.memory_space<hbm>> -> memref<1x80x128xf32, #tpu.memory_space<hbm>>
        %dma_start3A_346 = tpu.memref_squeeze %dma_start3A_345 : memref<1x80x128xf32, #tpu.memory_space<hbm>> -> memref<80x128xf32, #tpu.memory_space<hbm>>
        %dma_start3A_347 = arith.constant 0 : i32
        %dma_start3A_348 = tpu.memref_slice %arg2[%dma_start3A_343, %add3A_340, %dma_start3A_347] : memref<3x160000x128xf32, #tpu.memory_space<hbm>> -> memref<1x80x128xf32, #tpu.memory_space<hbm>>
        %dma_start3A_349 = tpu.memref_squeeze %dma_start3A_348 : memref<1x80x128xf32, #tpu.memory_space<hbm>> -> memref<80x128xf32, #tpu.memory_space<hbm>>
        tpu.enqueue_dma source(%dma_start3A_349 : memref<80x128xf32, #tpu.memory_space<hbm>>) target(%arg11 : memref<80x128xf32, #tpu.memory_space<vmem>>) target_semaphore(%arg21 : memref<!tpu.dma_semaphore, #tpu.memory_space<semaphore_mem>>)
      } else {
      }
      %mul3A_321 = arith.constant 80 : i32
      %mul3A_322 = arith.muli %add3A_310, %mul3A_321 : i32
      %add3A_323 = arith.addi %add3A_142, %mul3A_322 : i32
      %dma_wait3A_324 = tpu.memref_slice %arg3[%add3A_323] : memref<160000xi32, #tpu.memory_space<hbm>> -> memref<80xi32, #tpu.memory_space<hbm>>
      %dma_wait3A_325 = tpu.memref_slice %arg3[%add3A_323] : memref<160000xi32, #tpu.memory_space<hbm>> -> memref<80xi32, #tpu.memory_space<hbm>>
      tpu.wait_dma2 semaphore(%arg19 : memref<!tpu.dma_semaphore, #tpu.memory_space<semaphore_mem>>) src(%dma_wait3A_325 : memref<80xi32, #tpu.memory_space<hbm>>) dst(%arg9 : memref<80xi32, #tpu.memory_space<vmem>>)
      %dma_wait3A_326 = arith.constant 2 : i32
      %dma_wait3A_327 = arith.constant 0 : i32
      %dma_wait3A_328 = tpu.memref_slice %arg2[%dma_wait3A_326, %add3A_323, %dma_wait3A_327] : memref<3x160000x128xf32, #tpu.memory_space<hbm>> -> memref<1x80x128xf32, #tpu.memory_space<hbm>>
      %dma_wait3A_329 = tpu.memref_squeeze %dma_wait3A_328 : memref<1x80x128xf32, #tpu.memory_space<hbm>> -> memref<80x128xf32, #tpu.memory_space<hbm>>
      %dma_wait3A_330 = arith.constant 0 : i32
      %dma_wait3A_331 = tpu.memref_slice %arg2[%dma_wait3A_326, %add3A_323, %dma_wait3A_330] : memref<3x160000x128xf32, #tpu.memory_space<hbm>> -> memref<1x80x128xf32, #tpu.memory_space<hbm>>
      %dma_wait3A_332 = tpu.memref_squeeze %dma_wait3A_331 : memref<1x80x128xf32, #tpu.memory_space<hbm>> -> memref<80x128xf32, #tpu.memory_space<hbm>>
      tpu.wait_dma2 semaphore(%arg23 : memref<!tpu.dma_semaphore, #tpu.memory_space<semaphore_mem>>) src(%dma_wait3A_332 : memref<80x128xf32, #tpu.memory_space<hbm>>) dst(%arg13 : memref<80x128xf32, #tpu.memory_space<vmem>>)
      %dma_start3A_333 = arith.constant 0 : i32
      %dma_start3A_334 = arith.constant 0 : i32
      %dma_start3A_335 = tpu.memref_slice %arg15[%dma_start3A_333, %dma_start3A_334] : memref<10240x128xf32, #tpu.memory_space<vmem_shared>> -> memref<10240x128xf32, #tpu.memory_space<vmem_shared>>
      tpu.enqueue_indirect_dma source(%arg13 : memref<80x128xf32, #tpu.memory_space<vmem>>) target(%dma_start3A_335 : memref<10240x128xf32, #tpu.memory_space<vmem_shared>>) offsets(%arg9 : memref<80xi32, #tpu.memory_space<vmem>>) semaphore(%arg27 : memref<!tpu.dma_semaphore, #tpu.memory_space<semaphore_mem>>) {add = true}
    }
    %scan3A_170 = arith.constant 15 : i32
    %dma_wait3A_171 = arith.constant 0 : i32
    %dma_wait3A_172 = arith.constant 0 : i32
    %dma_wait3A_173 = tpu.memref_slice %arg15[%dma_wait3A_171, %dma_wait3A_172] : memref<10240x128xf32, #tpu.memory_space<vmem_shared>> -> memref<10240x128xf32, #tpu.memory_space<vmem_shared>>
    tpu.wait_indirect_dma semaphore(%arg26 : memref<!tpu.dma_semaphore, #tpu.memory_space<semaphore_mem>>) src(%arg12 : memref<80x128xf32, #tpu.memory_space<vmem>>) dst(%dma_wait3A_173 : memref<10240x128xf32, #tpu.memory_space<vmem_shared>>)
    %add3A_174 = arith.constant 4800 : i32
    %add3A_175 = arith.addi %add3A_142, %add3A_174 : i32
    %dma_wait3A_176 = tpu.memref_slice %arg3[%add3A_175] : memref<160000xi32, #tpu.memory_space<hbm>> -> memref<80xi32, #tpu.memory_space<hbm>>
    %dma_wait3A_177 = tpu.memref_slice %arg3[%add3A_175] : memref<160000xi32, #tpu.memory_space<hbm>> -> memref<80xi32, #tpu.memory_space<hbm>>
    tpu.wait_dma2 semaphore(%arg16 : memref<!tpu.dma_semaphore, #tpu.memory_space<semaphore_mem>>) src(%dma_wait3A_177 : memref<80xi32, #tpu.memory_space<hbm>>) dst(%arg6 : memref<80xi32, #tpu.memory_space<vmem>>)
    %dma_wait3A_178 = arith.constant 2 : i32
    %dma_wait3A_179 = arith.constant 0 : i32
    %dma_wait3A_180 = tpu.memref_slice %arg2[%dma_wait3A_178, %add3A_175, %dma_wait3A_179] : memref<3x160000x128xf32, #tpu.memory_space<hbm>> -> memref<1x80x128xf32, #tpu.memory_space<hbm>>
    %dma_wait3A_181 = tpu.memref_squeeze %dma_wait3A_180 : memref<1x80x128xf32, #tpu.memory_space<hbm>> -> memref<80x128xf32, #tpu.memory_space<hbm>>
    %dma_wait3A_182 = arith.constant 0 : i32
    %dma_wait3A_183 = tpu.memref_slice %arg2[%dma_wait3A_178, %add3A_175, %dma_wait3A_182] : memref<3x160000x128xf32, #tpu.memory_space<hbm>> -> memref<1x80x128xf32, #tpu.memory_space<hbm>>
    %dma_wait3A_184 = tpu.memref_squeeze %dma_wait3A_183 : memref<1x80x128xf32, #tpu.memory_space<hbm>> -> memref<80x128xf32, #tpu.memory_space<hbm>>
    tpu.wait_dma2 semaphore(%arg20 : memref<!tpu.dma_semaphore, #tpu.memory_space<semaphore_mem>>) src(%dma_wait3A_184 : memref<80x128xf32, #tpu.memory_space<hbm>>) dst(%arg10 : memref<80x128xf32, #tpu.memory_space<vmem>>)
    %dma_start3A_185 = arith.constant 0 : i32
    %dma_start3A_186 = arith.constant 0 : i32
    %dma_start3A_187 = tpu.memref_slice %arg15[%dma_start3A_185, %dma_start3A_186] : memref<10240x128xf32, #tpu.memory_space<vmem_shared>> -> memref<10240x128xf32, #tpu.memory_space<vmem_shared>>
    tpu.enqueue_indirect_dma source(%arg10 : memref<80x128xf32, #tpu.memory_space<vmem>>) target(%dma_start3A_187 : memref<10240x128xf32, #tpu.memory_space<vmem_shared>>) offsets(%arg6 : memref<80xi32, #tpu.memory_space<vmem>>) semaphore(%arg24 : memref<!tpu.dma_semaphore, #tpu.memory_space<semaphore_mem>>) {add = true}
    %dma_wait3A_188 = arith.constant 0 : i32
    %dma_wait3A_189 = arith.constant 0 : i32
    %dma_wait3A_190 = tpu.memref_slice %arg15[%dma_wait3A_188, %dma_wait3A_189] : memref<10240x128xf32, #tpu.memory_space<vmem_shared>> -> memref<10240x128xf32, #tpu.memory_space<vmem_shared>>
    tpu.wait_indirect_dma semaphore(%arg27 : memref<!tpu.dma_semaphore, #tpu.memory_space<semaphore_mem>>) src(%arg13 : memref<80x128xf32, #tpu.memory_space<vmem>>) dst(%dma_wait3A_190 : memref<10240x128xf32, #tpu.memory_space<vmem_shared>>)
    %add3A_191 = arith.constant 4880 : i32
    %add3A_192 = arith.addi %add3A_142, %add3A_191 : i32
    %dma_wait3A_193 = tpu.memref_slice %arg3[%add3A_192] : memref<160000xi32, #tpu.memory_space<hbm>> -> memref<80xi32, #tpu.memory_space<hbm>>
    %dma_wait3A_194 = tpu.memref_slice %arg3[%add3A_192] : memref<160000xi32, #tpu.memory_space<hbm>> -> memref<80xi32, #tpu.memory_space<hbm>>
    tpu.wait_dma2 semaphore(%arg17 : memref<!tpu.dma_semaphore, #tpu.memory_space<semaphore_mem>>) src(%dma_wait3A_194 : memref<80xi32, #tpu.memory_space<hbm>>) dst(%arg7 : memref<80xi32, #tpu.memory_space<vmem>>)
    %dma_wait3A_195 = arith.constant 2 : i32
    %dma_wait3A_196 = arith.constant 0 : i32
    %dma_wait3A_197 = tpu.memref_slice %arg2[%dma_wait3A_195, %add3A_192, %dma_wait3A_196] : memref<3x160000x128xf32, #tpu.memory_space<hbm>> -> memref<1x80x128xf32, #tpu.memory_space<hbm>>
    %dma_wait3A_198 = tpu.memref_squeeze %dma_wait3A_197 : memref<1x80x128xf32, #tpu.memory_space<hbm>> -> memref<80x128xf32, #tpu.memory_space<hbm>>
    %dma_wait3A_199 = arith.constant 0 : i32
    %dma_wait3A_200 = tpu.memref_slice %arg2[%dma_wait3A_195, %add3A_192, %dma_wait3A_199] : memref<3x160000x128xf32, #tpu.memory_space<hbm>> -> memref<1x80x128xf32, #tpu.memory_space<hbm>>
    %dma_wait3A_201 = tpu.memref_squeeze %dma_wait3A_200 : memref<1x80x128xf32, #tpu.memory_space<hbm>> -> memref<80x128xf32, #tpu.memory_space<hbm>>
    tpu.wait_dma2 semaphore(%arg21 : memref<!tpu.dma_semaphore, #tpu.memory_space<semaphore_mem>>) src(%dma_wait3A_201 : memref<80x128xf32, #tpu.memory_space<hbm>>) dst(%arg11 : memref<80x128xf32, #tpu.memory_space<vmem>>)
    %dma_start3A_202 = arith.constant 0 : i32
    %dma_start3A_203 = arith.constant 0 : i32
    %dma_start3A_204 = tpu.memref_slice %arg15[%dma_start3A_202, %dma_start3A_203] : memref<10240x128xf32, #tpu.memory_space<vmem_shared>> -> memref<10240x128xf32, #tpu.memory_space<vmem_shared>>
    tpu.enqueue_indirect_dma source(%arg11 : memref<80x128xf32, #tpu.memory_space<vmem>>) target(%dma_start3A_204 : memref<10240x128xf32, #tpu.memory_space<vmem_shared>>) offsets(%arg7 : memref<80xi32, #tpu.memory_space<vmem>>) semaphore(%arg25 : memref<!tpu.dma_semaphore, #tpu.memory_space<semaphore_mem>>) {add = true}
    %dma_wait3A_205 = arith.constant 0 : i32
    %dma_wait3A_206 = arith.constant 0 : i32
    %dma_wait3A_207 = tpu.memref_slice %arg15[%dma_wait3A_205, %dma_wait3A_206] : memref<10240x128xf32, #tpu.memory_space<vmem_shared>> -> memref<10240x128xf32, #tpu.memory_space<vmem_shared>>
    tpu.wait_indirect_dma semaphore(%arg24 : memref<!tpu.dma_semaphore, #tpu.memory_space<semaphore_mem>>) src(%arg10 : memref<80x128xf32, #tpu.memory_space<vmem>>) dst(%dma_wait3A_207 : memref<10240x128xf32, #tpu.memory_space<vmem_shared>>)
    %dma_wait3A_208 = arith.constant 0 : i32
    %dma_wait3A_209 = arith.constant 0 : i32
    %dma_wait3A_210 = tpu.memref_slice %arg15[%dma_wait3A_208, %dma_wait3A_209] : memref<10240x128xf32, #tpu.memory_space<vmem_shared>> -> memref<10240x128xf32, #tpu.memory_space<vmem_shared>>
    tpu.wait_indirect_dma semaphore(%arg25 : memref<!tpu.dma_semaphore, #tpu.memory_space<semaphore_mem>>) src(%arg11 : memref<80x128xf32, #tpu.memory_space<vmem>>) dst(%dma_wait3A_210 : memref<10240x128xf32, #tpu.memory_space<vmem_shared>>)
    %lt3A = arith.constant 8 : i32
    %lt3A_211 = arith.cmpi slt, %arg1, %lt3A : i32
    %convert_element_type3A = arith.extui %lt3A_211 : i1 to i32
    %cond3A = arith.constant 0 : i32
    %cond3A_212 = arith.cmpi ne, %convert_element_type3A, %cond3A : i32
    scf.if %cond3A_212 {
      %add3A_214 = arith.constant 79360 : i32
      %add3A_215 = arith.addi %mul3A_139, %add3A_214 : i32
      %mul3A_216 = arith.constant 80 : i32
      %mul3A_217 = arith.muli %arg1, %mul3A_216 : i32
      %add3A_218 = arith.addi %add3A_215, %mul3A_217 : i32
      %add3A_219 = arith.constant 0 : i32
      %add3A_220 = arith.addi %add3A_218, %add3A_219 : i32
      %dma_start3A_221 = tpu.memref_slice %arg3[%add3A_220] : memref<160000xi32, #tpu.memory_space<hbm>> -> memref<80xi32, #tpu.memory_space<hbm>>
      %dma_start3A_222 = tpu.memref_slice %arg3[%add3A_220] : memref<160000xi32, #tpu.memory_space<hbm>> -> memref<80xi32, #tpu.memory_space<hbm>>
      tpu.enqueue_dma source(%dma_start3A_222 : memref<80xi32, #tpu.memory_space<hbm>>) target(%arg6 : memref<80xi32, #tpu.memory_space<vmem>>) target_semaphore(%arg16 : memref<!tpu.dma_semaphore, #tpu.memory_space<semaphore_mem>>)
      %dma_start3A_223 = arith.constant 2 : i32
      %dma_start3A_224 = arith.constant 0 : i32
      %dma_start3A_225 = tpu.memref_slice %arg2[%dma_start3A_223, %add3A_220, %dma_start3A_224] : memref<3x160000x128xf32, #tpu.memory_space<hbm>> -> memref<1x80x128xf32, #tpu.memory_space<hbm>>
      %dma_start3A_226 = tpu.memref_squeeze %dma_start3A_225 : memref<1x80x128xf32, #tpu.memory_space<hbm>> -> memref<80x128xf32, #tpu.memory_space<hbm>>
      %dma_start3A_227 = arith.constant 0 : i32
      %dma_start3A_228 = tpu.memref_slice %arg2[%dma_start3A_223, %add3A_220, %dma_start3A_227] : memref<3x160000x128xf32, #tpu.memory_space<hbm>> -> memref<1x80x128xf32, #tpu.memory_space<hbm>>
      %dma_start3A_229 = tpu.memref_squeeze %dma_start3A_228 : memref<1x80x128xf32, #tpu.memory_space<hbm>> -> memref<80x128xf32, #tpu.memory_space<hbm>>
      tpu.enqueue_dma source(%dma_start3A_229 : memref<80x128xf32, #tpu.memory_space<hbm>>) target(%arg10 : memref<80x128xf32, #tpu.memory_space<vmem>>) target_semaphore(%arg20 : memref<!tpu.dma_semaphore, #tpu.memory_space<semaphore_mem>>)
      %add3A_230 = arith.constant 0 : i32
      %add3A_231 = arith.addi %add3A_218, %add3A_230 : i32
      %dma_wait3A_232 = tpu.memref_slice %arg3[%add3A_231] : memref<160000xi32, #tpu.memory_space<hbm>> -> memref<80xi32, #tpu.memory_space<hbm>>
      %dma_wait3A_233 = tpu.memref_slice %arg3[%add3A_231] : memref<160000xi32, #tpu.memory_space<hbm>> -> memref<80xi32, #tpu.memory_space<hbm>>
      tpu.wait_dma2 semaphore(%arg16 : memref<!tpu.dma_semaphore, #tpu.memory_space<semaphore_mem>>) src(%dma_wait3A_233 : memref<80xi32, #tpu.memory_space<hbm>>) dst(%arg6 : memref<80xi32, #tpu.memory_space<vmem>>)
      %dma_wait3A_234 = arith.constant 2 : i32
      %dma_wait3A_235 = arith.constant 0 : i32
      %dma_wait3A_236 = tpu.memref_slice %arg2[%dma_wait3A_234, %add3A_231, %dma_wait3A_235] : memref<3x160000x128xf32, #tpu.memory_space<hbm>> -> memref<1x80x128xf32, #tpu.memory_space<hbm>>
      %dma_wait3A_237 = tpu.memref_squeeze %dma_wait3A_236 : memref<1x80x128xf32, #tpu.memory_space<hbm>> -> memref<80x128xf32, #tpu.memory_space<hbm>>
      %dma_wait3A_238 = arith.constant 0 : i32
      %dma_wait3A_239 = tpu.memref_slice %arg2[%dma_wait3A_234, %add3A_231, %dma_wait3A_238] : memref<3x160000x128xf32, #tpu.memory_space<hbm>> -> memref<1x80x128xf32, #tpu.memory_space<hbm>>
      %dma_wait3A_240 = tpu.memref_squeeze %dma_wait3A_239 : memref<1x80x128xf32, #tpu.memory_space<hbm>> -> memref<80x128xf32, #tpu.memory_space<hbm>>
      tpu.wait_dma2 semaphore(%arg20 : memref<!tpu.dma_semaphore, #tpu.memory_space<semaphore_mem>>) src(%dma_wait3A_240 : memref<80x128xf32, #tpu.memory_space<hbm>>) dst(%arg10 : memref<80x128xf32, #tpu.memory_space<vmem>>)
      %dma_start3A_241 = arith.constant 0 : i32
      %dma_start3A_242 = arith.constant 0 : i32
      %dma_start3A_243 = tpu.memref_slice %arg15[%dma_start3A_241, %dma_start3A_242] : memref<10240x128xf32, #tpu.memory_space<vmem_shared>> -> memref<10240x128xf32, #tpu.memory_space<vmem_shared>>
      tpu.enqueue_indirect_dma source(%arg10 : memref<80x128xf32, #tpu.memory_space<vmem>>) target(%dma_start3A_243 : memref<10240x128xf32, #tpu.memory_space<vmem_shared>>) offsets(%arg6 : memref<80xi32, #tpu.memory_space<vmem>>) semaphore(%arg24 : memref<!tpu.dma_semaphore, #tpu.memory_space<semaphore_mem>>) {add = true}
      %dma_wait3A_244 = arith.constant 0 : i32
      %dma_wait3A_245 = arith.constant 0 : i32
      %dma_wait3A_246 = tpu.memref_slice %arg15[%dma_wait3A_244, %dma_wait3A_245] : memref<10240x128xf32, #tpu.memory_space<vmem_shared>> -> memref<10240x128xf32, #tpu.memory_space<vmem_shared>>
      tpu.wait_indirect_dma semaphore(%arg24 : memref<!tpu.dma_semaphore, #tpu.memory_space<semaphore_mem>>) src(%arg10 : memref<80x128xf32, #tpu.memory_space<vmem>>) dst(%dma_wait3A_246 : memref<10240x128xf32, #tpu.memory_space<vmem_shared>>)
    } else {
    }
    %barrier3A_213 = arith.constant 0 : index
    tpu.barrier barrier_id(%barrier3A_213)
    "tpu.region"() ({
      %run_scoped3A = tpu.sem_alloc : memref<!tpu.dma_semaphore, #tpu.memory_space<semaphore_mem>>
      %dma_start3A_214 = arith.constant 0 : i32
      %dma_start3A_215 = tpu.memref_slice %arg5[%arg0, %mul3A_0, %dma_start3A_214] : memref<2x10240x128xf32, #tpu.memory_space<hbm>> -> memref<1x640x128xf32, #tpu.memory_space<hbm>>
      %dma_start3A_216 = tpu.memref_squeeze %dma_start3A_215 : memref<1x640x128xf32, #tpu.memory_space<hbm>> -> memref<640x128xf32, #tpu.memory_space<hbm>>
      %dma_start3A_217 = arith.constant 0 : i32
      %dma_start3A_218 = tpu.memref_slice %arg15[%mul3A_0, %dma_start3A_217] : memref<10240x128xf32, #tpu.memory_space<vmem_shared>> -> memref<640x128xf32, #tpu.memory_space<vmem_shared>>
      tpu.enqueue_dma source(%dma_start3A_218 : memref<640x128xf32, #tpu.memory_space<vmem_shared>>) target(%dma_start3A_216 : memref<640x128xf32, #tpu.memory_space<hbm>>) target_semaphore(%run_scoped3A : memref<!tpu.dma_semaphore, #tpu.memory_space<semaphore_mem>>)
      %dma_wait3A_219 = arith.constant 0 : i32
      %dma_wait3A_220 = tpu.memref_slice %arg5[%arg0, %mul3A_0, %dma_wait3A_219] : memref<2x10240x128xf32, #tpu.memory_space<hbm>> -> memref<1x640x128xf32, #tpu.memory_space<hbm>>
      %dma_wait3A_221 = tpu.memref_squeeze %dma_wait3A_220 : memref<1x640x128xf32, #tpu.memory_space<hbm>> -> memref<640x128xf32, #tpu.memory_space<hbm>>
      %dma_wait3A_222 = arith.constant 0 : i32
      %dma_wait3A_223 = tpu.memref_slice %arg15[%mul3A_0, %dma_wait3A_222] : memref<10240x128xf32, #tpu.memory_space<vmem_shared>> -> memref<640x128xf32, #tpu.memory_space<vmem_shared>>
      tpu.wait_dma2 semaphore(%run_scoped3A : memref<!tpu.dma_semaphore, #tpu.memory_space<semaphore_mem>>) src(%dma_wait3A_223 : memref<640x128xf32, #tpu.memory_space<vmem_shared>>) dst(%dma_wait3A_221 : memref<640x128xf32, #tpu.memory_space<hbm>>)
      tpu.yield
    }) : () -> ()
    return
  }
}

module attributes {stable_mosaic.version = 14 : i64} {
  func.func @_mlp_kernel(%arg0: i32, %arg1: memref<2000x256xf32, #tpu.memory_space<vmem>>, %arg2: memref<1x2000x128xf32, #tpu.memory_space<vmem>>, %arg3: memref<1x2000x128xf32, #tpu.memory_space<vmem>>, %arg4: memref<128x128xf32, #tpu.memory_space<vmem>>, %arg5: memref<1x128xf32, #tpu.memory_space<vmem>>, %arg6: memref<128x128xf32, #tpu.memory_space<vmem>>, %arg7: memref<1x128xf32, #tpu.memory_space<vmem>>, %arg8: memref<3x2000x128xf32, #tpu.memory_space<vmem>>, %arg9: memref<2000x128xf32, #tpu.memory_space<vmem>>, %arg10: memref<128x128xf32, #tpu.memory_space<vmem>>) attributes {dimension_semantics = [#tpu.dimension_semantics<arbitrary>], iteration_bounds = array<i64: 5>, scalar_prefetch = 0 : i64, scratch_operands = 1 : i64, tpu.core_type = #tpu.core_type<tc>, window_params = [{transform_indices = @transform_0, window_bounds = array<i64: 2000, 256>}, {transform_indices = @transform_1, window_bounds = array<i64: 1, 2000, 128>}, {transform_indices = @transform_2, window_bounds = array<i64: 1, 2000, 128>}, {pipeline_mode = #tpu.pipeline_mode<synchronous>, transform_indices = @transform_3, window_bounds = array<i64: 128, 128>}, {pipeline_mode = #tpu.pipeline_mode<synchronous>, transform_indices = @transform_4, window_bounds = array<i64: 1, 128>}, {pipeline_mode = #tpu.pipeline_mode<synchronous>, transform_indices = @transform_5, window_bounds = array<i64: 128, 128>}, {pipeline_mode = #tpu.pipeline_mode<synchronous>, transform_indices = @transform_6, window_bounds = array<i64: 1, 128>}, {transform_indices = @transform_7, window_bounds = array<i64: 3, 2000, 128>}, {transform_indices = @transform_8, window_bounds = array<i64: 2000, 128>}]} {
    %eq3A = arith.constant 0 : i32
    %eq3A_0 = arith.cmpi eq, %arg0, %eq3A : i32
    %convert_element_type3A = arith.extui %eq3A_0 : i1 to i32
    %cond3A = arith.constant 0 : i32
    %cond3A_1 = arith.cmpi ne, %convert_element_type3A, %cond3A : i32
    scf.if %cond3A_1 {
      %get3A_46 = arith.constant 0 : index
      %get3A_47 = arith.constant 0 : index
      %get3A_48 = vector.load %arg5[%get3A_46, %get3A_47] : memref<1x128xf32, #tpu.memory_space<vmem>>, vector<1x128xf32>
      %logistic3A = arith.negf %get3A_48 : vector<1x128xf32>
      %logistic3A_49 = math.exp %logistic3A : vector<1x128xf32>
      %logistic3A_50 = arith.constant 1.000000e+00 : f32
      %logistic3A_51 = vector.broadcast %logistic3A_50 : f32 to vector<1x128xf32>
      %logistic3A_52 = arith.addf %logistic3A_51, %logistic3A_49 : vector<1x128xf32>
      %logistic3A_53 = arith.divf %logistic3A_51, %logistic3A_52 : vector<1x128xf32>
      %mul3A = arith.mulf %get3A_48, %logistic3A_53 : vector<1x128xf32>
      %get3A_54 = arith.constant 0 : index
      %get3A_55 = arith.constant 0 : index
      %get3A_56 = vector.load %arg6[%get3A_54, %get3A_55] : memref<128x128xf32, #tpu.memory_space<vmem>>, vector<128x128xf32>
      %transpose3A = tpu.transpose %get3A_56, [1, 0] : vector<128x128xf32> -> vector<128x128xf32>
      %dot_general3A_57 = arith.constant dense<0.000000e+00> : vector<1x128xf32>
      %dot_general3A_58 = tpu.matmul %mul3A, %transpose3A, %dot_general3A_57 {dimension_numbers = #tpu.dot_dimension_numbers<[1], [0], [0], [1], [0, 0, 1, 1], [], []>, transpose_lhs_hint = false} : vector<1x128xf32>, vector<128x128xf32>, vector<1x128xf32> -> vector<1x128xf32>
      %get3A_59 = arith.constant 0 : index
      %get3A_60 = arith.constant 0 : index
      %get3A_61 = vector.load %arg7[%get3A_59, %get3A_60] : memref<1x128xf32, #tpu.memory_space<vmem>>, vector<1x128xf32>
      %add3A_62 = arith.addf %dot_general3A_58, %get3A_61 : vector<1x128xf32>
      %get3A_63 = arith.constant 0 : index
      %get3A_64 = arith.constant 0 : index
      %get3A_65 = vector.load %arg4[%get3A_63, %get3A_64] : memref<128x128xf32, #tpu.memory_space<vmem>>, vector<128x128xf32>
      %transpose3A_66 = tpu.transpose %get3A_65, [1, 0] : vector<128x128xf32> -> vector<128x128xf32>
      %mul3A_67 = arith.constant 0.141421363 : f32
      %mul3A_68 = vector.broadcast %mul3A_67 : f32 to vector<1x128xf32>
      %mul3A_69 = arith.mulf %add3A_62, %mul3A_68 : vector<1x128xf32>
      %mul3A_70 = vector.broadcast %mul3A_69 : vector<1x128xf32> to vector<128x128xf32>
      %mul3A_71 = arith.mulf %transpose3A_66, %mul3A_70 : vector<128x128xf32>
      %swap3A_72 = arith.constant 0 : index
      %swap3A_73 = arith.constant 0 : index
      %swap3A_74 = vector.load %arg10[%swap3A_72, %swap3A_73] : memref<128x128xf32, #tpu.memory_space<vmem>>, vector<128x128xf32>
      tpu.vector_store %arg10[%swap3A_72, %swap3A_73], %mul3A_71 {strides = array<i32>} : memref<128x128xf32, #tpu.memory_space<vmem>>, vector<128x128xf32>,
    } else {
    }
    %get3A = arith.constant 0 : index
    %get3A_2 = arith.constant 0 : index
    %get3A_3 = vector.load %arg10[%get3A, %get3A_2] : memref<128x128xf32, #tpu.memory_space<vmem>>, vector<128x128xf32>
    %get3A_4 = arith.constant 0 : index
    %get3A_5 = arith.constant 0 : index
    %get3A_6 = vector.load %arg1[%get3A_4, %get3A_5] : memref<2000x256xf32, #tpu.memory_space<vmem>>, vector<2000x128xf32>
    %dot_general3A = arith.constant dense<0.000000e+00> : vector<2000x128xf32>
    %dot_general3A_7 = tpu.matmul %get3A_6, %get3A_3, %dot_general3A {dimension_numbers = #tpu.dot_dimension_numbers<[1], [0], [0], [1], [0, 0, 1, 1], [], []>, transpose_lhs_hint = false} : vector<2000x128xf32>, vector<128x128xf32>, vector<2000x128xf32> -> vector<2000x128xf32>
    %swap3A = arith.constant 0 : index
    %swap3A_8 = arith.constant 0 : index
    %swap3A_9 = arith.constant 0 : index
    %swap3A_10 = vector.load %arg8[%swap3A, %swap3A_8, %swap3A_9] : memref<3x2000x128xf32, #tpu.memory_space<vmem>>, vector<1x2000x128xf32>
    %swap3A_11 = vector.shape_cast %swap3A_10 : vector<1x2000x128xf32> to vector<2000x128xf32>
    %swap3A_12 = vector.shape_cast %dot_general3A_7 : vector<2000x128xf32> to vector<1x2000x128xf32>
    tpu.vector_store %arg8[%swap3A, %swap3A_8, %swap3A_9], %swap3A_12 {strides = array<i32>} : memref<3x2000x128xf32, #tpu.memory_space<vmem>>, vector<1x2000x128xf32>,
    %get3A_13 = arith.constant 0 : index
    %get3A_14 = arith.constant 128 : index
    %get3A_15 = vector.load %arg1[%get3A_13, %get3A_14] : memref<2000x256xf32, #tpu.memory_space<vmem>>, vector<2000x128xf32>
    %dot_general3A_16 = arith.constant dense<0.000000e+00> : vector<2000x128xf32>
    %dot_general3A_17 = tpu.matmul %get3A_15, %get3A_3, %dot_general3A_16 {dimension_numbers = #tpu.dot_dimension_numbers<[1], [0], [0], [1], [0, 0, 1, 1], [], []>, transpose_lhs_hint = false} : vector<2000x128xf32>, vector<128x128xf32>, vector<2000x128xf32> -> vector<2000x128xf32>
    %swap3A_18 = arith.constant 1 : index
    %swap3A_19 = arith.constant 0 : index
    %swap3A_20 = arith.constant 0 : index
    %swap3A_21 = vector.load %arg8[%swap3A_18, %swap3A_19, %swap3A_20] : memref<3x2000x128xf32, #tpu.memory_space<vmem>>, vector<1x2000x128xf32>
    %swap3A_22 = vector.shape_cast %swap3A_21 : vector<1x2000x128xf32> to vector<2000x128xf32>
    %swap3A_23 = vector.shape_cast %dot_general3A_17 : vector<2000x128xf32> to vector<1x2000x128xf32>
    tpu.vector_store %arg8[%swap3A_18, %swap3A_19, %swap3A_20], %swap3A_23 {strides = array<i32>} : memref<3x2000x128xf32, #tpu.memory_space<vmem>>, vector<1x2000x128xf32>,
    %get3A_24 = arith.constant 0 : index
    %get3A_25 = arith.constant 0 : index
    %get3A_26 = arith.constant 0 : index
    %get3A_27 = vector.load %arg2[%get3A_24, %get3A_25, %get3A_26] : memref<1x2000x128xf32, #tpu.memory_space<vmem>>, vector<1x2000x128xf32>
    %get3A_28 = vector.shape_cast %get3A_27 : vector<1x2000x128xf32> to vector<2000x128xf32>
    %get3A_29 = arith.constant 0 : index
    %get3A_30 = arith.constant 0 : index
    %get3A_31 = arith.constant 0 : index
    %get3A_32 = vector.load %arg3[%get3A_29, %get3A_30, %get3A_31] : memref<1x2000x128xf32, #tpu.memory_space<vmem>>, vector<1x2000x128xf32>
    %get3A_33 = vector.shape_cast %get3A_32 : vector<1x2000x128xf32> to vector<2000x128xf32>
    %add3A = arith.addf %get3A_28, %get3A_33 : vector<2000x128xf32>
    %dot_general3A_34 = arith.constant dense<0.000000e+00> : vector<2000x128xf32>
    %dot_general3A_35 = tpu.matmul %add3A, %get3A_3, %dot_general3A_34 {dimension_numbers = #tpu.dot_dimension_numbers<[1], [0], [0], [1], [0, 0, 1, 1], [], []>, transpose_lhs_hint = false} : vector<2000x128xf32>, vector<128x128xf32>, vector<2000x128xf32> -> vector<2000x128xf32>
    %swap3A_36 = arith.constant 2 : index
    %swap3A_37 = arith.constant 0 : index
    %swap3A_38 = arith.constant 0 : index
    %swap3A_39 = vector.load %arg8[%swap3A_36, %swap3A_37, %swap3A_38] : memref<3x2000x128xf32, #tpu.memory_space<vmem>>, vector<1x2000x128xf32>
    %swap3A_40 = vector.shape_cast %swap3A_39 : vector<1x2000x128xf32> to vector<2000x128xf32>
    %swap3A_41 = vector.shape_cast %dot_general3A_35 : vector<2000x128xf32> to vector<1x2000x128xf32>
    tpu.vector_store %arg8[%swap3A_36, %swap3A_37, %swap3A_38], %swap3A_41 {strides = array<i32>} : memref<3x2000x128xf32, #tpu.memory_space<vmem>>, vector<1x2000x128xf32>,
    %broadcast_in_dim3A = arith.constant 0.000000e+00 : f32
    %broadcast_in_dim3A_42 = vector.broadcast %broadcast_in_dim3A : f32 to vector<2000x128xf32>
    %swap3A_43 = arith.constant 0 : index
    %swap3A_44 = arith.constant 0 : index
    %swap3A_45 = vector.load %arg9[%swap3A_43, %swap3A_44] : memref<2000x128xf32, #tpu.memory_space<vmem>>, vector<2000x128xf32>
    tpu.vector_store %arg9[%swap3A_43, %swap3A_44], %broadcast_in_dim3A_42 {strides = array<i32>} : memref<2000x128xf32, #tpu.memory_space<vmem>>, vector<2000x128xf32>,
    return
  }
  func.func @transform_0(%arg0: i32) -> (i32, i32) {
    %c0_i32 = arith.constant 0 : i32
    %c0_i32_0 = arith.constant 0 : i32
    return %arg0, %c0_i32 : i32, i32
  }
  func.func @transform_1(%arg0: i32) -> (i32, i32, i32) {
    %c0_i32 = arith.constant 0 : i32
    %c0_i32_0 = arith.constant 0 : i32
    %c0_i32_1 = arith.constant 0 : i32
    return %c0_i32, %arg0, %c0_i32_0 : i32, i32, i32
  }
  func.func @transform_2(%arg0: i32) -> (i32, i32, i32) {
    %c1_i32 = arith.constant 1 : i32
    %c0_i32 = arith.constant 0 : i32
    %c0_i32_0 = arith.constant 0 : i32
    return %c1_i32, %arg0, %c0_i32 : i32, i32, i32
  }
  func.func @transform_3(%arg0: i32) -> (i32, i32) {
    %c0_i32 = arith.constant 0 : i32
    %c0_i32_0 = arith.constant 0 : i32
    %c0_i32_1 = arith.constant 0 : i32
    return %c0_i32, %c0_i32_0 : i32, i32
  }
  func.func @transform_4(%arg0: i32) -> (i32, i32) {
    %c0_i32 = arith.constant 0 : i32
    %c0_i32_0 = arith.constant 0 : i32
    %c0_i32_1 = arith.constant 0 : i32
    return %c0_i32, %c0_i32_0 : i32, i32
  }
  func.func @transform_5(%arg0: i32) -> (i32, i32) {
    %c0_i32 = arith.constant 0 : i32
    %c0_i32_0 = arith.constant 0 : i32
    %c0_i32_1 = arith.constant 0 : i32
    return %c0_i32, %c0_i32_0 : i32, i32
  }
  func.func @transform_6(%arg0: i32) -> (i32, i32) {
    %c0_i32 = arith.constant 0 : i32
    %c0_i32_0 = arith.constant 0 : i32
    %c0_i32_1 = arith.constant 0 : i32
    return %c0_i32, %c0_i32_0 : i32, i32
  }
  func.func @transform_7(%arg0: i32) -> (i32, i32, i32) {
    %c0_i32 = arith.constant 0 : i32
    %c0_i32_0 = arith.constant 0 : i32
    %c0_i32_1 = arith.constant 0 : i32
    return %c0_i32, %arg0, %c0_i32_0 : i32, i32, i32
  }
  func.func @transform_8(%arg0: i32) -> (i32, i32) {
    %c0_i32 = arith.constant 0 : i32
    %c0_i32_0 = arith.constant 0 : i32
    return %arg0, %c0_i32 : i32, i32
  }
}

</mosaic_0001>

<sc_bundles>
// kernel: kernel.4.cloned.1.call-start
scs
__scs_entry_jumppad:
0x0: {  	(pc) =	sbr.rel $0x88, $3  }
0x1: {  	(tag) =	ssettag $0x0;
	lr =	simm.s32 $0x1  }
0x2: {  	[smem:$0x3F9B] =	sst lr;
	_ =	strace $0xD0000000  }
0x3: {  	_ = 	snop  }
0x4: {  	_ = 	snop  }
0x5: {  	_ = 	snop  }
0x6: {  	_ = 	snop  }
0x7: {  	_ = 	snop  }
__scs_overlays_trampoline_lowered:
0x8: {  	[smem:$0x3FAA] =	sst s0  }
0x9: {  	[smem:$0x3FAB] =	sst s1  }
0xa: {  	[smem:$0x3FAC] =	sst s2  }
0xb: {  	[smem:$0x3FAD] =	sst s3  }
0xc: {  	[smem:$0x3FAE] =	sst s4  }
0xd: {  	[smem:$0x3FAF] =	sst s5  }
0xe: {  	[smem:$0x3FB0] =	sst s6  }
0xf: {  	[smem:$0x3FB1] =	sst s7  }
0x10: {  	[smem:$0x3FB2] =	sst s8  }
0x11: {  	[smem:$0x3FB3] =	sst s9;
	s0 =	simm.s32 @!p0 $0x0  }
0x12: {  	s1 =	sld [smem:$0x3F99];
	s0 =	simm.s32 @p0 $0x1  }
0x13: {  	[smem:$0x3FB4] =	sst s0;
	s0 =	simm.s32 @!p1 $0x0  }
0x14: {  	s2 =	sld [smem:$0x3F98];
	s0 =	simm.s32 @p1 $0x1  }
0x15: {  	[smem:$0x3FB5] =	sst s0;
	s0 =	simm.s32 @!p2 $0x0  }
0x16: {  	s3 =	sld [smem:$0x3FDB];
	s0 =	simm.s32 @p2 $0x1  }
0x17: {  	s4 =	simm.s32 $0x1BF5;
	[smem:$0x3FB7] =	sst s0  }
0x18: {  	s0 =	sld [smem:$0x3F9A];
	_ =	swait.ge [sflag:s4], $0x0  }
0x19: {  	s7 =	sld [smem:$0x3F9B]  }
0x1a: {  	s8 =	sadd.s32 $0xFFFFE003, lr  }
0x1b: {  	s9 =	sadd.s32 $0xFFFFFEF7, lr;
	s5 =	simm.s32 $0xFFFFFFFF;
	p2 =	slt.u32 s8, $0xFFFFF086  }
0x1c: {  	p1 =	slt.u32 s9, $0xF7A;
	s5 =	simm.s32 @!p2 $0x0  }
0x1d: {  	s5 =	simm.s32 @p1 $0x1;
	p0 =	seq.s32 s7, s2  }
0x1e: {  	s7 =	smul.u32 @!p0 $0xF7A, s2;
	p2 =	seq.s32 @!p0 s5, $0x0  }
0x1f: {  	s9 =	smul.u32 $0xF7A, s1;
	s8 =	simm.s32 @!p0 $0x1BF5;
	p2 =	por !p2, p0  }
0x20: {  	[sflag:s8] =	ssyncset.s32 @!p0 $0xFFFFF086;
	s6 =	sadd.s32 @!p0 s3, s7;
	s7 =	simm.s32 @!p0 $0x108  }
0x21: {  	s3 =	sadd.s32 s3, s9;
	s6 =	sadd.s32 @!p0 $0x88, s6;
	s7 =	simm.s32 @p2 $0x1082  }
0x22: {  	[simem:s7], [sflag:s8] =	dma.local @!p0 [hbm:s6], $0xF7A  }
0x23: {  	s9 =	sor.u32 $0xD0000000, s2;
	s6 =	simm.s32 $0x108;
	_ =	swait.ge @!p0 [sflag:s8], $0x0  }
0x24: {  	s3 =	sadd.s32 $0x88, s3;
	s6 =	simm.s32 @!p1 $0x1082;
	[sflag:s4] =	ssyncset.s32 $0xFFFFF086  }
0x25: {  	[simem:s6], [sflag:s4] =	dma.local [hbm:s3], $0xF7A  }
0x26: {  	[smem:$0x3F9B] =	sst s1;
	(tag) =	ssettag s2;
	_ =	strace s9  }
0x27: {  	s1 =	sld [smem:$0x3FAB]  }
0x28: {  	s2 =	sld [smem:$0x3FAC]  }
0x29: {  	s4 =	sld [smem:$0x3FAE]  }
0x2a: {  	p0 =	seq.s32 s5, $0x0;
	s5 =	sld [smem:$0x3FAF]  }
0x2b: {  	s6 =	sld [smem:$0x3FB0]  }
0x2c: {  	s7 =	sld [smem:$0x3FB1]  }
0x2d: {  	s3 =	simm.s32 $0x108;
	s8 =	sld [smem:$0x3FB2]  }
0x2e: {  	s3 =	simm.s32 @!p0 $0x1082;
	s9 =	sld [smem:$0x3FB3]  }
0x2f: {  	lr =	sadd.s32 s0, s3;
	s0 =	sld [smem:$0x3FAA]  }
0x30: {  	s3 =	sld [smem:$0x3FAD]  }
0x31: {  	[smem:$0x3FB6] =	sst s10  }
0x32: {  	s10 =	sld [smem:$0x3FB4];
	_ =	sdelay $0x3  }
0x33: {  	p0 =	seq.s32 s10, $0x1;
	s10 =	sld [smem:$0x3FB6];
	_ =	sdelay $0x3  }
0x34: {  	[smem:$0x3FB6] =	sst s10  }
0x35: {  	s10 =	sld [smem:$0x3FB5];
	_ =	sdelay $0x3  }
0x36: {  	p1 =	seq.s32 s10, $0x1;
	s10 =	sld [smem:$0x3FB6];
	_ =	sdelay $0x3  }
0x37: {  	[smem:$0x3FB6] =	sst s10  }
0x38: {  	s10 =	sld [smem:$0x3FB7]  }
0x39: {  	_ = 	snop;
	(pc) =	sbr.ind lr, $3  }
0x3a: {  	_ = 	snop  }
0x3b: {  	_ = 	snop  }
0x3c: {  	p2 =	seq.s32 s10, $0x1;
	s10 =	sld [smem:$0x3FB6]  }
0x3d: {  	_ =	shalt  }
0x3e: {  	_ =	shalt  }
0x3f: {  	_ =	shalt  }
0x40: {  	_ =	shalt  }
0x41: {  	_ =	shalt  }
0x42: {  	_ =	shalt  }
0x43: {  	_ =	shalt  }
0x44: {  	_ =	shalt  }
0x45: {  	_ =	shalt  }
0x46: {  	_ =	shalt  }
0x47: {  	_ =	shalt  }
0x48: {  	_ =	shalt  }
0x49: {  	_ =	shalt  }
0x4a: {  	_ =	shalt  }
0x4b: {  	_ =	shalt  }
0x4c: {  	_ =	shalt  }
0x4d: {  	_ =	shalt  }
0x4e: {  	_ =	shalt  }
0x4f: {  	_ =	shalt  }
0x50: {  	_ =	shalt  }
0x51: {  	_ =	shalt  }
0x52: {  	_ =	shalt  }
0x53: {  	_ =	shalt  }
0x54: {  	_ =	shalt  }
0x55: {  	_ =	shalt  }
0x56: {  	_ =	shalt  }
0x57: {  	_ =	shalt  }
0x58: {  	_ =	shalt  }
0x59: {  	_ =	shalt  }
0x5a: {  	_ =	shalt  }
0x5b: {  	_ =	shalt  }
0x5c: {  	_ =	shalt  }
0x5d: {  	_ =	shalt  }
0x5e: {  	_ =	shalt  }
0x5f: {  	_ =	shalt  }
0x60: {  	_ =	shalt  }
0x61: {  	_ =	shalt  }
0x62: {  	_ =	shalt  }
0x63: {  	_ =	shalt  }
0x64: {  	_ =	shalt  }
0x65: {  	_ =	shalt  }
0x66: {  	_ =	shalt  }
0x67: {  	_ =	shalt  }
0x68: {  	_ =	shalt  }
0x69: {  	_ =	shalt  }
0x6a: {  	_ =	shalt  }
0x6b: {  	_ =	shalt  }
0x6c: {  	_ =	shalt  }
0x6d: {  	_ =	shalt  }
0x6e: {  	_ =	shalt  }
0x6f: {  	_ =	shalt  }
0x70: {  	_ =	shalt  }
0x71: {  	_ =	shalt  }
0x72: {  	_ =	shalt  }
0x73: {  	_ =	shalt  }
0x74: {  	_ =	shalt  }
0x75: {  	_ =	shalt  }
0x76: {  	_ =	shalt  }
0x77: {  	_ =	shalt  }
0x78: {  	_ =	shalt  }
0x79: {  	_ =	shalt  }
0x7a: {  	_ =	shalt  }
0x7b: {  	_ =	shalt  }
0x7c: {  	_ =	shalt  }
0x7d: {  	_ =	shalt  }
0x7e: {  	_ =	shalt  }
0x7f: {  	_ =	shalt  }
0x80: {  	_ =	shalt  }
0x81: {  	_ =	shalt  }
0x82: {  	_ =	shalt  }
0x83: {  	_ =	shalt  }
0x84: {  	_ =	shalt  }
0x85: {  	_ =	shalt  }
0x86: {  	_ =	shalt  }
0x87: {  	_ =	shalt  }
.Lfunc_end0:
.L_simem_size_0:
called_computation_lowered:
.L_overlay_start_0:
0x88: {  	s2 =	sld [smem:$0x3FD9]  }
0x89: {  	s3 =	sld [smem:$0x3FFE];
	_ =	sdelay $0x1  }
0x8a: {  	s1 =	srdreg.scid  }
0x8b: {  	s0 =	sand.u32 $0x1, s1  }
0x8c: {  	s14 =	sshll.u32 s0, $0xA;
	s2 =	sadd.s32 s3, s2  }
0x8d: {  	s2 =	sadd.s32 s2, s14  }
0x8e: {  	[smem:$0x3FC2] =	sst s2  }
0x8f: {  	_ = 	snop  }
0x90: {  	s2 =	sld [smem:$0x3FD0];
	_ =	sdelay $0x1  }
0x91: {  	s15 =	sld [smem:$0x3FC9]  }
0x92: {  	s5 =	simm.s32 $0xA;
	s6 =	simm.s32 $0x10;
	s4 =	sld [smem:$0x3FC8]  }
0x93: {  	[smem:s6], [sflag:s5] =	dma.local [hbm:s2], $0x1  }
0x94: {  	_ =	swait.eq [sflag:s5], $0x1  }
0x95: {  	[sflag:s5] =	ssyncset.done $0x0  }
0x96: {  	[sflag:s5] =	ssyncadd.s32 $0xFFFFFFFF  }
0x97: {  	s16 =	sld [smem:$0x11];
	(tm) =	ssettm $0x1  }
0x98: {  	s17 =	sld [smem:$0x3FFB];
	_ =	sdelay $0x3  }
0x99: {  	_ =	strace s17  }
0x9a: {  	s5 =	sld [smem:$0x3FFC];
	_ =	sdelay $0x3  }
0x9b: {  	_ =	strace s5  }
0x9c: {  	s5 =	sld [smem:$0x3FFD];
	_ =	sdelay $0x3  }
0x9d: {  	_ =	strace s5  }
0x9e: {  	_ =	strace $0x8FFFFFFF  }
0x9f: {  	s18 =	sld [smem:$0x3FDB];
	_ =	sdelay $0x1  }
0xa0: {  	s19 =	simm.s32 $_scs_section_size  }
0xa1: {  	s7 =	simm.s32 $_size__tile_overlayer_lowered;
	s8 =	simm.s32 $_tile_overlayer_lowered  }
0xa2: {  	s22 =	simm.s32 $0x1BFF;
	s21 =	sshll.u32 s8, $0x1;
	s5 =	sadd.s32 s19, s18  }
0xa3: {  	s9 =	simm.s32 $0x0;
	s20 =	sshll.u32 s7, $0x1;
	s7 =	sadd.s32 s21, s5  }
0xa4: {  	[timem:s9], [sflag:s22] =	dma.local [hbm:s7], s20  }
0xa5: {  	_ =	swait.ge [sflag:s22], s20  }
0xa6: {  	s6 =	ssub.s32 $0x0, s20;
	[sflag:s22] =	ssyncset.done $0x0  }
0xa7: {  	[sflag:s22] =	ssyncadd.s32 s6;
	_ =	sdelay $0x1  }
0xa8: {  	s23 =	simm.s32 $0x1B8B  }
0xa9: {  	_ =	swait.ge [sflag:s23], $0x1  }
0xaa: {  	[sflag:s23] =	ssyncset.done $0x0  }
0xab: {  	s25 =	simm.s32 $0x1B8E;
	s24 =	sld [smem:$0x3FFE];
	[sflag:s23] =	ssyncadd.s32 $0xFFFFFFFF  }
0xac: {  	s26 =	simm.s32 $execute0_lowered;
	[smem:$0x3FD2] =	sst s25  }
0xad: {  	s7 =	sshll.u32 s26, $0x1;
	_ =	strace $0x80000046;
	[dreg:$0x1] =	wrdreg $0xFFFFFFFF  }
0xae: {  	s28 =	simm.s32 $_size_execute0_lowered;
	s5 =	sadd.s32 s5, s7;
	[dreg:$0x0] =	wrdreg $0x0  }
0xaf: {  	s7 =	sshll.u32 s28, $0x1;
	[dreg:$0x2] =	wrdreg s5  }
0xb0: {  	[dreg:$0x3] =	wrdreg s7  }
0xb1: {  	[dreg:$0x4] =	wrdreg $0xC0  }
0xb2: {  	_ =	task [dreg:s9], $0x5FFFF  }
0xb3: {  	[dreg:$0x1] =	wrdreg $0xFFFFFFFF  }
0xb4: {  	[dreg:$0x0] =	wrdreg $0x60  }
0xb5: {  	[dreg:$0x2] =	wrdreg s15  }
0xb6: {  	[dreg:$0x3] =	wrdreg s4  }
0xb7: {  	[dreg:$0x4] =	wrdreg s16  }
0xb8: {  	[dreg:$0x5] =	wrdreg s24  }
0xb9: {  	[dreg:$0x6] =	wrdreg $0xB2000  }
0xba: {  	[dreg:$0x7] =	wrdreg $0x9  }
0xbb: {  	_ =	task.clear_ibuf [dreg:s9], $0x8FFFF;
	_ =	strace $0x90000046  }
0xbc: {  	s29 =	simm.s32 $0x9;
	_ =	strace $0x80000048  }
0xbd: {  	_ =	swait.ge [sflag:s29], $0x1  }
0xbe: {  	[sflag:s29] =	ssyncadd.s32 $0xFFFFFFFF  }
0xbf: {  	_ =	strace $0x90000048  }
0xc0: {  	_ =	sfence  }
0xc1: {  	s30 =	sld [smem:$0x0];
	_ =	sdelay $0x2  }
0xc2: {  	s31 =	sshll.u32 s1, $0xD;
	s1 =	sshrl.u32 s1, $0x2  }
0xc3: {  	s3 =	sand.u32 $0x4000, s31;
	s1 =	sadd.s32 s1, s30  }
0xc4: {  	s0 =	sor.u32 s3, s0;
	s1 =	sshll.u32 s1, $0x11  }
0xc5: {  	s0 =	sor.u32 s1, s0  }
0xc6: {  	s0 =	sadd.s32 $0x8F2B, s0  }
0xc7: {  	[sflag:s0] =	ssyncadd.remote.s32 $0x1  }
0xc8: {  	_ =	sfence.sel $0xFFFF  }
0xc9: {  	[dreg:$0x0] =	wrdreg $0xFFFFFFFF;
	(pc) =	sbr.abs _section_cstart, $3  }
0xca: {  	[dreg:$0x1] =	wrdreg $0xFFFFFFFF  }
0xcb: {  	_ =	task.clear_ibuf [dreg:s9], $0x2FFFF;
	_ =	strace $0x9FFFFFFF  }
0xcc: {  	(tm) =	ssettm $0x7FFFFFFF  }
0xcd: {  	_ =	shalt  }
tec
execute0_lowered:
.L_overlay_start_1:
0x0: {  	(tag) =	ssettag $0x1  }
0x1: {  	s0 =	rddreg [dreg:$0x0]  }
0x2: {  	s2 =	rddreg [dreg:$0x1];
	s1 =	srdreg.scid  }
0x3: {  	s3 =	rddreg [dreg:$0x2];
	s14 =	stileid.u32  }
0x4: {  	s6 =	rddreg [dreg:$0x3];
	s7 =	smul.u32 $0x14000, s14  }
0x5: {  	s4 =	rddreg [dreg:$0x4];
	s21 =	smul.u32 $0x50000, s14  }
0x6: {  	s5 =	simm.s32 $0x0;
	s8 =	sand.u32 $0x1, s1;
	s22 =	smul.u32 $0x138800, s14  }
0x7: {  	[smem:$0x7FF] =	sst s5;
	s1 =	smul.u32 $0x140000, s8  }
0x8: {  	s16 =	smul.u32 $0x28000, s14;
	p0 =	sgt.u32 s14, $0x7;
	_ =	strace $0x80000047  }
0x9: {  	s9 =	ssub.s32 $0x2, s8;
	s10 =	sshrl.u32 s21, $0x2;
	s1 =	sadd.s32 s7, s1  }
0xa: {  	s7 =	smul.u32 $0x1388000, s8;
	s15 =	sadd.s32 s10, s4;
	s1 =	sshrl.u32 s1, $0x3  }
0xb: {  	s23 =	sadd.s32 $0x1000, s15;
	s24 =	sadd.s32 $0x2000, s15;
	[dreg:$0x10] =	wrdreg s15  }
0xc: {  	s1 =	sadd.s32 s1, s6;
	s6 =	smul.u32 $0x2710, s14;
	[dreg:$0x11] =	wrdreg s23  }
0xd: {  	[dreg:$0x12] =	wrdreg s24;
	s10 =	sadd.s32 s22, s7;
	s1 =	sadd.s32 $0x1600, s1  }
0xe: {  	s11 =	sshrl.u32 s9, $0x1;
	s10 =	sshrl.u32 s10, $0x3;
	[dreg:$0x1e] =	wrdreg s1  }
0xf: {  	s9 =	ssub.s32 s9, s11;
	s10 =	sadd.s32 s0, s10;
	[dreg:$0xf] =	wrdreg s6  }
0x10: {  	s25 =	sshrl.u32 s6, $0x3;
	s17 =	sadd.s32 $0xA0, s6;
	[dreg:$0x14] =	wrdreg s10  }
0x11: {  	s12 =	sadd.s32 $0x50, s6;
	s18 =	sadd.s32 $0xF0, s6;
	[dreg:$0x6] =	wrdreg s17  }
0x12: {  	s19 =	sadd.s32 $0x140, s6;
	s20 =	sadd.s32 $0x190, s6;
	[dreg:$0x7] =	wrdreg s18  }
0x13: {  	s11 =	sadd.s32 s2, s25;
	s26 =	sshll.u32 s12, $0x7;
	[dreg:$0x8] =	wrdreg s19  }
0x14: {  	s12 =	sshrl.u32 s12, $0x3;
	[dreg:$0x9] =	wrdreg s20;
	s17 =	smul.u32 $0x50, s14  }
0x15: {  	[dreg:$0x13] =	wrdreg s11;
	s11 =	sadd.s32 s7, s26;
	s10 =	sadd.s32 s2, s12  }
0x16: {  	s12 =	smul.u32 $0x13880, s8;
	s8 =	sshll.u32 s8, $0xA;
	[dreg:$0x15] =	wrdreg s10  }
0x17: {  	s13 =	sshrl.u32 s11, $0x3;
	s8 =	sor.u32 s8, s16;
	s11 =	sadd.s32 $0x7000, s15  }
0x18: {  	s10 =	sadd.s32 s0, s13;
	s13 =	smul.u32 $0x1360, s14;
	[smem:$0x7F1] =	sst s11  }
0x19: {  	s8 =	sshrl.u32 s8, $0x3;
	s14 =	sadd.s32 $0xA000, s15;
	[dreg:$0x16] =	wrdreg s10  }
0x1a: {  	s3 =	sadd.s32 s3, s8;
	[smem:$0x7F4] =	sst s14  }
0x1b: {  	s28 =	simm.s32 $0x5200;
	s10 =	sadd.s32 $0x6000, s15;
	[dreg:$0x17] =	wrdreg s3  }
0x1c: {  	s29 =	simm.s32 $0x1;
	s24 =	sadd.s32 s13, s12;
	[smem:$0x7F0] =	sst s10  }
0x1d: {  	s18 =	sadd.s32 $0x4E2000, s0;
	s25 =	sadd.s32 $0xA0, s24;
	[dreg:$0xe] =	wrdreg s24  }
0x1e: {  	s21 =	sshrl.u32 s24, $0x3;
	s13 =	sadd.s32 $0xF0, s24;
	[dreg:$0xa] =	wrdreg s25  }
0x1f: {  	s23 =	sshll.u32 s24, $0x4;
	s22 =	sadd.s32 s2, s21;
	[dreg:$0xb] =	wrdreg s13  }
0x20: {  	s26 =	sadd.s32 $0x50, s24;
	s3 =	sadd.s32 s23, s18;
	[dreg:$0x18] =	wrdreg s22  }
0x21: {  	s16 =	sshrl.u32 s26, $0x3;
	s23 =	sadd.s32 $0x190, s24;
	[dreg:$0x19] =	wrdreg s3  }
0x22: {  	s20 =	sshll.u32 s26, $0x4;
	s26 =	smax.u32 s9, $0x1;
	[dreg:$0xd] =	wrdreg s23  }
0x23: {  	s30 =	simm.s32 $0x5;
	s9 =	sadd.s32 $0x5000, s15;
	[dreg:$0x1f] =	wrdreg s26  }
0x24: {  	s21 =	sadd.s32 s17, s12;
	s12 =	sadd.s32 $0x8000, s15;
	[smem:$0x7EF] =	sst s9  }
0x25: {  	s31 =	simm.s32 $0x50;
	s13 =	sadd.s32 $0x9000, s15;
	[smem:$0x7F2] =	sst s12  }
0x26: {  	s1 =	simm.s32 $0x7A00;
	s17 =	sadd.s32 $0xC000, s15;
	[smem:$0x7F3] =	sst s13  }
0x27: {  	s11 =	simm.s32 $0x2;
	s19 =	sadd.s32 s2, s16;
	[smem:$0x7F6] =	sst s17  }
0x28: {  	s14 =	simm.s32 $0x3;
	s3 =	sadd.s32 s20, s18;
	[dreg:$0x1a] =	wrdreg s19  }
0x29: {  	s10 =	simm.s32 $0x2A00;
	s22 =	sadd.s32 $0x140, s24;
	[dreg:$0x1b] =	wrdreg s3  }
0x2a: {  	s16 =	sadd.s32 $0xB000, s15;
	s20 =	sadd.s32 $0xE000, s15;
	[dreg:$0xc] =	wrdreg s22  }
0x2b: {  	s23 =	sadd.s32 $0x11000, s15;
	s26 =	sadd.s32 $0x13000, s15;
	[smem:$0x7F5] =	sst s16  }
0x2c: {  	s9 =	simm.s32 $0x80;
	s12 =	simm.s32 $0x6;
	[smem:$0x7F8] =	sst s20  }
0x2d: {  	s13 =	simm.s32 $0x9;
	s17 =	simm.s32 $0xA;
	[smem:$0x7FB] =	sst s23  }
0x2e: {  	s3 =	sadd.s32 $0x13600, s21;
	s19 =	sadd.s32 $0xD000, s15;
	[smem:$0x7FD] =	sst s26  }
0x2f: {  	s21 =	sadd.s32 $0xF000, s15;
	s22 =	sadd.s32 $0x10000, s15;
	[smem:$0x7F7] =	sst s19  }
0x30: {  	s26 =	simm.s32 $0x100;
	s25 =	sshrl.u32 s3, $0x3;
	[smem:$0x7F9] =	sst s21  }
0x31: {  	s3 =	sshll.u32 s3, $0x4;
	[smem:$0x7FA] =	sst s22;
	s8 =	sadd.s32 s2, s25  }
0x32: {  	s16 =	simm.s32 $0x7;
	s3 =	sadd.s32 s3, s18;
	[dreg:$0x1c] =	wrdreg s8  }
0x33: {  	s20 =	simm.s32 $0x8;
	s25 =	sadd.s32 $0x12000, s15;
	[dreg:$0x1d] =	wrdreg s3  }
0x34: {  	s19 =	simm.s32 $0x4;
	s3 =	sadd.s32 $0x3000, s15;
	[smem:$0x7FC] =	sst s25  }
0x35: {  	s21 =	simm.s32 $0x0;
	s8 =	sadd.s32 $0x4000, s15;
	[smem:$0x7ED] =	sst s3  }
0x36: {  	v0 =	vimm.f32 $0.0e+00;
	s25 =	simm.s32 $0x200;
	[smem:$0x7EE] =	sst s8;
	s3 =	simm.s32 $0x180  }
.LBB2_1:
0x37: {  	[smem:$0x7EC] =	sst s21;
	s8 =	simm.s32 $0x0;
	s21 =	simm.s32 $0x200  }
.LBB2_2:
0x38: {  	p1 =	sne.s32 s21, $0x3E00;
	[tilespmem:s8+$0xA270] =	vst v0  }
0x39: {  	[tilespmem:s8+$0xA200] =	vst v0  }
0x3a: {  	[tilespmem:s8+$0xA210] =	vst v0  }
.Ltmp0:
0x3b: {  	[tilespmem:s8+$0xA220] =	vst v0;
	(pc) =	sbr.rel @p1 .LBB2_2-.Ltmp0, $4  }
0x3c: {  	[tilespmem:s8+$0xA230] =	vst v0  }
0x3d: {  	[tilespmem:s8+$0xA240] =	vst v0  }
0x3e: {  	[tilespmem:s8+$0xA250] =	vst v0  }
0x3f: {  	[tilespmem:s8+$0xA260] =	vst v0;
	s8 =	sshra.s32 s21, $0x2;
	s21 =	sadd.s32 $0x200, s21  }
0x40: {  	[tilespmem:s8+$0xA270] =	vst v0  }
0x41: {  	[tilespmem:s8+$0xA200] =	vst v0  }
0x42: {  	[tilespmem:s8+$0xA210] =	vst v0  }
0x43: {  	[tilespmem:s8+$0xA220] =	vst v0  }
0x44: {  	[tilespmem:s8+$0xA230] =	vst v0  }
0x45: {  	[tilespmem:s8+$0xA240] =	vst v0  }
0x46: {  	[tilespmem:s8+$0xA250] =	vst v0  }
0x47: {  	[tilespmem:s8+$0xA260] =	vst v0;
	s21 =	simm.s32 $0xA200  }
0x48: {  	[spmem:s15] =	stream.linear.scatter [tilespmem:s21], [sflag:$0xD], $0x1000, $0x38;
	[tilespmem:$0x1F200] =	vst v63  }
0x49: {  	s15 =	simm.s32 $0xD  }
0x4a: {  	_ =	swait.ge [sflag:s15], $0x1000  }
0x4b: {  	[sflag:s15] =	ssyncset.done $0x0  }
0x4c: {  	s23 =	rddreg [dreg:$0x11];
	[sflag:s15] =	ssyncadd.s32 $0xFFFFF000  }
0x4d: {  	[spmem:s23] =	stream.linear.scatter [tilespmem:s21], [sflag:$0xD], $0x1000, $0x38;
	[tilespmem:$0x1F200] =	vst v63  }
0x4e: {  	_ =	swait.ge [sflag:s15], $0x1000  }
0x4f: {  	[sflag:s15] =	ssyncset.done $0x0  }
0x50: {  	s24 =	rddreg [dreg:$0x12];
	[sflag:s15] =	ssyncadd.s32 $0xFFFFF000  }
0x51: {  	[spmem:s24] =	stream.linear.scatter [tilespmem:s21], [sflag:$0xD], $0x1000, $0x38;
	[tilespmem:$0x1F200] =	vst v63  }
0x52: {  	_ =	swait.ge [sflag:s15], $0x1000  }
0x53: {  	s22 =	sld [smem:$0x7ED]  }
0x54: {  	[sflag:s15] =	ssyncset.done $0x0  }
0x55: {  	[sflag:s15] =	ssyncadd.s32 $0xFFFFF000  }
0x56: {  	[spmem:s22] =	stream.linear.scatter [tilespmem:s21], [sflag:$0xD], $0x1000, $0x38;
	[tilespmem:$0x1F200] =	vst v63  }
0x57: {  	_ =	swait.ge [sflag:s15], $0x1000  }
0x58: {  	s23 =	sld [smem:$0x7EE]  }
0x59: {  	[sflag:s15] =	ssyncset.done $0x0  }
0x5a: {  	[sflag:s15] =	ssyncadd.s32 $0xFFFFF000  }
0x5b: {  	[spmem:s23] =	stream.linear.scatter [tilespmem:s21], [sflag:$0xD], $0x1000, $0x38;
	[tilespmem:$0x1F200] =	vst v63  }
0x5c: {  	_ =	swait.ge [sflag:s15], $0x1000  }
0x5d: {  	s24 =	sld [smem:$0x7EF]  }
0x5e: {  	[sflag:s15] =	ssyncset.done $0x0  }
0x5f: {  	[sflag:s15] =	ssyncadd.s32 $0xFFFFF000  }
0x60: {  	[spmem:s24] =	stream.linear.scatter [tilespmem:s21], [sflag:$0xD], $0x1000, $0x38;
	[tilespmem:$0x1F200] =	vst v63  }
0x61: {  	_ =	swait.ge [sflag:s15], $0x1000  }
0x62: {  	s22 =	sld [smem:$0x7F0]  }
0x63: {  	[sflag:s15] =	ssyncset.done $0x0  }
0x64: {  	[sflag:s15] =	ssyncadd.s32 $0xFFFFF000  }
0x65: {  	[spmem:s22] =	stream.linear.scatter [tilespmem:s21], [sflag:$0xD], $0x1000, $0x38;
	[tilespmem:$0x1F200] =	vst v63  }
0x66: {  	_ =	swait.ge [sflag:s15], $0x1000  }
0x67: {  	s23 =	sld [smem:$0x7F1]  }
0x68: {  	[sflag:s15] =	ssyncset.done $0x0  }
0x69: {  	[sflag:s15] =	ssyncadd.s32 $0xFFFFF000  }
0x6a: {  	[spmem:s23] =	stream.linear.scatter [tilespmem:s21], [sflag:$0xD], $0x1000, $0x38;
	[tilespmem:$0x1F200] =	vst v63  }
0x6b: {  	_ =	swait.ge [sflag:s15], $0x1000  }
0x6c: {  	s24 =	sld [smem:$0x7F2]  }
0x6d: {  	[sflag:s15] =	ssyncset.done $0x0  }
0x6e: {  	[sflag:s15] =	ssyncadd.s32 $0xFFFFF000  }
0x6f: {  	[spmem:s24] =	stream.linear.scatter [tilespmem:s21], [sflag:$0xD], $0x1000, $0x38;
	[tilespmem:$0x1F200] =	vst v63  }
0x70: {  	_ =	swait.ge [sflag:s15], $0x1000  }
0x71: {  	s22 =	sld [smem:$0x7F3]  }
0x72: {  	[sflag:s15] =	ssyncset.done $0x0  }
0x73: {  	[sflag:s15] =	ssyncadd.s32 $0xFFFFF000  }
0x74: {  	[spmem:s22] =	stream.linear.scatter [tilespmem:s21], [sflag:$0xD], $0x1000, $0x38;
	[tilespmem:$0x1F200] =	vst v63  }
0x75: {  	_ =	swait.ge [sflag:s15], $0x1000  }
0x76: {  	s23 =	sld [smem:$0x7F4]  }
0x77: {  	[sflag:s15] =	ssyncset.done $0x0  }
0x78: {  	[sflag:s15] =	ssyncadd.s32 $0xFFFFF000  }
0x79: {  	[spmem:s23] =	stream.linear.scatter [tilespmem:s21], [sflag:$0xD], $0x1000, $0x38;
	[tilespmem:$0x1F200] =	vst v63  }
0x7a: {  	_ =	swait.ge [sflag:s15], $0x1000  }
0x7b: {  	s24 =	sld [smem:$0x7F5]  }
0x7c: {  	[sflag:s15] =	ssyncset.done $0x0  }
0x7d: {  	[sflag:s15] =	ssyncadd.s32 $0xFFFFF000  }
0x7e: {  	[spmem:s24] =	stream.linear.scatter [tilespmem:s21], [sflag:$0xD], $0x1000, $0x38;
	[tilespmem:$0x1F200] =	vst v63  }
0x7f: {  	_ =	swait.ge [sflag:s15], $0x1000  }
0x80: {  	s22 =	sld [smem:$0x7F6]  }
0x81: {  	[sflag:s15] =	ssyncset.done $0x0  }
0x82: {  	[sflag:s15] =	ssyncadd.s32 $0xFFFFF000  }
0x83: {  	[spmem:s22] =	stream.linear.scatter [tilespmem:s21], [sflag:$0xD], $0x1000, $0x38;
	[tilespmem:$0x1F200] =	vst v63  }
0x84: {  	_ =	swait.ge [sflag:s15], $0x1000  }
0x85: {  	s23 =	sld [smem:$0x7F7]  }
0x86: {  	[sflag:s15] =	ssyncset.done $0x0  }
0x87: {  	[sflag:s15] =	ssyncadd.s32 $0xFFFFF000  }
0x88: {  	[spmem:s23] =	stream.linear.scatter [tilespmem:s21], [sflag:$0xD], $0x1000, $0x38;
	[tilespmem:$0x1F200] =	vst v63  }
0x89: {  	_ =	swait.ge [sflag:s15], $0x1000  }
0x8a: {  	s24 =	sld [smem:$0x7F8]  }
0x8b: {  	[sflag:s15] =	ssyncset.done $0x0  }
0x8c: {  	[sflag:s15] =	ssyncadd.s32 $0xFFFFF000  }
0x8d: {  	[spmem:s24] =	stream.linear.scatter [tilespmem:s21], [sflag:$0xD], $0x1000, $0x38;
	[tilespmem:$0x1F200] =	vst v63  }
0x8e: {  	_ =	swait.ge [sflag:s15], $0x1000  }
0x8f: {  	s22 =	sld [smem:$0x7F9]  }
0x90: {  	[sflag:s15] =	ssyncset.done $0x0  }
0x91: {  	[sflag:s15] =	ssyncadd.s32 $0xFFFFF000  }
0x92: {  	[spmem:s22] =	stream.linear.scatter [tilespmem:s21], [sflag:$0xD], $0x1000, $0x38;
	[tilespmem:$0x1F200] =	vst v63  }
0x93: {  	_ =	swait.ge [sflag:s15], $0x1000  }
0x94: {  	s23 =	sld [smem:$0x7FA]  }
0x95: {  	[sflag:s15] =	ssyncset.done $0x0  }
0x96: {  	[sflag:s15] =	ssyncadd.s32 $0xFFFFF000  }
0x97: {  	[spmem:s23] =	stream.linear.scatter [tilespmem:s21], [sflag:$0xD], $0x1000, $0x38;
	[tilespmem:$0x1F200] =	vst v63  }
0x98: {  	_ =	swait.ge [sflag:s15], $0x1000  }
0x99: {  	s24 =	sld [smem:$0x7FB]  }
0x9a: {  	[sflag:s15] =	ssyncset.done $0x0  }
0x9b: {  	[sflag:s15] =	ssyncadd.s32 $0xFFFFF000  }
0x9c: {  	[spmem:s24] =	stream.linear.scatter [tilespmem:s21], [sflag:$0xD], $0x1000, $0x38;
	[tilespmem:$0x1F200] =	vst v63  }
0x9d: {  	_ =	swait.ge [sflag:s15], $0x1000  }
0x9e: {  	s22 =	sld [smem:$0x7FC]  }
0x9f: {  	[sflag:s15] =	ssyncset.done $0x0  }
0xa0: {  	[sflag:s15] =	ssyncadd.s32 $0xFFFFF000  }
0xa1: {  	[spmem:s22] =	stream.linear.scatter [tilespmem:s21], [sflag:$0xD], $0x1000, $0x38;
	[tilespmem:$0x1F200] =	vst v63  }
0xa2: {  	_ =	swait.ge [sflag:s15], $0x1000  }
0xa3: {  	s23 =	sld [smem:$0x7FD]  }
0xa4: {  	[sflag:s15] =	ssyncset.done $0x0  }
0xa5: {  	[sflag:s15] =	ssyncadd.s32 $0xFFFFF000  }
0xa6: {  	[spmem:s23] =	stream.linear.scatter [tilespmem:s21], [sflag:$0xD], $0x1000, $0x38;
	[tilespmem:$0x1F200] =	vst v63  }
0xa7: {  	_ =	swait.ge [sflag:s15], $0x1000  }
0xa8: {  	[sflag:s15] =	ssyncset.done $0x0  }
0xa9: {  	[sflag:s15] =	ssyncadd.s32 $0xFFFFF000  }
0xaa: {  	[bflag:$0x0] =	sbarrier.arrive $0xFFFF  }
0xab: {  	s8 =	simm.s32 $0x0;
	s24 =	rddreg [dreg:$0x13]  }
0xac: {  	[tilespmem:s8], [sflag:$0x1] =	stream.linear.gather [hbm4b:s24+s8], $0x50, $0x38;
	[tilespmem:$0x1F200] =	vst v63  }
0xad: {  	s21 =	rddreg [dreg:$0x14]  }
0xae: {  	[tilespmem:s25], [sflag:$0x5] =	stream.linear.gather [hbm4b:s21+s8], $0x2800, $0x38;
	[tilespmem:$0x1F200] =	vst v63  }
0xaf: {  	p1 =	por $0x1, $0x1;
	s22 =	rddreg [dreg:$0x15]  }
0xb0: {  	[tilespmem:s9], [sflag:$0x2] =	stream.linear.gather [hbm4b:s22+s8], $0x50, $0x38;
	[tilespmem:$0x1F200] =	vst v63  }
0xb1: {  	s15 =	simm.s32 @!p1 $0xB;
	s23 =	rddreg [dreg:$0x16]  }
0xb2: {  	[tilespmem:s10], [sflag:$0x6] =	stream.linear.gather [hbm4b:s23+s8], $0x2800, $0x38;
	[tilespmem:$0x1F200] =	vst v63  }
0xb3: {  	s21 =	sadd.s32 @!p1 $0x0, s6;
	_ =	swait.ge @!p1 [sflag:s15], $0x2800  }
0xb4: {  	s24 =	sadd.s32 @!p1 $0xA0, s21;
	s22 =	rddreg [dreg:$0x6]  }
0xb5: {  	s24 =	smov.u32 @p1 s22  }
0xb6: {  	[sflag:s15] =	ssyncset.done @!p1 $0x0;
	s22 =	sshrl.u32 s24, $0x3;
	s24 =	sshll.u32 s24, $0x7  }
0xb7: {  	[sflag:s15] =	ssyncadd.s32 @!p1 $0xFFFFD800;
	s22 =	sadd.s32 s2, s22;
	s24 =	sadd.s32 s7, s24  }
0xb8: {  	[tilespmem:s26], [sflag:$0x3] =	stream.linear.gather [hbm4b:s22+s5], $0x50, $0x38;
	[tilespmem:$0x1F200] =	vst v63  }
0xb9: {  	s24 =	sshrl.u32 s24, $0x3  }
0xba: {  	s22 =	sadd.s32 s0, s24  }
0xbb: {  	[tilespmem:s28], [sflag:$0x7] =	stream.linear.gather [hbm4b:s22+s5], $0x2800, $0x38;
	[tilespmem:$0x1F200] =	vst v63  }
0xbc: {  	_ =	swait.ge [sflag:s29], $0x50  }
0xbd: {  	[sflag:s29] =	ssyncset.done $0x0  }
0xbe: {  	[sflag:s29] =	ssyncadd.s32 $0xFFFFFFB0  }
0xbf: {  	_ =	swait.ge [sflag:s30], $0x2800  }
0xc0: {  	[sflag:s30] =	ssyncset.done $0x0  }
0xc1: {  	s22 =	simm.s32 @!p1 $0xC;
	[sflag:s30] =	ssyncadd.s32 $0xFFFFD800  }
0xc2: {  	[spmem:s4] =	stream.indirect.scatter.add.f32 [tilespmem:s25], [sflag:$0x9], $0x80, s5, s31, $0xb8;
	[tilespmem:$0x1F200] =	vst v63  }
0xc3: {  	_ =	swait.ge @!p1 [sflag:s22], $0x2800  }
0xc4: {  	s21 =	sadd.s32 @!p1 $0xF0, s21;
	s24 =	rddreg [dreg:$0x7]  }
0xc5: {  	s21 =	smov.u32 @p1 s24  }
0xc6: {  	[sflag:s22] =	ssyncset.done @!p1 $0x0;
	s24 =	sshrl.u32 s21, $0x3;
	s21 =	sshll.u32 s21, $0x7  }
0xc7: {  	[sflag:s22] =	ssyncadd.s32 @!p1 $0xFFFFD800;
	s15 =	sadd.s32 s2, s24;
	s21 =	sadd.s32 s7, s21  }
0xc8: {  	[tilespmem:s3], [sflag:$0x4] =	stream.linear.gather [hbm4b:s15+s5], $0x50, $0x38;
	[tilespmem:$0x1F200] =	vst v63  }
0xc9: {  	s21 =	sshrl.u32 s21, $0x3  }
0xca: {  	s21 =	sadd.s32 s0, s21  }
0xcb: {  	[tilespmem:s1], [sflag:$0x8] =	stream.linear.gather [hbm4b:s21+s5], $0x2800, $0x38;
	[tilespmem:$0x1F200] =	vst v63  }
0xcc: {  	_ =	swait.ge [sflag:s11], $0x50  }
0xcd: {  	[sflag:s11] =	ssyncset.done $0x0  }
0xce: {  	[sflag:s11] =	ssyncadd.s32 $0xFFFFFFB0  }
0xcf: {  	_ =	swait.ge [sflag:s12], $0x2800  }
0xd0: {  	[sflag:s12] =	ssyncset.done $0x0  }
0xd1: {  	[sflag:s12] =	ssyncadd.s32 $0xFFFFD800  }
0xd2: {  	[spmem:s4] =	stream.indirect.scatter.add.f32 [tilespmem:s10], [sflag:$0xA], $0x80, s9, s31, $0xb8;
	[tilespmem:$0x1F200] =	vst v63  }
0xd3: {  	_ =	swait.ge [sflag:s13], $0x2800  }
0xd4: {  	s8 =	simm.s32 @p1 $0x0;
	s23 =	rddreg [dreg:$0x8]  }
0xd5: {  	s21 =	sadd.s32 s8, s23  }
0xd6: {  	[sflag:s13] =	ssyncset.done $0x0;
	s24 =	sshrl.u32 s21, $0x3;
	s21 =	sshll.u32 s21, $0x7  }
0xd7: {  	[sflag:s13] =	ssyncadd.s32 $0xFFFFD800;
	s22 =	sadd.s32 s2, s24;
	s21 =	sadd.s32 s7, s21  }
0xd8: {  	[tilespmem:s5], [sflag:$0x1] =	stream.linear.gather [hbm4b:s22+s5], $0x50, $0x38;
	[tilespmem:$0x1F200] =	vst v63  }
0xd9: {  	s21 =	sshrl.u32 s21, $0x3  }
0xda: {  	s21 =	sadd.s32 s0, s21  }
0xdb: {  	[tilespmem:s25], [sflag:$0x5] =	stream.linear.gather [hbm4b:s21+s5], $0x2800, $0x38;
	[tilespmem:$0x1F200] =	vst v63  }
0xdc: {  	_ =	swait.ge [sflag:s14], $0x50  }
0xdd: {  	[sflag:s14] =	ssyncset.done $0x0  }
0xde: {  	[sflag:s14] =	ssyncadd.s32 $0xFFFFFFB0  }
0xdf: {  	_ =	swait.ge [sflag:s16], $0x2800  }
0xe0: {  	[sflag:s16] =	ssyncset.done $0x0  }
0xe1: {  	[sflag:s16] =	ssyncadd.s32 $0xFFFFD800  }
0xe2: {  	[spmem:s4] =	stream.indirect.scatter.add.f32 [tilespmem:s28], [sflag:$0xB], $0x80, s26, s31, $0xb8;
	[tilespmem:$0x1F200] =	vst v63  }
0xe3: {  	_ =	swait.ge [sflag:s17], $0x2800  }
0xe4: {  	p1 =	por $0x0, $0x0;
	s21 =	rddreg [dreg:$0x9]  }
0xe5: {  	s24 =	simm.s32 @!p1 $0x80;
	[sflag:s17] =	ssyncset.done $0x0;
	s8 =	sadd.s32 @!p1 s8, s21  }
0xe6: {  	s21 =	simm.s32 @!p1 $0x0;
	s22 =	sshrl.u32 @!p1 s8, $0x3;
	s8 =	sshll.u32 @!p1 s8, $0x7  }
0xe7: {  	[sflag:s17] =	ssyncadd.s32 $0xFFFFD800;
	s22 =	sadd.s32 @!p1 s2, s22;
	s8 =	sadd.s32 @!p1 s7, s8  }
0xe8: {  	[tilespmem:s24], [sflag:$0x2] =	stream.linear.gather @!p1 [hbm4b:s22+s21], $0x50, $0x38;
	[tilespmem:$0x1F200] =	vst v63  }
0xe9: {  	s8 =	sshrl.u32 @!p1 s8, $0x3  }
0xea: {  	s22 =	simm.s32 @!p1 $0x2A00;
	s8 =	sadd.s32 @!p1 s0, s8  }
0xeb: {  	[tilespmem:s22], [sflag:$0x6] =	stream.linear.gather @!p1 [hbm4b:s8+s21], $0x2800, $0x38;
	[tilespmem:$0x1F200] =	vst v63  }
0xec: {  	s15 =	smov.u32 s6;
	s8 =	simm.s32 $0x140;
	_ =	swait.ge [sflag:s19], $0x50  }
.LBB2_4:
0xed: {  	[sflag:s19] =	ssyncset.done $0x0  }
0xee: {  	[sflag:s19] =	ssyncadd.s32 $0xFFFFFFB0  }
0xef: {  	s22 =	smov.u32 s8;
	_ =	swait.ge [sflag:s20], $0x2800  }
0xf0: {  	p2 =	seq.s32 s22, $0x0;
	[sflag:s20] =	ssyncset.done $0x0  }
0xf1: {  	s21 =	simm.s32 @!p2 $0xB;
	[sflag:s20] =	ssyncadd.s32 $0xFFFFD800  }
0xf2: {  	[spmem:s4] =	stream.indirect.scatter.add.f32 [tilespmem:s1], [sflag:$0xC], $0x80, s3, s31, $0xb8;
	[tilespmem:$0x1F200] =	vst v63  }
0xf3: {  	s24 =	sadd.s32 @!p2 s22, s15;
	_ =	swait.ge @!p2 [sflag:s21], $0x2800  }
0xf4: {  	s23 =	sadd.s32 @!p2 $0xA0, s24;
	s6 =	rddreg [dreg:$0x6]  }
0xf5: {  	s23 =	smov.u32 @p2 s6  }
0xf6: {  	[sflag:s21] =	ssyncset.done @!p2 $0x0;
	s6 =	sshrl.u32 s23, $0x3;
	s23 =	sshll.u32 s23, $0x7  }
0xf7: {  	[sflag:s21] =	ssyncadd.s32 @!p2 $0xFFFFD800;
	s6 =	sadd.s32 s2, s6;
	s21 =	sadd.s32 s7, s23  }
0xf8: {  	[tilespmem:s26], [sflag:$0x3] =	stream.linear.gather [hbm4b:s6+s5], $0x50, $0x38;
	[tilespmem:$0x1F200] =	vst v63  }
0xf9: {  	s23 =	sshrl.u32 s21, $0x3  }
0xfa: {  	s6 =	sadd.s32 s0, s23  }
0xfb: {  	[tilespmem:s28], [sflag:$0x7] =	stream.linear.gather [hbm4b:s6+s5], $0x2800, $0x38;
	[tilespmem:$0x1F200] =	vst v63  }
0xfc: {  	_ =	swait.ge [sflag:s29], $0x50  }
0xfd: {  	[sflag:s29] =	ssyncset.done $0x0  }
0xfe: {  	[sflag:s29] =	ssyncadd.s32 $0xFFFFFFB0  }
0xff: {  	_ =	swait.ge [sflag:s30], $0x2800  }
0x100: {  	[sflag:s30] =	ssyncset.done $0x0  }
0x101: {  	s6 =	simm.s32 @!p2 $0xC;
	[sflag:s30] =	ssyncadd.s32 $0xFFFFD800  }
0x102: {  	[spmem:s4] =	stream.indirect.scatter.add.f32 [tilespmem:s25], [sflag:$0x9], $0x80, s5, s31, $0xb8;
	[tilespmem:$0x1F200] =	vst v63  }
0x103: {  	_ =	swait.ge @!p2 [sflag:s6], $0x2800  }
0x104: {  	s24 =	sadd.s32 @!p2 $0xF0, s24;
	s21 =	rddreg [dreg:$0x7]  }
0x105: {  	s24 =	smov.u32 @p2 s21  }
0x106: {  	[sflag:s6] =	ssyncset.done @!p2 $0x0;
	s21 =	sshrl.u32 s24, $0x3;
	s24 =	sshll.u32 s24, $0x7  }
0x107: {  	[sflag:s6] =	ssyncadd.s32 @!p2 $0xFFFFD800;
	s21 =	sadd.s32 s2, s21;
	s24 =	sadd.s32 s7, s24  }
0x108: {  	[tilespmem:s3], [sflag:$0x4] =	stream.linear.gather [hbm4b:s21+s5], $0x50, $0x38;
	[tilespmem:$0x1F200] =	vst v63  }
0x109: {  	s21 =	sshrl.u32 s24, $0x3  }
0x10a: {  	s6 =	sadd.s32 s0, s21  }
0x10b: {  	[tilespmem:s1], [sflag:$0x8] =	stream.linear.gather [hbm4b:s6+s5], $0x2800, $0x38;
	[tilespmem:$0x1F200] =	vst v63  }
0x10c: {  	_ =	swait.ge [sflag:s11], $0x50  }
0x10d: {  	[sflag:s11] =	ssyncset.done $0x0  }
0x10e: {  	[sflag:s11] =	ssyncadd.s32 $0xFFFFFFB0  }
0x10f: {  	_ =	swait.ge [sflag:s12], $0x2800  }
0x110: {  	[sflag:s12] =	ssyncset.done $0x0  }
0x111: {  	[sflag:s12] =	ssyncadd.s32 $0xFFFFD800  }
0x112: {  	[spmem:s4] =	stream.indirect.scatter.add.f32 [tilespmem:s10], [sflag:$0xA], $0x80, s9, s31, $0xb8;
	[tilespmem:$0x1F200] =	vst v63  }
0x113: {  	s21 =	smov.u32 s22;
	_ =	swait.ge [sflag:s13], $0x2800  }
0x114: {  	s21 =	simm.s32 @p2 $0x0;
	s23 =	rddreg [dreg:$0x8]  }
0x115: {  	s6 =	sadd.s32 s21, s23  }
0x116: {  	[sflag:s13] =	ssyncset.done $0x0;
	s24 =	sshrl.u32 s6, $0x3;
	s6 =	sshll.u32 s6, $0x7  }
0x117: {  	[sflag:s13] =	ssyncadd.s32 $0xFFFFD800;
	s23 =	sadd.s32 s2, s24;
	s6 =	sadd.s32 s7, s6  }
0x118: {  	[tilespmem:s5], [sflag:$0x1] =	stream.linear.gather [hbm4b:s23+s5], $0x50, $0x38;
	[tilespmem:$0x1F200] =	vst v63  }
0x119: {  	s6 =	sshrl.u32 s6, $0x3  }
0x11a: {  	s6 =	sadd.s32 s0, s6  }
0x11b: {  	[tilespmem:s25], [sflag:$0x5] =	stream.linear.gather [hbm4b:s6+s5], $0x2800, $0x38;
	[tilespmem:$0x1F200] =	vst v63  }
0x11c: {  	_ =	swait.ge [sflag:s14], $0x50  }
0x11d: {  	[sflag:s14] =	ssyncset.done $0x0  }
0x11e: {  	[sflag:s14] =	ssyncadd.s32 $0xFFFFFFB0  }
0x11f: {  	_ =	swait.ge [sflag:s16], $0x2800  }
0x120: {  	[sflag:s16] =	ssyncset.done $0x0  }
0x121: {  	[sflag:s16] =	ssyncadd.s32 $0xFFFFD800  }
0x122: {  	[spmem:s4] =	stream.indirect.scatter.add.f32 [tilespmem:s28], [sflag:$0xB], $0x80, s26, s31, $0xb8;
	[tilespmem:$0x1F200] =	vst v63  }
0x123: {  	_ =	swait.ge [sflag:s17], $0x2800  }
0x124: {  	s8 =	sadd.s32 $0x140, s8;
	p2 =	seq.s32 s22, $0x2580;
	s6 =	rddreg [dreg:$0x9]  }
0x125: {  	p1 =	sne.s32 s8, $0x26C0;
	s22 =	simm.s32 @!p2 $0x80;
	s6 =	sadd.s32 @!p2 s21, s6  }
0x126: {  	[sflag:s17] =	ssyncset.done $0x0;
	s21 =	simm.s32 @!p2 $0x0;
	s23 =	sshrl.u32 @!p2 s6, $0x3  }
0x127: {  	[sflag:s17] =	ssyncadd.s32 $0xFFFFD800;
	s6 =	sshll.u32 @!p2 s6, $0x7;
	s23 =	sadd.s32 @!p2 s2, s23  }
0x128: {  	[tilespmem:s22], [sflag:$0x2] =	stream.linear.gather @!p2 [hbm4b:s23+s21], $0x50, $0x38;
	[tilespmem:$0x1F200] =	vst v63  }
.Ltmp1:
0x129: {  	s6 =	sadd.s32 @!p2 s7, s6;
	(pc) =	sbr.rel @p1 .LBB2_4-.Ltmp1, $4  }
0x12a: {  	s6 =	sshrl.u32 @!p2 s6, $0x3  }
0x12b: {  	s22 =	simm.s32 @!p2 $0x2A00;
	s6 =	sadd.s32 @!p2 s0, s6  }
0x12c: {  	[tilespmem:s22], [sflag:$0x6] =	stream.linear.gather @!p2 [hbm4b:s6+s21], $0x2800, $0x38;
	[tilespmem:$0x1F200] =	vst v63  }
0x12d: {  	_ =	swait.ge [sflag:s19], $0x50  }
0x12e: {  	[sflag:s19] =	ssyncset.done $0x0  }
0x12f: {  	[sflag:s19] =	ssyncadd.s32 $0xFFFFFFB0  }
0x130: {  	_ =	swait.ge [sflag:s20], $0x2800  }
0x131: {  	[sflag:s20] =	ssyncset.done $0x0  }
0x132: {  	s6 =	simm.s32 $0xB;
	[sflag:s20] =	ssyncadd.s32 $0xFFFFD800  }
0x133: {  	[spmem:s4] =	stream.indirect.scatter.add.f32 [tilespmem:s1], [sflag:$0xC], $0x80, s3, s31, $0xb8;
	[tilespmem:$0x1F200] =	vst v63  }
0x134: {  	_ =	swait.ge [sflag:s6], $0x2800  }
0x135: {  	[sflag:s6] =	ssyncset.done $0x0  }
0x136: {  	[sflag:s6] =	ssyncadd.s32 $0xFFFFD800  }
0x137: {  	_ =	swait.ge [sflag:s29], $0x50  }
0x138: {  	[sflag:s29] =	ssyncset.done $0x0  }
0x139: {  	[sflag:s29] =	ssyncadd.s32 $0xFFFFFFB0  }
0x13a: {  	_ =	swait.ge [sflag:s30], $0x2800  }
0x13b: {  	[sflag:s30] =	ssyncset.done $0x0  }
0x13c: {  	s22 =	simm.s32 $0x0;
	s15 =	simm.s32 $0xC;
	[sflag:s30] =	ssyncadd.s32 $0xFFFFD800  }
0x13d: {  	[spmem:s4] =	stream.indirect.scatter.add.f32 [tilespmem:s25], [sflag:$0x9], $0x80, s22, s31, $0xb8;
	[tilespmem:$0x1F200] =	vst v63  }
0x13e: {  	_ =	swait.ge [sflag:s15], $0x2800  }
0x13f: {  	[sflag:s15] =	ssyncset.done $0x0  }
0x140: {  	[sflag:s15] =	ssyncadd.s32 $0xFFFFD800  }
0x141: {  	_ =	swait.ge [sflag:s13], $0x2800  }
0x142: {  	[sflag:s13] =	ssyncset.done $0x0  }
0x143: {  	[sflag:s13] =	ssyncadd.s32 $0xFFFFD800  }
0x144: {  	s21 =	stileid.u32;
	[bflag:$0x0] =	sbarrier.arrive $0xFFFF  }
0x145: {  	s6 =	sshll.u32 s21, $0x6;
	s15 =	rddreg [dreg:$0x10]  }
0x146: {  	s8 =	sor.u32 $0x1C0D, s6;
	s23 =	rddreg [dreg:$0x17]  }
0x147: {  	[smem:$0x7EA] =	sst s8;
	s21 =	sshrl.u32 s15, $0x3  }
0x148: {  	[smem:$0x7EB] =	sst s21  }
0x149: {  	[hbm:s23@s26], [sflag:s8] =	dma.strided [spmem:s21@s9], $0x2800, s20, $0x10   }
0x14a: {  	s21 =	simm.s32 $0xD  }
0x14b: {  	_ =	swait.ge [sflag:s21], $0x2800  }
0x14c: {  	[sflag:s21] =	ssyncset.done $0x0  }
0x14d: {  	s8 =	simm.s32 $0xA200;
	[sflag:s21] =	ssyncadd.s32 $0xFFFFD800  }
0x14e: {  	[spmem:s15] =	stream.linear.scatter [tilespmem:s8], [sflag:$0xD], $0x1000, $0x38;
	[tilespmem:$0x1F200] =	vst v63  }
0x14f: {  	_ =	swait.ge [sflag:s21], $0x1000  }
0x150: {  	[sflag:s21] =	ssyncset.done $0x0  }
0x151: {  	s24 =	rddreg [dreg:$0x11];
	[sflag:s21] =	ssyncadd.s32 $0xFFFFF000  }
0x152: {  	[spmem:s24] =	stream.linear.scatter [tilespmem:s8], [sflag:$0xD], $0x1000, $0x38;
	[tilespmem:$0x1F200] =	vst v63  }
0x153: {  	_ =	swait.ge [sflag:s21], $0x1000  }
0x154: {  	[sflag:s21] =	ssyncset.done $0x0  }
0x155: {  	s23 =	rddreg [dreg:$0x12];
	[sflag:s21] =	ssyncadd.s32 $0xFFFFF000  }
0x156: {  	[spmem:s23] =	stream.linear.scatter [tilespmem:s8], [sflag:$0xD], $0x1000, $0x38;
	[tilespmem:$0x1F200] =	vst v63  }
0x157: {  	_ =	swait.ge [sflag:s21], $0x1000  }
0x158: {  	s24 =	sld [smem:$0x7ED]  }
0x159: {  	[sflag:s21] =	ssyncset.done $0x0  }
0x15a: {  	[sflag:s21] =	ssyncadd.s32 $0xFFFFF000  }
0x15b: {  	[spmem:s24] =	stream.linear.scatter [tilespmem:s8], [sflag:$0xD], $0x1000, $0x38;
	[tilespmem:$0x1F200] =	vst v63  }
0x15c: {  	_ =	swait.ge [sflag:s21], $0x1000  }
0x15d: {  	s23 =	sld [smem:$0x7EE]  }
0x15e: {  	[sflag:s21] =	ssyncset.done $0x0  }
0x15f: {  	[sflag:s21] =	ssyncadd.s32 $0xFFFFF000  }
0x160: {  	[spmem:s23] =	stream.linear.scatter [tilespmem:s8], [sflag:$0xD], $0x1000, $0x38;
	[tilespmem:$0x1F200] =	vst v63  }
0x161: {  	_ =	swait.ge [sflag:s21], $0x1000  }
0x162: {  	s24 =	sld [smem:$0x7EF]  }
0x163: {  	[sflag:s21] =	ssyncset.done $0x0  }
0x164: {  	[sflag:s21] =	ssyncadd.s32 $0xFFFFF000  }
0x165: {  	[spmem:s24] =	stream.linear.scatter [tilespmem:s8], [sflag:$0xD], $0x1000, $0x38;
	[tilespmem:$0x1F200] =	vst v63  }
0x166: {  	_ =	swait.ge [sflag:s21], $0x1000  }
0x167: {  	s23 =	sld [smem:$0x7F0]  }
0x168: {  	[sflag:s21] =	ssyncset.done $0x0  }
0x169: {  	[sflag:s21] =	ssyncadd.s32 $0xFFFFF000  }
0x16a: {  	[spmem:s23] =	stream.linear.scatter [tilespmem:s8], [sflag:$0xD], $0x1000, $0x38;
	[tilespmem:$0x1F200] =	vst v63  }
0x16b: {  	_ =	swait.ge [sflag:s21], $0x1000  }
0x16c: {  	s24 =	sld [smem:$0x7F1]  }
0x16d: {  	[sflag:s21] =	ssyncset.done $0x0  }
0x16e: {  	[sflag:s21] =	ssyncadd.s32 $0xFFFFF000  }
0x16f: {  	[spmem:s24] =	stream.linear.scatter [tilespmem:s8], [sflag:$0xD], $0x1000, $0x38;
	[tilespmem:$0x1F200] =	vst v63  }
0x170: {  	_ =	swait.ge [sflag:s21], $0x1000  }
0x171: {  	s23 =	sld [smem:$0x7F2]  }
0x172: {  	[sflag:s21] =	ssyncset.done $0x0  }
0x173: {  	[sflag:s21] =	ssyncadd.s32 $0xFFFFF000  }
0x174: {  	[spmem:s23] =	stream.linear.scatter [tilespmem:s8], [sflag:$0xD], $0x1000, $0x38;
	[tilespmem:$0x1F200] =	vst v63  }
0x175: {  	_ =	swait.ge [sflag:s21], $0x1000  }
0x176: {  	s24 =	sld [smem:$0x7F3]  }
0x177: {  	[sflag:s21] =	ssyncset.done $0x0  }
0x178: {  	[sflag:s21] =	ssyncadd.s32 $0xFFFFF000  }
0x179: {  	[spmem:s24] =	stream.linear.scatter [tilespmem:s8], [sflag:$0xD], $0x1000, $0x38;
	[tilespmem:$0x1F200] =	vst v63  }
0x17a: {  	_ =	swait.ge [sflag:s21], $0x1000  }
0x17b: {  	s23 =	sld [smem:$0x7F4]  }
0x17c: {  	[sflag:s21] =	ssyncset.done $0x0  }
0x17d: {  	[sflag:s21] =	ssyncadd.s32 $0xFFFFF000  }
0x17e: {  	[spmem:s23] =	stream.linear.scatter [tilespmem:s8], [sflag:$0xD], $0x1000, $0x38;
	[tilespmem:$0x1F200] =	vst v63  }
0x17f: {  	_ =	swait.ge [sflag:s21], $0x1000  }
0x180: {  	s24 =	sld [smem:$0x7F5]  }
0x181: {  	[sflag:s21] =	ssyncset.done $0x0  }
0x182: {  	[sflag:s21] =	ssyncadd.s32 $0xFFFFF000  }
0x183: {  	[spmem:s24] =	stream.linear.scatter [tilespmem:s8], [sflag:$0xD], $0x1000, $0x38;
	[tilespmem:$0x1F200] =	vst v63  }
0x184: {  	_ =	swait.ge [sflag:s21], $0x1000  }
0x185: {  	s23 =	sld [smem:$0x7F6]  }
0x186: {  	[sflag:s21] =	ssyncset.done $0x0  }
0x187: {  	[sflag:s21] =	ssyncadd.s32 $0xFFFFF000  }
0x188: {  	[spmem:s23] =	stream.linear.scatter [tilespmem:s8], [sflag:$0xD], $0x1000, $0x38;
	[tilespmem:$0x1F200] =	vst v63  }
0x189: {  	_ =	swait.ge [sflag:s21], $0x1000  }
0x18a: {  	s24 =	sld [smem:$0x7F7]  }
0x18b: {  	[sflag:s21] =	ssyncset.done $0x0  }
0x18c: {  	[sflag:s21] =	ssyncadd.s32 $0xFFFFF000  }
0x18d: {  	[spmem:s24] =	stream.linear.scatter [tilespmem:s8], [sflag:$0xD], $0x1000, $0x38;
	[tilespmem:$0x1F200] =	vst v63  }
0x18e: {  	_ =	swait.ge [sflag:s21], $0x1000  }
0x18f: {  	s23 =	sld [smem:$0x7F8]  }
0x190: {  	[sflag:s21] =	ssyncset.done $0x0  }
0x191: {  	[sflag:s21] =	ssyncadd.s32 $0xFFFFF000  }
0x192: {  	[spmem:s23] =	stream.linear.scatter [tilespmem:s8], [sflag:$0xD], $0x1000, $0x38;
	[tilespmem:$0x1F200] =	vst v63  }
0x193: {  	_ =	swait.ge [sflag:s21], $0x1000  }
0x194: {  	s24 =	sld [smem:$0x7F9]  }
0x195: {  	[sflag:s21] =	ssyncset.done $0x0  }
0x196: {  	[sflag:s21] =	ssyncadd.s32 $0xFFFFF000  }
0x197: {  	[spmem:s24] =	stream.linear.scatter [tilespmem:s8], [sflag:$0xD], $0x1000, $0x38;
	[tilespmem:$0x1F200] =	vst v63  }
0x198: {  	_ =	swait.ge [sflag:s21], $0x1000  }
0x199: {  	s23 =	sld [smem:$0x7FA]  }
0x19a: {  	[sflag:s21] =	ssyncset.done $0x0  }
0x19b: {  	[sflag:s21] =	ssyncadd.s32 $0xFFFFF000  }
0x19c: {  	[spmem:s23] =	stream.linear.scatter [tilespmem:s8], [sflag:$0xD], $0x1000, $0x38;
	[tilespmem:$0x1F200] =	vst v63  }
0x19d: {  	_ =	swait.ge [sflag:s21], $0x1000  }
0x19e: {  	s24 =	sld [smem:$0x7FB]  }
0x19f: {  	[sflag:s21] =	ssyncset.done $0x0  }
0x1a0: {  	[sflag:s21] =	ssyncadd.s32 $0xFFFFF000  }
0x1a1: {  	[spmem:s24] =	stream.linear.scatter [tilespmem:s8], [sflag:$0xD], $0x1000, $0x38;
	[tilespmem:$0x1F200] =	vst v63  }
0x1a2: {  	_ =	swait.ge [sflag:s21], $0x1000  }
0x1a3: {  	s23 =	sld [smem:$0x7FC]  }
0x1a4: {  	[sflag:s21] =	ssyncset.done $0x0  }
0x1a5: {  	[sflag:s21] =	ssyncadd.s32 $0xFFFFF000  }
0x1a6: {  	[spmem:s23] =	stream.linear.scatter [tilespmem:s8], [sflag:$0xD], $0x1000, $0x38;
	[tilespmem:$0x1F200] =	vst v63  }
0x1a7: {  	_ =	swait.ge [sflag:s21], $0x1000  }
0x1a8: {  	s24 =	sld [smem:$0x7FD]  }
0x1a9: {  	[sflag:s21] =	ssyncset.done $0x0  }
0x1aa: {  	[sflag:s21] =	ssyncadd.s32 $0xFFFFF000  }
0x1ab: {  	[spmem:s24] =	stream.linear.scatter [tilespmem:s8], [sflag:$0xD], $0x1000, $0x38;
	[tilespmem:$0x1F200] =	vst v63  }
0x1ac: {  	_ =	swait.ge [sflag:s21], $0x1000  }
0x1ad: {  	[sflag:s21] =	ssyncset.done $0x0  }
0x1ae: {  	[sflag:s21] =	ssyncadd.s32 $0xFFFFF000  }
0x1af: {  	[bflag:$0x0] =	sbarrier.arrive $0xFFFF  }
0x1b0: {  	s23 =	rddreg [dreg:$0x18]  }
0x1b1: {  	[tilespmem:s22], [sflag:$0x1] =	stream.linear.gather [hbm4b:s23+s22], $0x50, $0x38;
	[tilespmem:$0x1F200] =	vst v63  }
0x1b2: {  	s24 =	rddreg [dreg:$0x19]  }
0x1b3: {  	[tilespmem:s25], [sflag:$0x5] =	stream.linear.gather [hbm4b:s24+s22], $0x2800, $0x38;
	[tilespmem:$0x1F200] =	vst v63  }
0x1b4: {  	p1 =	por $0x1, $0x1;
	s8 =	rddreg [dreg:$0x1a]  }
0x1b5: {  	[tilespmem:s9], [sflag:$0x2] =	stream.linear.gather [hbm4b:s8+s22], $0x50, $0x38;
	[tilespmem:$0x1F200] =	vst v63  }
0x1b6: {  	s6 =	simm.s32 @!p1 $0xB;
	s21 =	rddreg [dreg:$0x1b]  }
0x1b7: {  	[tilespmem:s10], [sflag:$0x6] =	stream.linear.gather [hbm4b:s21+s22], $0x2800, $0x38;
	[tilespmem:$0x1F200] =	vst v63  }
0x1b8: {  	_ =	swait.ge @!p1 [sflag:s6], $0x2800  }
0x1b9: {  	s24 =	rddreg [dreg:$0xe]  }
0x1ba: {  	s21 =	sadd.s32 @!p1 $0x0, s24  }
0x1bb: {  	s8 =	rddreg [dreg:$0xa];
	s23 =	sadd.s32 @!p1 $0xA0, s21  }
0x1bc: {  	s23 =	smov.u32 @p1 s8  }
0x1bd: {  	[sflag:s6] =	ssyncset.done @!p1 $0x0;
	s8 =	sshrl.u32 s23, $0x3  }
0x1be: {  	[sflag:s6] =	ssyncadd.s32 @!p1 $0xFFFFD800;
	s23 =	sshll.u32 s23, $0x4;
	s8 =	sadd.s32 s2, s8  }
0x1bf: {  	[tilespmem:s26], [sflag:$0x3] =	stream.linear.gather [hbm4b:s8+s5], $0x50, $0x38;
	[tilespmem:$0x1F200] =	vst v63  }
0x1c0: {  	s6 =	sadd.s32 s23, s18  }
0x1c1: {  	[tilespmem:s28], [sflag:$0x7] =	stream.linear.gather [hbm4b:s6+s5], $0x2800, $0x38;
	[tilespmem:$0x1F200] =	vst v63  }
0x1c2: {  	_ =	swait.ge [sflag:s29], $0x50  }
0x1c3: {  	[sflag:s29] =	ssyncset.done $0x0  }
0x1c4: {  	[sflag:s29] =	ssyncadd.s32 $0xFFFFFFB0  }
0x1c5: {  	_ =	swait.ge [sflag:s30], $0x2800  }
0x1c6: {  	[sflag:s30] =	ssyncset.done $0x0  }
0x1c7: {  	s6 =	simm.s32 @!p1 $0xC;
	[sflag:s30] =	ssyncadd.s32 $0xFFFFD800  }
0x1c8: {  	[spmem:s4] =	stream.indirect.scatter.add.f32 [tilespmem:s25], [sflag:$0x9], $0x80, s5, s31, $0xb8;
	[tilespmem:$0x1F200] =	vst v63  }
0x1c9: {  	_ =	swait.ge @!p1 [sflag:s6], $0x2800  }
0x1ca: {  	s21 =	sadd.s32 @!p1 $0xF0, s21;
	s8 =	rddreg [dreg:$0xb]  }
0x1cb: {  	s21 =	smov.u32 @p1 s8  }
0x1cc: {  	[sflag:s6] =	ssyncset.done @!p1 $0x0;
	s8 =	sshrl.u32 s21, $0x3  }
0x1cd: {  	[sflag:s6] =	ssyncadd.s32 @!p1 $0xFFFFD800;
	s23 =	sshll.u32 s21, $0x4;
	s8 =	sadd.s32 s2, s8  }
0x1ce: {  	[tilespmem:s3], [sflag:$0x4] =	stream.linear.gather [hbm4b:s8+s5], $0x50, $0x38;
	[tilespmem:$0x1F200] =	vst v63  }
0x1cf: {  	s6 =	sadd.s32 s23, s18  }
0x1d0: {  	[tilespmem:s1], [sflag:$0x8] =	stream.linear.gather [hbm4b:s6+s5], $0x2800, $0x38;
	[tilespmem:$0x1F200] =	vst v63  }
0x1d1: {  	_ =	swait.ge [sflag:s11], $0x50  }
0x1d2: {  	[sflag:s11] =	ssyncset.done $0x0  }
0x1d3: {  	[sflag:s11] =	ssyncadd.s32 $0xFFFFFFB0  }
0x1d4: {  	_ =	swait.ge [sflag:s12], $0x2800  }
0x1d5: {  	[sflag:s12] =	ssyncset.done $0x0  }
0x1d6: {  	[sflag:s12] =	ssyncadd.s32 $0xFFFFD800  }
0x1d7: {  	[spmem:s4] =	stream.indirect.scatter.add.f32 [tilespmem:s10], [sflag:$0xA], $0x80, s9, s31, $0xb8;
	[tilespmem:$0x1F200] =	vst v63  }
0x1d8: {  	_ =	swait.ge [sflag:s13], $0x2800  }
0x1d9: {  	s22 =	simm.s32 @p1 $0x0;
	s21 =	rddreg [dreg:$0xc]  }
0x1da: {  	s6 =	sadd.s32 s22, s21  }
0x1db: {  	[sflag:s13] =	ssyncset.done $0x0;
	s23 =	sshrl.u32 s6, $0x3  }
0x1dc: {  	[sflag:s13] =	ssyncadd.s32 $0xFFFFD800;
	s6 =	sshll.u32 s6, $0x4;
	s8 =	sadd.s32 s2, s23  }
0x1dd: {  	[tilespmem:s5], [sflag:$0x1] =	stream.linear.gather [hbm4b:s8+s5], $0x50, $0x38;
	[tilespmem:$0x1F200] =	vst v63  }
0x1de: {  	s6 =	sadd.s32 s6, s18  }
0x1df: {  	[tilespmem:s25], [sflag:$0x5] =	stream.linear.gather [hbm4b:s6+s5], $0x2800, $0x38;
	[tilespmem:$0x1F200] =	vst v63  }
0x1e0: {  	_ =	swait.ge [sflag:s14], $0x50  }
0x1e1: {  	[sflag:s14] =	ssyncset.done $0x0  }
0x1e2: {  	[sflag:s14] =	ssyncadd.s32 $0xFFFFFFB0  }
0x1e3: {  	_ =	swait.ge [sflag:s16], $0x2800  }
0x1e4: {  	[sflag:s16] =	ssyncset.done $0x0  }
0x1e5: {  	[sflag:s16] =	ssyncadd.s32 $0xFFFFD800  }
0x1e6: {  	[spmem:s4] =	stream.indirect.scatter.add.f32 [tilespmem:s28], [sflag:$0xB], $0x80, s26, s31, $0xb8;
	[tilespmem:$0x1F200] =	vst v63  }
0x1e7: {  	_ =	swait.ge [sflag:s17], $0x2800  }
0x1e8: {  	s21 =	rddreg [dreg:$0xd]  }
0x1e9: {  	s6 =	sadd.s32 s22, s21  }
0x1ea: {  	[sflag:s17] =	ssyncset.done $0x0;
	s23 =	sshrl.u32 s6, $0x3  }
0x1eb: {  	[sflag:s17] =	ssyncadd.s32 $0xFFFFD800;
	s6 =	sshll.u32 s6, $0x4;
	s8 =	sadd.s32 s2, s23  }
0x1ec: {  	[tilespmem:s9], [sflag:$0x2] =	stream.linear.gather [hbm4b:s8+s5], $0x50, $0x38;
	[tilespmem:$0x1F200] =	vst v63  }
0x1ed: {  	s6 =	sadd.s32 s6, s18  }
0x1ee: {  	[tilespmem:s10], [sflag:$0x6] =	stream.linear.gather [hbm4b:s6+s5], $0x2800, $0x38;
	[tilespmem:$0x1F200] =	vst v63  }
0x1ef: {  	_ =	swait.ge [sflag:s19], $0x50  }
0x1f0: {  	[sflag:s19] =	ssyncset.done $0x0  }
0x1f1: {  	[sflag:s19] =	ssyncadd.s32 $0xFFFFFFB0  }
0x1f2: {  	p2 =	por $0x0, $0x0;
	_ =	swait.ge [sflag:s20], $0x2800  }
0x1f3: {  	s22 =	simm.s32 $0x140;
	s8 =	simm.s32 $0x280;
	[sflag:s20] =	ssyncset.done $0x0  }
.LBB2_6:
0x1f4: {  	s6 =	simm.s32 @!p2 $0xB;
	[sflag:s20] =	ssyncadd.s32 $0xFFFFD800  }
0x1f5: {  	[spmem:s4] =	stream.indirect.scatter.add.f32 [tilespmem:s1], [sflag:$0xC], $0x80, s3, s31, $0xb8;
	[tilespmem:$0x1F200] =	vst v63  }
0x1f6: {  	_ =	swait.ge @!p2 [sflag:s6], $0x2800  }
0x1f7: {  	[sflag:s6] =	ssyncset.done @!p2 $0x0  }
0x1f8: {  	[sflag:s6] =	ssyncadd.s32 @!p2 $0xFFFFD800;
	s6 =	sadd.s32 @!p2 s22, s24  }
0x1f9: {  	s23 =	rddreg [dreg:$0xa];
	s24 =	sadd.s32 @!p2 $0xA0, s6  }
0x1fa: {  	s24 =	smov.u32 @p2 s23  }
0x1fb: {  	s23 =	sshrl.u32 s24, $0x3  }
0x1fc: {  	s24 =	sshll.u32 s24, $0x4;
	s23 =	sadd.s32 s2, s23  }
0x1fd: {  	[tilespmem:s26], [sflag:$0x3] =	stream.linear.gather [hbm4b:s23+s5], $0x50, $0x38;
	[tilespmem:$0x1F200] =	vst v63  }
0x1fe: {  	s24 =	sadd.s32 s24, s18  }
0x1ff: {  	[tilespmem:s28], [sflag:$0x7] =	stream.linear.gather [hbm4b:s24+s5], $0x2800, $0x38;
	[tilespmem:$0x1F200] =	vst v63  }
0x200: {  	_ =	swait.ge [sflag:s29], $0x50  }
0x201: {  	[sflag:s29] =	ssyncset.done $0x0  }
0x202: {  	[sflag:s29] =	ssyncadd.s32 $0xFFFFFFB0  }
0x203: {  	_ =	swait.ge [sflag:s30], $0x2800  }
0x204: {  	[sflag:s30] =	ssyncset.done $0x0  }
0x205: {  	s23 =	simm.s32 @!p2 $0xC;
	[sflag:s30] =	ssyncadd.s32 $0xFFFFD800  }
0x206: {  	[spmem:s4] =	stream.indirect.scatter.add.f32 [tilespmem:s25], [sflag:$0x9], $0x80, s5, s31, $0xb8;
	[tilespmem:$0x1F200] =	vst v63  }
0x207: {  	_ =	swait.ge @!p2 [sflag:s23], $0x2800  }
0x208: {  	s6 =	sadd.s32 @!p2 $0xF0, s6;
	s24 =	rddreg [dreg:$0xb]  }
0x209: {  	s6 =	smov.u32 @p2 s24  }
0x20a: {  	[sflag:s23] =	ssyncset.done @!p2 $0x0;
	s24 =	sshrl.u32 s6, $0x3  }
0x20b: {  	[sflag:s23] =	ssyncadd.s32 @!p2 $0xFFFFD800;
	s6 =	sshll.u32 s6, $0x4;
	s23 =	sadd.s32 s2, s24  }
0x20c: {  	[tilespmem:s3], [sflag:$0x4] =	stream.linear.gather [hbm4b:s23+s5], $0x50, $0x38;
	[tilespmem:$0x1F200] =	vst v63  }
0x20d: {  	s6 =	sadd.s32 s6, s18  }
0x20e: {  	[tilespmem:s1], [sflag:$0x8] =	stream.linear.gather [hbm4b:s6+s5], $0x2800, $0x38;
	[tilespmem:$0x1F200] =	vst v63  }
0x20f: {  	s24 =	rddreg [dreg:$0xe];
	_ =	swait.ge [sflag:s11], $0x50  }
0x210: {  	[sflag:s11] =	ssyncset.done $0x0  }
0x211: {  	[sflag:s11] =	ssyncadd.s32 $0xFFFFFFB0  }
0x212: {  	_ =	swait.ge [sflag:s12], $0x2800  }
0x213: {  	[sflag:s12] =	ssyncset.done $0x0  }
0x214: {  	[sflag:s12] =	ssyncadd.s32 $0xFFFFD800  }
0x215: {  	[spmem:s4] =	stream.indirect.scatter.add.f32 [tilespmem:s10], [sflag:$0xA], $0x80, s9, s31, $0xb8;
	[tilespmem:$0x1F200] =	vst v63  }
0x216: {  	s23 =	smov.u32 s22;
	_ =	swait.ge [sflag:s13], $0x2800  }
0x217: {  	s23 =	simm.s32 @p2 $0x0;
	s6 =	rddreg [dreg:$0xc]  }
0x218: {  	s21 =	smov.u32 s8;
	s6 =	sadd.s32 s23, s6  }
0x219: {  	s22 =	smov.u32 s21;
	[sflag:s13] =	ssyncset.done $0x0;
	s21 =	sshrl.u32 s6, $0x3  }
0x21a: {  	[sflag:s13] =	ssyncadd.s32 $0xFFFFD800;
	s6 =	sshll.u32 s6, $0x4;
	s21 =	sadd.s32 s2, s21  }
0x21b: {  	[tilespmem:s5], [sflag:$0x1] =	stream.linear.gather [hbm4b:s21+s5], $0x50, $0x38;
	[tilespmem:$0x1F200] =	vst v63  }
0x21c: {  	s6 =	sadd.s32 s6, s18  }
0x21d: {  	[tilespmem:s25], [sflag:$0x5] =	stream.linear.gather [hbm4b:s6+s5], $0x2800, $0x38;
	[tilespmem:$0x1F200] =	vst v63  }
0x21e: {  	_ =	swait.ge [sflag:s14], $0x50  }
0x21f: {  	[sflag:s14] =	ssyncset.done $0x0  }
0x220: {  	[sflag:s14] =	ssyncadd.s32 $0xFFFFFFB0  }
0x221: {  	_ =	swait.ge [sflag:s16], $0x2800  }
0x222: {  	[sflag:s16] =	ssyncset.done $0x0  }
0x223: {  	[sflag:s16] =	ssyncadd.s32 $0xFFFFD800  }
0x224: {  	[spmem:s4] =	stream.indirect.scatter.add.f32 [tilespmem:s28], [sflag:$0xB], $0x80, s26, s31, $0xb8;
	[tilespmem:$0x1F200] =	vst v63  }
0x225: {  	_ =	swait.ge [sflag:s17], $0x2800  }
0x226: {  	s21 =	rddreg [dreg:$0xd]  }
0x227: {  	s6 =	sadd.s32 s23, s21  }
0x228: {  	s8 =	sadd.s32 $0x140, s8;
	[sflag:s17] =	ssyncset.done $0x0;
	s23 =	sshrl.u32 s6, $0x3  }
0x229: {  	[sflag:s17] =	ssyncadd.s32 $0xFFFFD800;
	s6 =	sshll.u32 s6, $0x4;
	s21 =	sadd.s32 s2, s23  }
0x22a: {  	[tilespmem:s9], [sflag:$0x2] =	stream.linear.gather [hbm4b:s21+s5], $0x50, $0x38;
	[tilespmem:$0x1F200] =	vst v63  }
0x22b: {  	p1 =	sne.s32 s8, $0x12C0;
	s6 =	sadd.s32 s6, s18  }
0x22c: {  	[tilespmem:s10], [sflag:$0x6] =	stream.linear.gather [hbm4b:s6+s5], $0x2800, $0x38;
	[tilespmem:$0x1F200] =	vst v63  }
.Ltmp2:
0x22d: {  	_ =	swait.ge [sflag:s19], $0x50;
	(pc) =	sbr.rel @p1 .LBB2_6-.Ltmp2, $4  }
0x22e: {  	[sflag:s19] =	ssyncset.done $0x0  }
0x22f: {  	[sflag:s19] =	ssyncadd.s32 $0xFFFFFFB0  }
0x230: {  	_ =	swait.ge [sflag:s20], $0x2800  }
0x231: {  	p2 =	seq.s32 s22, $0x0;
	[sflag:s20] =	ssyncset.done $0x0  }
0x232: {  	s6 =	simm.s32 @!p2 $0xB;
	[sflag:s20] =	ssyncadd.s32 $0xFFFFD800  }
0x233: {  	[spmem:s4] =	stream.indirect.scatter.add.f32 [tilespmem:s1], [sflag:$0xC], $0x80, s3, s31, $0xb8;
	[tilespmem:$0x1F200] =	vst v63  }
0x234: {  	s21 =	sadd.s32 @!p2 s22, s24;
	_ =	swait.ge @!p2 [sflag:s6], $0x2800  }
0x235: {  	s23 =	sadd.s32 @!p2 $0xA0, s21;
	s8 =	rddreg [dreg:$0xa]  }
0x236: {  	s23 =	smov.u32 @p2 s8  }
0x237: {  	[sflag:s6] =	ssyncset.done @!p2 $0x0;
	s8 =	sshrl.u32 s23, $0x3  }
0x238: {  	[sflag:s6] =	ssyncadd.s32 @!p2 $0xFFFFD800;
	s23 =	sshll.u32 s23, $0x4;
	s8 =	sadd.s32 s2, s8  }
0x239: {  	[tilespmem:s26], [sflag:$0x3] =	stream.linear.gather [hbm4b:s8+s5], $0x50, $0x38;
	[tilespmem:$0x1F200] =	vst v63  }
0x23a: {  	s6 =	sadd.s32 s23, s18  }
0x23b: {  	[tilespmem:s28], [sflag:$0x7] =	stream.linear.gather [hbm4b:s6+s5], $0x2800, $0x38;
	[tilespmem:$0x1F200] =	vst v63  }
0x23c: {  	_ =	swait.ge [sflag:s29], $0x50  }
0x23d: {  	[sflag:s29] =	ssyncset.done $0x0  }
0x23e: {  	[sflag:s29] =	ssyncadd.s32 $0xFFFFFFB0  }
0x23f: {  	_ =	swait.ge [sflag:s30], $0x2800  }
0x240: {  	[sflag:s30] =	ssyncset.done $0x0  }
0x241: {  	s6 =	simm.s32 @!p2 $0xC;
	[sflag:s30] =	ssyncadd.s32 $0xFFFFD800  }
0x242: {  	[spmem:s4] =	stream.indirect.scatter.add.f32 [tilespmem:s25], [sflag:$0x9], $0x80, s5, s31, $0xb8;
	[tilespmem:$0x1F200] =	vst v63  }
0x243: {  	_ =	swait.ge @!p2 [sflag:s6], $0x2800  }
0x244: {  	s21 =	sadd.s32 @!p2 $0xF0, s21;
	s8 =	rddreg [dreg:$0xb]  }
0x245: {  	s21 =	smov.u32 @p2 s8  }
0x246: {  	[sflag:s6] =	ssyncset.done @!p2 $0x0;
	s8 =	sshrl.u32 s21, $0x3  }
0x247: {  	[sflag:s6] =	ssyncadd.s32 @!p2 $0xFFFFD800;
	s24 =	sshll.u32 s21, $0x4;
	s8 =	sadd.s32 s2, s8  }
0x248: {  	[tilespmem:s3], [sflag:$0x4] =	stream.linear.gather [hbm4b:s8+s5], $0x50, $0x38;
	[tilespmem:$0x1F200] =	vst v63  }
0x249: {  	s6 =	sadd.s32 s24, s18  }
0x24a: {  	[tilespmem:s1], [sflag:$0x8] =	stream.linear.gather [hbm4b:s6+s5], $0x2800, $0x38;
	[tilespmem:$0x1F200] =	vst v63  }
0x24b: {  	_ =	swait.ge [sflag:s11], $0x50  }
0x24c: {  	[sflag:s11] =	ssyncset.done $0x0  }
0x24d: {  	[sflag:s11] =	ssyncadd.s32 $0xFFFFFFB0  }
0x24e: {  	_ =	swait.ge [sflag:s12], $0x2800  }
0x24f: {  	[sflag:s12] =	ssyncset.done $0x0  }
0x250: {  	[sflag:s12] =	ssyncadd.s32 $0xFFFFD800  }
0x251: {  	[spmem:s4] =	stream.indirect.scatter.add.f32 [tilespmem:s10], [sflag:$0xA], $0x80, s9, s31, $0xb8;
	[tilespmem:$0x1F200] =	vst v63  }
0x252: {  	_ =	swait.ge [sflag:s13], $0x2800  }
0x253: {  	s22 =	simm.s32 @p2 $0x0;
	s8 =	rddreg [dreg:$0xc]  }
0x254: {  	s6 =	sadd.s32 s22, s8  }
0x255: {  	[sflag:s13] =	ssyncset.done $0x0;
	s21 =	sshrl.u32 s6, $0x3  }
0x256: {  	[sflag:s13] =	ssyncadd.s32 $0xFFFFD800;
	s6 =	sshll.u32 s6, $0x4;
	s8 =	sadd.s32 s2, s21  }
0x257: {  	[tilespmem:s5], [sflag:$0x1] =	stream.linear.gather [hbm4b:s8+s5], $0x50, $0x38;
	[tilespmem:$0x1F200] =	vst v63  }
0x258: {  	s6 =	sadd.s32 s6, s18  }
0x259: {  	[tilespmem:s25], [sflag:$0x5] =	stream.linear.gather [hbm4b:s6+s5], $0x2800, $0x38;
	[tilespmem:$0x1F200] =	vst v63  }
0x25a: {  	_ =	swait.ge [sflag:s14], $0x50  }
0x25b: {  	[sflag:s14] =	ssyncset.done $0x0  }
0x25c: {  	[sflag:s14] =	ssyncadd.s32 $0xFFFFFFB0  }
0x25d: {  	_ =	swait.ge [sflag:s16], $0x2800  }
0x25e: {  	[sflag:s16] =	ssyncset.done $0x0  }
0x25f: {  	[sflag:s16] =	ssyncadd.s32 $0xFFFFD800  }
0x260: {  	[spmem:s4] =	stream.indirect.scatter.add.f32 [tilespmem:s28], [sflag:$0xB], $0x80, s26, s31, $0xb8;
	[tilespmem:$0x1F200] =	vst v63  }
0x261: {  	_ =	swait.ge [sflag:s17], $0x2800  }
0x262: {  	s23 =	rddreg [dreg:$0xd]  }
0x263: {  	s6 =	sadd.s32 s22, s23  }
0x264: {  	[sflag:s17] =	ssyncset.done $0x0;
	s24 =	sshrl.u32 s6, $0x3  }
0x265: {  	[sflag:s17] =	ssyncadd.s32 $0xFFFFD800;
	s6 =	sshll.u32 s6, $0x4;
	s8 =	sadd.s32 s2, s24  }
0x266: {  	[tilespmem:s9], [sflag:$0x2] =	stream.linear.gather [hbm4b:s8+s5], $0x50, $0x38;
	[tilespmem:$0x1F200] =	vst v63  }
0x267: {  	s6 =	sadd.s32 s6, s18  }
0x268: {  	[tilespmem:s10], [sflag:$0x6] =	stream.linear.gather [hbm4b:s6+s5], $0x2800, $0x38;
	[tilespmem:$0x1F200] =	vst v63  }
0x269: {  	_ =	swait.ge [sflag:s19], $0x50  }
0x26a: {  	[sflag:s19] =	ssyncset.done $0x0  }
0x26b: {  	[sflag:s19] =	ssyncadd.s32 $0xFFFFFFB0  }
0x26c: {  	_ =	swait.ge [sflag:s20], $0x2800  }
0x26d: {  	[sflag:s20] =	ssyncset.done $0x0  }
0x26e: {  	s8 =	simm.s32 $0xB;
	[sflag:s20] =	ssyncadd.s32 $0xFFFFD800  }
0x26f: {  	[spmem:s4] =	stream.indirect.scatter.add.f32 [tilespmem:s1], [sflag:$0xC], $0x80, s3, s31, $0xb8;
	[tilespmem:$0x1F200] =	vst v63  }
0x270: {  	_ =	swait.ge [sflag:s8], $0x2800  }
0x271: {  	[sflag:s8] =	ssyncset.done $0x0  }
0x272: {  	[sflag:s8] =	ssyncadd.s32 $0xFFFFD800  }
0x273: {  	_ =	swait.ge [sflag:s29], $0x50  }
0x274: {  	[sflag:s29] =	ssyncset.done $0x0  }
0x275: {  	[sflag:s29] =	ssyncadd.s32 $0xFFFFFFB0  }
0x276: {  	_ =	swait.ge [sflag:s30], $0x2800  }
0x277: {  	[sflag:s30] =	ssyncset.done $0x0  }
0x278: {  	s21 =	simm.s32 $0xC;
	[sflag:s30] =	ssyncadd.s32 $0xFFFFD800  }
0x279: {  	[spmem:s4] =	stream.indirect.scatter.add.f32 [tilespmem:s25], [sflag:$0x9], $0x80, s5, s31, $0xb8;
	[tilespmem:$0x1F200] =	vst v63  }
0x27a: {  	_ =	swait.ge [sflag:s21], $0x2800  }
0x27b: {  	[sflag:s21] =	ssyncset.done $0x0  }
0x27c: {  	[sflag:s21] =	ssyncadd.s32 $0xFFFFD800  }
0x27d: {  	_ =	swait.ge [sflag:s11], $0x50  }
0x27e: {  	[sflag:s11] =	ssyncset.done $0x0  }
0x27f: {  	[sflag:s11] =	ssyncadd.s32 $0xFFFFFFB0  }
0x280: {  	_ =	swait.ge [sflag:s12], $0x2800  }
0x281: {  	[sflag:s12] =	ssyncset.done $0x0  }
0x282: {  	[sflag:s12] =	ssyncadd.s32 $0xFFFFD800  }
0x283: {  	[spmem:s4] =	stream.indirect.scatter.add.f32 [tilespmem:s10], [sflag:$0xA], $0x80, s9, s31, $0xb8;
	[tilespmem:$0x1F200] =	vst v63  }
0x284: {  	_ =	swait.ge [sflag:s13], $0x2800  }
0x285: {  	[sflag:s13] =	ssyncset.done $0x0  }
0x286: {  	[sflag:s13] =	ssyncadd.s32 $0xFFFFD800  }
0x287: {  	_ =	swait.ge [sflag:s17], $0x2800  }
0x288: {  	[sflag:s17] =	ssyncset.done $0x0  }
0x289: {  	s6 =	simm.s32 @!p0 $0x0;
	s8 =	rddreg [dreg:$0x1c];
	[sflag:s17] =	ssyncadd.s32 $0xFFFFD800  }
0x28a: {  	[tilespmem:s6], [sflag:$0x1] =	stream.linear.gather @!p0 [hbm4b:s8+s6], $0x50, $0x38;
	[tilespmem:$0x1F200] =	vst v63  }
0x28b: {  	s21 =	rddreg [dreg:$0x1d];
	s8 =	simm.s32 @!p0 $0x200  }
0x28c: {  	[tilespmem:s8], [sflag:$0x5] =	stream.linear.gather @!p0 [hbm4b:s21+s6], $0x2800, $0x38;
	[tilespmem:$0x1F200] =	vst v63  }
0x28d: {  	s21 =	simm.s32 @!p0 $0x1  }
0x28e: {  	_ =	swait.ge @!p0 [sflag:s21], $0x50  }
0x28f: {  	[sflag:s21] =	ssyncset.done @!p0 $0x0  }
0x290: {  	[sflag:s21] =	ssyncadd.s32 @!p0 $0xFFFFFFB0;
	s21 =	simm.s32 @!p0 $0x5  }
0x291: {  	_ =	swait.ge @!p0 [sflag:s21], $0x2800  }
0x292: {  	[sflag:s21] =	ssyncset.done @!p0 $0x0  }
0x293: {  	[sflag:s21] =	ssyncadd.s32 @!p0 $0xFFFFD800;
	s21 =	simm.s32 @!p0 $0x50  }
0x294: {  	[spmem:s4] =	stream.indirect.scatter.add.f32 @!p0 [tilespmem:s8], [sflag:$0x9], $0x80, s6, s21, $0xb8;
	[tilespmem:$0x1F200] =	vst v63  }
0x295: {  	s6 =	simm.s32 @!p0 $0x9  }
0x296: {  	_ =	swait.ge @!p0 [sflag:s6], $0x2800  }
0x297: {  	[sflag:s6] =	ssyncset.done @!p0 $0x0  }
0x298: {  	[sflag:s6] =	ssyncadd.s32 @!p0 $0xFFFFD800  }
0x299: {  	[bflag:$0x0] =	sbarrier.arrive $0xFFFF  }
0x29a: {  	s23 =	sld [smem:$0x7EA]  }
0x29b: {  	s24 =	sld [smem:$0x7EB];
	_ =	sdelay $0x1  }
0x29c: {  	s22 =	rddreg [dreg:$0x1e]  }
0x29d: {  	[hbm:s22], [sflag:s23] =	dma.local [spmem:s24], $0x2800  }
0x29e: {  	s22 =	simm.s32 $0xD  }
0x29f: {  	_ =	swait.ge [sflag:s22], $0x2800  }
0x2a0: {  	s23 =	sld [smem:$0x7EC];
	_ =	sdelay $0x2  }
0x2a1: {  	s24 =	rddreg [dreg:$0x1f];
	s21 =	sadd.s32 $0x1, s23  }
0x2a2: {  	p1 =	sne.s32 s21, s24  }
.Ltmp3:
0x2a3: {  	_ = 	snop;
	(pc) =	sbr.rel @p1 .LBB2_1-.Ltmp3, $3  }
0x2a4: {  	_ =	sdelay $0x1  }
0x2a5: {  	[sflag:s22] =	ssyncset.done $0x0  }
0x2a6: {  	s6 =	rddreg [dreg:$0xf];
	[sflag:s22] =	ssyncadd.s32 $0xFFFFD800  }
0x2a7: {  	_ =	sfence.sel $0x180000  }
0x2a8: {  	[bflag:$0x0] =	sbarrier.arrive $0xFFFF  }
0x2a9: {  	_ =	strace $0x90000047  }
0x2aa: {  	s0 =	stileid.u32;
	[bflag:$0x2] =	sbarrier.arrive $0xFFFF  }
0x2ab: {  	p0 =	sne.s32 s0, $0x0;
	s0 =	rddreg [dreg:$0x5]  }
0x2ac: {  	s0 =	sadd.s32 @!p0 $0x100000, s0  }
0x2ad: {  	[sflag:s0] =	ssyncadd.tile.s32 @!p0 $0x1;
	_ =	shalt  }
.Lfunc_end2:
_tile_overlayer_lowered:
.L_overlay_start_2:
0x2ae: {  	(tag) =	ssettag $0x2  }
0x2af: {  	s0 =	rddreg [dreg:$0x0];
	s2 =	stileid.u32  }
0x2b0: {  	s1 =	rddreg [dreg:$0x1];
	p0 =	sne.s32 s2, $0x0  }
0x2b1: {  	s3 =	rddreg [dreg:$0x2];
	[bflag:$0x3] =	sbarrier.arrive $0xFFFF;
	s2 =	simm.s32 @!p0 $0x1C0D  }
0x2b2: {  	[timem:s3], [sflag:s2] =	dma.local @!p0 [hbm:s0], s1  }
0x2b3: {  	s0 =	simm.s32 @!p0 $0xD  }
0x2b4: {  	_ =	swait.ge @!p0 [sflag:s0], s1  }
0x2b5: {  	s1 =	ssub.s32 @!p0 $0x0, s1;
	[sflag:s0] =	ssyncset.done @!p0 $0x0  }
0x2b6: {  	[sflag:s0] =	ssyncadd.s32 @!p0 s1  }
0x2b7: {  	[bflag:$0x3] =	sbarrier.arrive $0xFFFF  }
0x2b8: {  	_ =	shalt  }

</sc_bundles>
